<compile_context>
chip_gen: v7x
topology: tpu7x:2x2x1
jax: 0.10.2.dev20260603
libtpu: 0.0.44.dev20260713+nightly
codegen_flags: <defaults>
</compile_context>

<pallas_src>
import functools

import jax
import jax.numpy as jnp
from jax import lax
from jax.experimental import pallas as pl
from jax.experimental.pallas import tpu as pltpu
from jax.experimental.pallas import tpu_sc as plsc

N = 10000
E = 320000
D = 128
DEPTH = 4

NC = 2
NS = 16
NW = NC * NS
EPT = E // NW
C = 80
K = EPT // C
RPT = 624
REM = N - NS * RPT
ZR = 24

@functools.cache
def _mesh():
    return plsc.VectorSubcoreMesh(core_axis_name="c", subcore_axis_name="s",
                                  num_cores=NC, num_subcores=NS)


def _sc_agg(m, src, dst, zeros_nd):
    return pl.kernel(
        _sc_agg_body,
        out_type=jax.ShapeDtypeStruct((NC, N, D), jnp.float32),
        mesh=_mesh(),
        scratch_types=[
            pltpu.VMEM((K, C), jnp.int32),
            pltpu.VMEM((K, C), jnp.int32),
            pltpu.VMEM((C, D), jnp.float32),
            pltpu.VMEM_SHARED((N, D), jnp.float32),
            pltpu.SemaphoreType.DMA,
        ],
    )(m, src, dst, zeros_nd)


def _sc_agg_body(m_hbm, src_hbm, dst_hbm, z_hbm, out_hbm, src_v, dst_v, rows_v, acc, sem):
    c = lax.axis_index("c")
    s = lax.axis_index("s")
    w = c * NS + s
    base = pl.multiple_of(s * RPT, 8)

    pltpu.sync_copy(src_hbm.at[w], src_v)
    pltpu.sync_copy(dst_hbm.at[w], dst_v)

    pltpu.sync_copy(z_hbm.at[pl.ds(base, RPT)], acc.at[pl.ds(base, RPT)])

    @pl.when(s == 0)
    def _():
        pltpu.sync_copy(z_hbm.at[pl.ds(NS * RPT, REM)],
                        acc.at[pl.ds(NS * RPT, REM)])

    plsc.subcore_barrier()

    def body(j, _):
        pltpu.async_copy(m_hbm.at[src_v.at[j]], rows_v, sem).wait()
        pltpu.sync_copy(rows_v, acc.at[dst_v.at[j]], add=True)
        return 0

    lax.fori_loop(0, K, body, 0)
    plsc.subcore_barrier()
    pltpu.sync_copy(acc.at[pl.ds(base, RPT)], out_hbm.at[c, pl.ds(base, RPT)])

    @pl.when(s == 0)
    def _():
        pltpu.sync_copy(acc.at[pl.ds(NS * RPT, REM)],
                        out_hbm.at[c, pl.ds(NS * RPT, REM)])



BR = 1000
GR = N // BR

_w_spec = pl.BlockSpec((D, D), lambda i: (0, 0))
_v_spec = pl.BlockSpec((1, D), lambda i: (0, 0))
_h_spec = pl.BlockSpec((BR, D), lambda i: (i, 0))
_a_spec = pl.BlockSpec((NC, BR, D), lambda i: (0, i, 0))
_g_spec = pl.BlockSpec((NC, BR, D), lambda i: (0, i, 0))


def _tc0_body(x_ref, we_ref, be_ref, wn_ref, ws_ref, b1_ref, m_ref, s_ref):
    h = jnp.dot(x_ref[...], we_ref[...], preferred_element_type=jnp.float32)
    h = h + be_ref[...]
    m_ref[...] = jnp.dot(h, wn_ref[...], preferred_element_type=jnp.float32)
    s_ref[...] = h + jnp.dot(h, ws_ref[...], preferred_element_type=jnp.float32) + b1_ref[...]


_tc0 = pl.pallas_call(
    _tc0_body,
    grid=(GR,),
    in_specs=[_h_spec, _w_spec, _v_spec, _w_spec, _w_spec, _v_spec],
    out_specs=[_h_spec, _h_spec],
    out_shape=[jax.ShapeDtypeStruct((N, D), jnp.float32)] * 2,
)


def _finish_layer(s_ref, a_ref, dg_ref, sc_ref, bi_ref):
    a = a_ref[0] + a_ref[1]
    deg = dg_ref[0, :, 0:1] + dg_ref[1, :, 0:1]
    inv = 1.0 / jnp.maximum(deg, 1.0)
    t = s_ref[...] + a * inv
    mu = jnp.mean(t, axis=1, keepdims=True)
    var = jnp.mean((t - mu) * (t - mu), axis=1, keepdims=True)
    return (t - mu) * lax.rsqrt(var + 1e-5) * sc_ref[...] + bi_ref[...]


def _tcmid_body(s_ref, a_ref, dg_ref, sc_ref, bi_ref, wn_ref, ws_ref, bn_ref,
                m_ref, so_ref):
    hn = _finish_layer(s_ref, a_ref, dg_ref, sc_ref, bi_ref)
    m_ref[...] = jnp.dot(hn, wn_ref[...], preferred_element_type=jnp.float32)
    so_ref[...] = hn + jnp.dot(hn, ws_ref[...], preferred_element_type=jnp.float32) + bn_ref[...]


_tcmid = pl.pallas_call(
    _tcmid_body,
    grid=(GR,),
    in_specs=[_h_spec, _a_spec, _g_spec, _v_spec, _v_spec, _w_spec, _w_spec, _v_spec],
    out_specs=[_h_spec, _h_spec],
    out_shape=[jax.ShapeDtypeStruct((N, D), jnp.float32)] * 2,
)


def _tcfin_body(s_ref, a_ref, dg_ref, sc_ref, bi_ref, wo_ref, bo_ref, o_ref):
    hn = _finish_layer(s_ref, a_ref, dg_ref, sc_ref, bi_ref)
    o_ref[...] = jnp.dot(hn, wo_ref[...], preferred_element_type=jnp.float32) + bo_ref[...]


_tcfin = pl.pallas_call(
    _tcfin_body,
    grid=(GR,),
    in_specs=[_h_spec, _a_spec, _g_spec, _v_spec, _v_spec, _w_spec, _v_spec],
    out_specs=_h_spec,
    out_shape=jax.ShapeDtypeStruct((N, D), jnp.float32),
)


def kernel(x, edge_index, root_mask, W_embed, b_embed, W_self, W_neigh,
           b_layer, ln_scale, ln_bias, W_out, b_out):
    src = edge_index[0].reshape(NW, K, C)
    dst = edge_index[1].reshape(NW, K, C)
    zeros_nd = jnp.zeros((N, D), jnp.float32)
    ones_nd = jnp.ones((N, D), jnp.float32)

    degp = _sc_agg(ones_nd, src, dst, zeros_nd)

    m, s = _tc0(x, W_embed, b_embed.reshape(1, D), W_neigh[0], W_self[0],
                b_layer[0].reshape(1, D))
    out = None
    for i in range(DEPTH):
        agg = _sc_agg(m, src, dst, zeros_nd)
        sc_i = ln_scale[i].reshape(1, D)
        bi_i = ln_bias[i].reshape(1, D)
        if i < DEPTH - 1:
            m, s = _tcmid(s, agg, degp, sc_i, bi_i, W_neigh[i + 1],
                          W_self[i + 1], b_layer[i + 1].reshape(1, D))
        else:
            out = _tcfin(s, agg, degp, sc_i, bi_i, W_out, b_out.reshape(1, D))
    return out

# --- scband reference (transcript-rebuilt; emitter-appended) ---
"""Pipeline reference for scband-graph-model-72129680769248 (READ-ONLY COPY).

The authoritative reference and input builder live on the scoring server;
editing this copy changes nothing except your own understanding.
"""

import jax, jax.numpy as jnp
import numpy as np

N = 10000
E = 320000
D = 128
DEPTH = 4


def setup_inputs(seed: int = 0) -> dict:
    key = jax.random.key(seed)
    ks = jax.random.split(key, 16)
    x = jax.random.normal(ks[0], (N, D), dtype=jnp.float32)
    edge_index = jax.random.randint(ks[1], (2, E), 0, N, dtype=jnp.int32)
    root_mask = jnp.ones((N,), dtype=bool)
    s = 1.0 / np.sqrt(D)
    W_embed = jax.random.uniform(ks[2], (D, D), jnp.float32, -s, s)
    b_embed = jnp.zeros((D,), jnp.float32)
    W_self = jax.random.uniform(ks[3], (DEPTH, D, D), jnp.float32, -s, s)
    W_neigh = jax.random.uniform(ks[4], (DEPTH, D, D), jnp.float32, -s, s)
    b_layer = jnp.zeros((DEPTH, D), jnp.float32)
    ln_scale = jnp.ones((DEPTH, D), jnp.float32)
    ln_bias = jnp.zeros((DEPTH, D), jnp.float32)
    W_out = jax.random.uniform(ks[5], (D, D), jnp.float32, -s, s)
    b_out = jnp.zeros((D,), jnp.float32)
    return {"x": x, "edge_index": edge_index, "root_mask": root_mask,
            "W_embed": W_embed, "b_embed": b_embed, "W_self": W_self,
            "W_neigh": W_neigh, "b_layer": b_layer, "ln_scale": ln_scale,
            "ln_bias": ln_bias, "W_out": W_out, "b_out": b_out}


def _layernorm(h, scale, bias):
    mu = h.mean(-1, keepdims=True)
    var = h.var(-1, keepdims=True)
    return (h - mu) / jnp.sqrt(var + 1e-5) * scale + bias


def reference(x, edge_index, root_mask, W_embed, b_embed, W_self, W_neigh,
              b_layer, ln_scale, ln_bias, W_out, b_out):
    src = edge_index[0]
    dst = edge_index[1]
    # embed_label (Linear, single_graph task like Cora)
    h = x @ W_embed + b_embed
    deg = jax.ops.segment_sum(jnp.ones((E,), jnp.float32), dst, num_segments=N)
    deg = jnp.clip(deg, 1.0)[:, None]
    for i in range(DEPTH):
        # GraphConv-style message passing: gather src features, scatter-add to dst, mean-normalize
        agg = jax.ops.segment_sum(h[src], dst, num_segments=N) / deg
        new_h = h @ W_self[i] + agg @ W_neigh[i] + b_layer[i]
        h = h + new_h  # use_residual=True
        h = _layernorm(h, ln_scale[i], ln_bias[i])  # use_layer_norm=True
    out = h @ W_out + b_out
    idx = jnp.nonzero(root_mask, size=root_mask.shape[0])[0]
    return out[idx]

if __name__ == "__main__":
    import jax
    _d = setup_inputs()
    print(jax.jit(kernel)(*tuple(_d.values())))

</pallas_src>

<mosaic_0001>
#map = affine_map<(d0, d1) -> (0, 0)>
#map1 = affine_map<(d0, d1) -> (0, 0, 0)>
module attributes {stable_mosaic.version = 14 : i64} {
  func.func @_sc_agg_body(%arg0: i32, %arg1: i32, %arg2: memref<10000x128xf32, #tpu.memory_space<hbm>>, %arg3: memref<32x125x80xi32, #tpu.memory_space<hbm>>, %arg4: memref<32x125x80xi32, #tpu.memory_space<hbm>>, %arg5: memref<10000x128xf32, #tpu.memory_space<hbm>>, %arg6: memref<2x10000x128xf32, #tpu.memory_space<hbm>>, %arg7: memref<125x80xi32, #tpu.memory_space<vmem>>, %arg8: memref<125x80xi32, #tpu.memory_space<vmem>>, %arg9: memref<80x128xf32, #tpu.memory_space<vmem>>, %arg10: memref<10000x128xf32, #tpu.memory_space<vmem_shared>>, %arg11: memref<!tpu.dma_semaphore, #tpu.memory_space<semaphore_mem>>) attributes {dimension_semantics = [#tpu.dimension_semantics<core_parallel>, #tpu.dimension_semantics<subcore_parallel>], iteration_bounds = array<i64: 2, 16>, scalar_prefetch = 0 : i64, scratch_operands = 5 : i64, tpu.core_type = #tpu.core_type<sc_vector_subcore>, window_params = [{transform_indices = #map}, {transform_indices = #map1}, {transform_indices = #map1}, {transform_indices = #map}, {transform_indices = #map1}]} {
    %mul3A = arith.constant 16 : i32
    %mul3A_0 = arith.muli %arg0, %mul3A : i32
    %add3A = arith.addi %mul3A_0, %arg1 : i32
    %mul3A_1 = arith.constant 624 : i32
    %mul3A_2 = arith.muli %arg1, %mul3A_1 : i32
    %multiple_of3A = tpu.assume_multiple %mul3A_2, 8 : i32
    "tpu.region"() ({
      %run_scoped3A = tpu.sem_alloc : memref<!tpu.dma_semaphore, #tpu.memory_space<semaphore_mem>>
      %dma_start3A = arith.constant 0 : i32
      %dma_start3A_17 = arith.constant 0 : i32
      %dma_start3A_18 = tpu.memref_slice %arg3[%add3A, %dma_start3A, %dma_start3A_17] : memref<32x125x80xi32, #tpu.memory_space<hbm>> -> memref<1x125x80xi32, #tpu.memory_space<hbm>>
      %dma_start3A_19 = tpu.memref_squeeze %dma_start3A_18 : memref<1x125x80xi32, #tpu.memory_space<hbm>> -> memref<125x80xi32, #tpu.memory_space<hbm>>
      %dma_start3A_20 = arith.constant 0 : i32
      %dma_start3A_21 = arith.constant 0 : i32
      %dma_start3A_22 = tpu.memref_slice %arg3[%add3A, %dma_start3A_20, %dma_start3A_21] : memref<32x125x80xi32, #tpu.memory_space<hbm>> -> memref<1x125x80xi32, #tpu.memory_space<hbm>>
      %dma_start3A_23 = tpu.memref_squeeze %dma_start3A_22 : memref<1x125x80xi32, #tpu.memory_space<hbm>> -> memref<125x80xi32, #tpu.memory_space<hbm>>
      tpu.enqueue_dma source(%dma_start3A_23 : memref<125x80xi32, #tpu.memory_space<hbm>>) target(%arg7 : memref<125x80xi32, #tpu.memory_space<vmem>>) target_semaphore(%run_scoped3A : memref<!tpu.dma_semaphore, #tpu.memory_space<semaphore_mem>>)
      %dma_wait3A = arith.constant 0 : i32
      %dma_wait3A_24 = arith.constant 0 : i32
      %dma_wait3A_25 = tpu.memref_slice %arg3[%add3A, %dma_wait3A, %dma_wait3A_24] : memref<32x125x80xi32, #tpu.memory_space<hbm>> -> memref<1x125x80xi32, #tpu.memory_space<hbm>>
      %dma_wait3A_26 = tpu.memref_squeeze %dma_wait3A_25 : memref<1x125x80xi32, #tpu.memory_space<hbm>> -> memref<125x80xi32, #tpu.memory_space<hbm>>
      %dma_wait3A_27 = arith.constant 0 : i32
      %dma_wait3A_28 = arith.constant 0 : i32
      %dma_wait3A_29 = tpu.memref_slice %arg3[%add3A, %dma_wait3A_27, %dma_wait3A_28] : memref<32x125x80xi32, #tpu.memory_space<hbm>> -> memref<1x125x80xi32, #tpu.memory_space<hbm>>
      %dma_wait3A_30 = tpu.memref_squeeze %dma_wait3A_29 : memref<1x125x80xi32, #tpu.memory_space<hbm>> -> memref<125x80xi32, #tpu.memory_space<hbm>>
      tpu.wait_dma2 semaphore(%run_scoped3A : memref<!tpu.dma_semaphore, #tpu.memory_space<semaphore_mem>>) src(%dma_wait3A_30 : memref<125x80xi32, #tpu.memory_space<hbm>>) dst(%arg7 : memref<125x80xi32, #tpu.memory_space<vmem>>)
      tpu.yield
    }) : () -> ()
    "tpu.region"() ({
      %run_scoped3A = tpu.sem_alloc : memref<!tpu.dma_semaphore, #tpu.memory_space<semaphore_mem>>
      %dma_start3A = arith.constant 0 : i32
      %dma_start3A_17 = arith.constant 0 : i32
      %dma_start3A_18 = tpu.memref_slice %arg4[%add3A, %dma_start3A, %dma_start3A_17] : memref<32x125x80xi32, #tpu.memory_space<hbm>> -> memref<1x125x80xi32, #tpu.memory_space<hbm>>
      %dma_start3A_19 = tpu.memref_squeeze %dma_start3A_18 : memref<1x125x80xi32, #tpu.memory_space<hbm>> -> memref<125x80xi32, #tpu.memory_space<hbm>>
      %dma_start3A_20 = arith.constant 0 : i32
      %dma_start3A_21 = arith.constant 0 : i32
      %dma_start3A_22 = tpu.memref_slice %arg4[%add3A, %dma_start3A_20, %dma_start3A_21] : memref<32x125x80xi32, #tpu.memory_space<hbm>> -> memref<1x125x80xi32, #tpu.memory_space<hbm>>
      %dma_start3A_23 = tpu.memref_squeeze %dma_start3A_22 : memref<1x125x80xi32, #tpu.memory_space<hbm>> -> memref<125x80xi32, #tpu.memory_space<hbm>>
      tpu.enqueue_dma source(%dma_start3A_23 : memref<125x80xi32, #tpu.memory_space<hbm>>) target(%arg8 : memref<125x80xi32, #tpu.memory_space<vmem>>) target_semaphore(%run_scoped3A : memref<!tpu.dma_semaphore, #tpu.memory_space<semaphore_mem>>)
      %dma_wait3A = arith.constant 0 : i32
      %dma_wait3A_24 = arith.constant 0 : i32
      %dma_wait3A_25 = tpu.memref_slice %arg4[%add3A, %dma_wait3A, %dma_wait3A_24] : memref<32x125x80xi32, #tpu.memory_space<hbm>> -> memref<1x125x80xi32, #tpu.memory_space<hbm>>
      %dma_wait3A_26 = tpu.memref_squeeze %dma_wait3A_25 : memref<1x125x80xi32, #tpu.memory_space<hbm>> -> memref<125x80xi32, #tpu.memory_space<hbm>>
      %dma_wait3A_27 = arith.constant 0 : i32
      %dma_wait3A_28 = arith.constant 0 : i32
      %dma_wait3A_29 = tpu.memref_slice %arg4[%add3A, %dma_wait3A_27, %dma_wait3A_28] : memref<32x125x80xi32, #tpu.memory_space<hbm>> -> memref<1x125x80xi32, #tpu.memory_space<hbm>>
      %dma_wait3A_30 = tpu.memref_squeeze %dma_wait3A_29 : memref<1x125x80xi32, #tpu.memory_space<hbm>> -> memref<125x80xi32, #tpu.memory_space<hbm>>
      tpu.wait_dma2 semaphore(%run_scoped3A : memref<!tpu.dma_semaphore, #tpu.memory_space<semaphore_mem>>) src(%dma_wait3A_30 : memref<125x80xi32, #tpu.memory_space<hbm>>) dst(%arg8 : memref<125x80xi32, #tpu.memory_space<vmem>>)
      tpu.yield
    }) : () -> ()
    "tpu.region"() ({
      %run_scoped3A = tpu.sem_alloc : memref<!tpu.dma_semaphore, #tpu.memory_space<semaphore_mem>>
      %dma_start3A = arith.constant 0 : i32
      %dma_start3A_17 = tpu.memref_slice %arg10[%multiple_of3A, %dma_start3A] : memref<10000x128xf32, #tpu.memory_space<vmem_shared>> -> memref<624x128xf32, #tpu.memory_space<vmem_shared>>
      %dma_start3A_18 = arith.constant 0 : i32
      %dma_start3A_19 = tpu.memref_slice %arg5[%multiple_of3A, %dma_start3A_18] : memref<10000x128xf32, #tpu.memory_space<hbm>> -> memref<624x128xf32, #tpu.memory_space<hbm>>
      tpu.enqueue_dma source(%dma_start3A_19 : memref<624x128xf32, #tpu.memory_space<hbm>>) target(%dma_start3A_17 : memref<624x128xf32, #tpu.memory_space<vmem_shared>>) target_semaphore(%run_scoped3A : memref<!tpu.dma_semaphore, #tpu.memory_space<semaphore_mem>>)
      %dma_wait3A = arith.constant 0 : i32
      %dma_wait3A_20 = tpu.memref_slice %arg10[%multiple_of3A, %dma_wait3A] : memref<10000x128xf32, #tpu.memory_space<vmem_shared>> -> memref<624x128xf32, #tpu.memory_space<vmem_shared>>
      %dma_wait3A_21 = arith.constant 0 : i32
      %dma_wait3A_22 = tpu.memref_slice %arg5[%multiple_of3A, %dma_wait3A_21] : memref<10000x128xf32, #tpu.memory_space<hbm>> -> memref<624x128xf32, #tpu.memory_space<hbm>>
      tpu.wait_dma2 semaphore(%run_scoped3A : memref<!tpu.dma_semaphore, #tpu.memory_space<semaphore_mem>>) src(%dma_wait3A_22 : memref<624x128xf32, #tpu.memory_space<hbm>>) dst(%dma_wait3A_20 : memref<624x128xf32, #tpu.memory_space<vmem_shared>>)
      tpu.yield
    }) : () -> ()
    %eq3A = arith.constant 0 : i32
    %eq3A_3 = arith.cmpi eq, %arg1, %eq3A : i32
    %convert_element_type3A = arith.extui %eq3A_3 : i1 to i32
    %cond3A = arith.constant 0 : i32
    %cond3A_4 = arith.cmpi ne, %convert_element_type3A, %cond3A : i32
    scf.if %cond3A_4 {
      "tpu.region"() ({
        %run_scoped3A = tpu.sem_alloc : memref<!tpu.dma_semaphore, #tpu.memory_space<semaphore_mem>>
        %dma_start3A = arith.constant 9984 : i32
        %dma_start3A_17 = arith.constant 0 : i32
        %dma_start3A_18 = tpu.memref_slice %arg10[%dma_start3A, %dma_start3A_17] : memref<10000x128xf32, #tpu.memory_space<vmem_shared>> -> memref<16x128xf32, #tpu.memory_space<vmem_shared>>
        %dma_start3A_19 = arith.constant 9984 : i32
        %dma_start3A_20 = arith.constant 0 : i32
        %dma_start3A_21 = tpu.memref_slice %arg5[%dma_start3A_19, %dma_start3A_20] : memref<10000x128xf32, #tpu.memory_space<hbm>> -> memref<16x128xf32, #tpu.memory_space<hbm>>
        tpu.enqueue_dma source(%dma_start3A_21 : memref<16x128xf32, #tpu.memory_space<hbm>>) target(%dma_start3A_18 : memref<16x128xf32, #tpu.memory_space<vmem_shared>>) target_semaphore(%run_scoped3A : memref<!tpu.dma_semaphore, #tpu.memory_space<semaphore_mem>>)
        %dma_wait3A = arith.constant 9984 : i32
        %dma_wait3A_22 = arith.constant 0 : i32
        %dma_wait3A_23 = tpu.memref_slice %arg10[%dma_wait3A, %dma_wait3A_22] : memref<10000x128xf32, #tpu.memory_space<vmem_shared>> -> memref<16x128xf32, #tpu.memory_space<vmem_shared>>
        %dma_wait3A_24 = arith.constant 9984 : i32
        %dma_wait3A_25 = arith.constant 0 : i32
        %dma_wait3A_26 = tpu.memref_slice %arg5[%dma_wait3A_24, %dma_wait3A_25] : memref<10000x128xf32, #tpu.memory_space<hbm>> -> memref<16x128xf32, #tpu.memory_space<hbm>>
        tpu.wait_dma2 semaphore(%run_scoped3A : memref<!tpu.dma_semaphore, #tpu.memory_space<semaphore_mem>>) src(%dma_wait3A_26 : memref<16x128xf32, #tpu.memory_space<hbm>>) dst(%dma_wait3A_23 : memref<16x128xf32, #tpu.memory_space<vmem_shared>>)
        tpu.yield
      }) : () -> ()
    } else {
    }
    %barrier3A = arith.constant 0 : index
    tpu.barrier barrier_id(%barrier3A)
    %scan3A = arith.constant 0 : i32
    %scan3A_5 = arith.constant 0 : i32
    %scan3A_6 = arith.constant 125 : i32
    %scan3A_7 = arith.addi %scan3A_5, %scan3A_6 : i32
    %scan3A_8 = arith.constant 1 : i32
    %scan3A_9 = scf.for %scan3A_17 = %scan3A_5 to %scan3A_7 step %scan3A_8 iter_args(%scan3A_18 = %scan3A) -> (i32)  : i32 {
      %dma_start3A = arith.constant 0 : i32
      %dma_start3A_19 = tpu.memref_slice %arg7[%scan3A_17, %dma_start3A] : memref<125x80xi32, #tpu.memory_space<vmem>> -> memref<1x80xi32, #tpu.memory_space<vmem>>
      %dma_start3A_20 = tpu.memref_squeeze %dma_start3A_19 : memref<1x80xi32, #tpu.memory_space<vmem>> -> memref<80xi32, #tpu.memory_space<vmem>>
      %dma_start3A_21 = arith.constant 0 : i32
      %dma_start3A_22 = arith.constant 0 : i32
      %dma_start3A_23 = tpu.memref_slice %arg2[%dma_start3A_21, %dma_start3A_22] : memref<10000x128xf32, #tpu.memory_space<hbm>> -> memref<10000x128xf32, #tpu.memory_space<hbm>>
      tpu.enqueue_indirect_dma source(%dma_start3A_23 : memref<10000x128xf32, #tpu.memory_space<hbm>>) target(%arg9 : memref<80x128xf32, #tpu.memory_space<vmem>>) offsets(%dma_start3A_20 : memref<80xi32, #tpu.memory_space<vmem>>) semaphore(%arg11 : memref<!tpu.dma_semaphore, #tpu.memory_space<semaphore_mem>>)
      %dma_wait3A = arith.constant 0 : i32
      %dma_wait3A_24 = tpu.memref_slice %arg7[%scan3A_17, %dma_wait3A] : memref<125x80xi32, #tpu.memory_space<vmem>> -> memref<1x80xi32, #tpu.memory_space<vmem>>
      %dma_wait3A_25 = tpu.memref_squeeze %dma_wait3A_24 : memref<1x80xi32, #tpu.memory_space<vmem>> -> memref<80xi32, #tpu.memory_space<vmem>>
      %dma_wait3A_26 = arith.constant 0 : i32
      %dma_wait3A_27 = arith.constant 0 : i32
      %dma_wait3A_28 = tpu.memref_slice %arg2[%dma_wait3A_26, %dma_wait3A_27] : memref<10000x128xf32, #tpu.memory_space<hbm>> -> memref<10000x128xf32, #tpu.memory_space<hbm>>
      tpu.wait_indirect_dma semaphore(%arg11 : memref<!tpu.dma_semaphore, #tpu.memory_space<semaphore_mem>>) src(%dma_wait3A_28 : memref<10000x128xf32, #tpu.memory_space<hbm>>) dst(%arg9 : memref<80x128xf32, #tpu.memory_space<vmem>>)
      "tpu.region"() ({
        %run_scoped3A = tpu.sem_alloc : memref<!tpu.dma_semaphore, #tpu.memory_space<semaphore_mem>>
        %dma_start3A_30 = arith.constant 0 : i32
        %dma_start3A_31 = tpu.memref_slice %arg8[%scan3A_17, %dma_start3A_30] : memref<125x80xi32, #tpu.memory_space<vmem>> -> memref<1x80xi32, #tpu.memory_space<vmem>>
        %dma_start3A_32 = tpu.memref_squeeze %dma_start3A_31 : memref<1x80xi32, #tpu.memory_space<vmem>> -> memref<80xi32, #tpu.memory_space<vmem>>
        %dma_start3A_33 = arith.constant 0 : i32
        %dma_start3A_34 = arith.constant 0 : i32
        %dma_start3A_35 = tpu.memref_slice %arg10[%dma_start3A_33, %dma_start3A_34] : memref<10000x128xf32, #tpu.memory_space<vmem_shared>> -> memref<10000x128xf32, #tpu.memory_space<vmem_shared>>
        tpu.enqueue_indirect_dma source(%arg9 : memref<80x128xf32, #tpu.memory_space<vmem>>) target(%dma_start3A_35 : memref<10000x128xf32, #tpu.memory_space<vmem_shared>>) offsets(%dma_start3A_32 : memref<80xi32, #tpu.memory_space<vmem>>) semaphore(%run_scoped3A : memref<!tpu.dma_semaphore, #tpu.memory_space<semaphore_mem>>) {add = true}
        %dma_wait3A_36 = arith.constant 0 : i32
        %dma_wait3A_37 = tpu.memref_slice %arg8[%scan3A_17, %dma_wait3A_36] : memref<125x80xi32, #tpu.memory_space<vmem>> -> memref<1x80xi32, #tpu.memory_space<vmem>>
        %dma_wait3A_38 = tpu.memref_squeeze %dma_wait3A_37 : memref<1x80xi32, #tpu.memory_space<vmem>> -> memref<80xi32, #tpu.memory_space<vmem>>
        %dma_wait3A_39 = arith.constant 0 : i32
        %dma_wait3A_40 = arith.constant 0 : i32
        %dma_wait3A_41 = tpu.memref_slice %arg10[%dma_wait3A_39, %dma_wait3A_40] : memref<10000x128xf32, #tpu.memory_space<vmem_shared>> -> memref<10000x128xf32, #tpu.memory_space<vmem_shared>>
        tpu.wait_indirect_dma semaphore(%run_scoped3A : memref<!tpu.dma_semaphore, #tpu.memory_space<semaphore_mem>>) src(%arg9 : memref<80x128xf32, #tpu.memory_space<vmem>>) dst(%dma_wait3A_41 : memref<10000x128xf32, #tpu.memory_space<vmem_shared>>)
        tpu.yield
      }) : () -> ()
      %scan3A_29 = arith.constant 0 : i32
      scf.yield %scan3A_29 : i32
    }
    %scan3A_10 = arith.constant 125 : i32
    %barrier3A_11 = arith.constant 0 : index
    tpu.barrier barrier_id(%barrier3A_11)
    "tpu.region"() ({
      %run_scoped3A = tpu.sem_alloc : memref<!tpu.dma_semaphore, #tpu.memory_space<semaphore_mem>>
      %dma_start3A = arith.constant 0 : i32
      %dma_start3A_17 = tpu.memref_slice %arg6[%arg0, %multiple_of3A, %dma_start3A] : memref<2x10000x128xf32, #tpu.memory_space<hbm>> -> memref<1x624x128xf32, #tpu.memory_space<hbm>>
      %dma_start3A_18 = tpu.memref_squeeze %dma_start3A_17 : memref<1x624x128xf32, #tpu.memory_space<hbm>> -> memref<624x128xf32, #tpu.memory_space<hbm>>
      %dma_start3A_19 = arith.constant 0 : i32
      %dma_start3A_20 = tpu.memref_slice %arg10[%multiple_of3A, %dma_start3A_19] : memref<10000x128xf32, #tpu.memory_space<vmem_shared>> -> memref<624x128xf32, #tpu.memory_space<vmem_shared>>
      tpu.enqueue_dma source(%dma_start3A_20 : memref<624x128xf32, #tpu.memory_space<vmem_shared>>) target(%dma_start3A_18 : memref<624x128xf32, #tpu.memory_space<hbm>>) target_semaphore(%run_scoped3A : memref<!tpu.dma_semaphore, #tpu.memory_space<semaphore_mem>>)
      %dma_wait3A = arith.constant 0 : i32
      %dma_wait3A_21 = tpu.memref_slice %arg6[%arg0, %multiple_of3A, %dma_wait3A] : memref<2x10000x128xf32, #tpu.memory_space<hbm>> -> memref<1x624x128xf32, #tpu.memory_space<hbm>>
      %dma_wait3A_22 = tpu.memref_squeeze %dma_wait3A_21 : memref<1x624x128xf32, #tpu.memory_space<hbm>> -> memref<624x128xf32, #tpu.memory_space<hbm>>
      %dma_wait3A_23 = arith.constant 0 : i32
      %dma_wait3A_24 = tpu.memref_slice %arg10[%multiple_of3A, %dma_wait3A_23] : memref<10000x128xf32, #tpu.memory_space<vmem_shared>> -> memref<624x128xf32, #tpu.memory_space<vmem_shared>>
      tpu.wait_dma2 semaphore(%run_scoped3A : memref<!tpu.dma_semaphore, #tpu.memory_space<semaphore_mem>>) src(%dma_wait3A_24 : memref<624x128xf32, #tpu.memory_space<vmem_shared>>) dst(%dma_wait3A_22 : memref<624x128xf32, #tpu.memory_space<hbm>>)
      tpu.yield
    }) : () -> ()
    %eq3A_12 = arith.constant 0 : i32
    %eq3A_13 = arith.cmpi eq, %arg1, %eq3A_12 : i32
    %convert_element_type3A_14 = arith.extui %eq3A_13 : i1 to i32
    %cond3A_15 = arith.constant 0 : i32
    %cond3A_16 = arith.cmpi ne, %convert_element_type3A_14, %cond3A_15 : i32
    scf.if %cond3A_16 {
      "tpu.region"() ({
        %run_scoped3A = tpu.sem_alloc : memref<!tpu.dma_semaphore, #tpu.memory_space<semaphore_mem>>
        %dma_start3A = arith.constant 9984 : i32
        %dma_start3A_17 = arith.constant 0 : i32
        %dma_start3A_18 = tpu.memref_slice %arg6[%arg0, %dma_start3A, %dma_start3A_17] : memref<2x10000x128xf32, #tpu.memory_space<hbm>> -> memref<1x16x128xf32, #tpu.memory_space<hbm>>
        %dma_start3A_19 = tpu.memref_squeeze %dma_start3A_18 : memref<1x16x128xf32, #tpu.memory_space<hbm>> -> memref<16x128xf32, #tpu.memory_space<hbm>>
        %dma_start3A_20 = arith.constant 9984 : i32
        %dma_start3A_21 = arith.constant 0 : i32
        %dma_start3A_22 = tpu.memref_slice %arg10[%dma_start3A_20, %dma_start3A_21] : memref<10000x128xf32, #tpu.memory_space<vmem_shared>> -> memref<16x128xf32, #tpu.memory_space<vmem_shared>>
        tpu.enqueue_dma source(%dma_start3A_22 : memref<16x128xf32, #tpu.memory_space<vmem_shared>>) target(%dma_start3A_19 : memref<16x128xf32, #tpu.memory_space<hbm>>) target_semaphore(%run_scoped3A : memref<!tpu.dma_semaphore, #tpu.memory_space<semaphore_mem>>)
        %dma_wait3A = arith.constant 9984 : i32
        %dma_wait3A_23 = arith.constant 0 : i32
        %dma_wait3A_24 = tpu.memref_slice %arg6[%arg0, %dma_wait3A, %dma_wait3A_23] : memref<2x10000x128xf32, #tpu.memory_space<hbm>> -> memref<1x16x128xf32, #tpu.memory_space<hbm>>
        %dma_wait3A_25 = tpu.memref_squeeze %dma_wait3A_24 : memref<1x16x128xf32, #tpu.memory_space<hbm>> -> memref<16x128xf32, #tpu.memory_space<hbm>>
        %dma_wait3A_26 = arith.constant 9984 : i32
        %dma_wait3A_27 = arith.constant 0 : i32
        %dma_wait3A_28 = tpu.memref_slice %arg10[%dma_wait3A_26, %dma_wait3A_27] : memref<10000x128xf32, #tpu.memory_space<vmem_shared>> -> memref<16x128xf32, #tpu.memory_space<vmem_shared>>
        tpu.wait_dma2 semaphore(%run_scoped3A : memref<!tpu.dma_semaphore, #tpu.memory_space<semaphore_mem>>) src(%dma_wait3A_28 : memref<16x128xf32, #tpu.memory_space<vmem_shared>>) dst(%dma_wait3A_25 : memref<16x128xf32, #tpu.memory_space<hbm>>)
        tpu.yield
      }) : () -> ()
    } else {
    }
    return
  }
}

#map = affine_map<(d0, d1) -> (0, 0)>
#map1 = affine_map<(d0, d1) -> (0, 0, 0)>
module attributes {stable_mosaic.version = 14 : i64} {
  func.func @_sc_agg_body(%arg0: i32, %arg1: i32, %arg2: memref<10000x128xf32, #tpu.memory_space<hbm>>, %arg3: memref<32x125x80xi32, #tpu.memory_space<hbm>>, %arg4: memref<32x125x80xi32, #tpu.memory_space<hbm>>, %arg5: memref<10000x128xf32, #tpu.memory_space<hbm>>, %arg6: memref<2x10000x128xf32, #tpu.memory_space<hbm>>, %arg7: memref<125x80xi32, #tpu.memory_space<vmem>>, %arg8: memref<125x80xi32, #tpu.memory_space<vmem>>, %arg9: memref<80x128xf32, #tpu.memory_space<vmem>>, %arg10: memref<10000x128xf32, #tpu.memory_space<vmem_shared>>, %arg11: memref<!tpu.dma_semaphore, #tpu.memory_space<semaphore_mem>>) attributes {dimension_semantics = [#tpu.dimension_semantics<core_parallel>, #tpu.dimension_semantics<subcore_parallel>], iteration_bounds = array<i64: 2, 16>, scalar_prefetch = 0 : i64, scratch_operands = 5 : i64, tpu.core_type = #tpu.core_type<sc_vector_subcore>, window_params = [{transform_indices = #map}, {transform_indices = #map1}, {transform_indices = #map1}, {transform_indices = #map}, {transform_indices = #map1}]} {
    %mul3A = arith.constant 16 : i32
    %mul3A_0 = arith.muli %arg0, %mul3A : i32
    %add3A = arith.addi %mul3A_0, %arg1 : i32
    %mul3A_1 = arith.constant 624 : i32
    %mul3A_2 = arith.muli %arg1, %mul3A_1 : i32
    %multiple_of3A = tpu.assume_multiple %mul3A_2, 8 : i32
    "tpu.region"() ({
      %run_scoped3A = tpu.sem_alloc : memref<!tpu.dma_semaphore, #tpu.memory_space<semaphore_mem>>
      %dma_start3A = arith.constant 0 : i32
      %dma_start3A_17 = arith.constant 0 : i32
      %dma_start3A_18 = tpu.memref_slice %arg3[%add3A, %dma_start3A, %dma_start3A_17] : memref<32x125x80xi32, #tpu.memory_space<hbm>> -> memref<1x125x80xi32, #tpu.memory_space<hbm>>
      %dma_start3A_19 = tpu.memref_squeeze %dma_start3A_18 : memref<1x125x80xi32, #tpu.memory_space<hbm>> -> memref<125x80xi32, #tpu.memory_space<hbm>>
      %dma_start3A_20 = arith.constant 0 : i32
      %dma_start3A_21 = arith.constant 0 : i32
      %dma_start3A_22 = tpu.memref_slice %arg3[%add3A, %dma_start3A_20, %dma_start3A_21] : memref<32x125x80xi32, #tpu.memory_space<hbm>> -> memref<1x125x80xi32, #tpu.memory_space<hbm>>
      %dma_start3A_23 = tpu.memref_squeeze %dma_start3A_22 : memref<1x125x80xi32, #tpu.memory_space<hbm>> -> memref<125x80xi32, #tpu.memory_space<hbm>>
      tpu.enqueue_dma source(%dma_start3A_23 : memref<125x80xi32, #tpu.memory_space<hbm>>) target(%arg7 : memref<125x80xi32, #tpu.memory_space<vmem>>) target_semaphore(%run_scoped3A : memref<!tpu.dma_semaphore, #tpu.memory_space<semaphore_mem>>)
      %dma_wait3A = arith.constant 0 : i32
      %dma_wait3A_24 = arith.constant 0 : i32
      %dma_wait3A_25 = tpu.memref_slice %arg3[%add3A, %dma_wait3A, %dma_wait3A_24] : memref<32x125x80xi32, #tpu.memory_space<hbm>> -> memref<1x125x80xi32, #tpu.memory_space<hbm>>
      %dma_wait3A_26 = tpu.memref_squeeze %dma_wait3A_25 : memref<1x125x80xi32, #tpu.memory_space<hbm>> -> memref<125x80xi32, #tpu.memory_space<hbm>>
      %dma_wait3A_27 = arith.constant 0 : i32
      %dma_wait3A_28 = arith.constant 0 : i32
      %dma_wait3A_29 = tpu.memref_slice %arg3[%add3A, %dma_wait3A_27, %dma_wait3A_28] : memref<32x125x80xi32, #tpu.memory_space<hbm>> -> memref<1x125x80xi32, #tpu.memory_space<hbm>>
      %dma_wait3A_30 = tpu.memref_squeeze %dma_wait3A_29 : memref<1x125x80xi32, #tpu.memory_space<hbm>> -> memref<125x80xi32, #tpu.memory_space<hbm>>
      tpu.wait_dma2 semaphore(%run_scoped3A : memref<!tpu.dma_semaphore, #tpu.memory_space<semaphore_mem>>) src(%dma_wait3A_30 : memref<125x80xi32, #tpu.memory_space<hbm>>) dst(%arg7 : memref<125x80xi32, #tpu.memory_space<vmem>>)
      tpu.yield
    }) : () -> ()
    "tpu.region"() ({
      %run_scoped3A = tpu.sem_alloc : memref<!tpu.dma_semaphore, #tpu.memory_space<semaphore_mem>>
      %dma_start3A = arith.constant 0 : i32
      %dma_start3A_17 = arith.constant 0 : i32
      %dma_start3A_18 = tpu.memref_slice %arg4[%add3A, %dma_start3A, %dma_start3A_17] : memref<32x125x80xi32, #tpu.memory_space<hbm>> -> memref<1x125x80xi32, #tpu.memory_space<hbm>>
      %dma_start3A_19 = tpu.memref_squeeze %dma_start3A_18 : memref<1x125x80xi32, #tpu.memory_space<hbm>> -> memref<125x80xi32, #tpu.memory_space<hbm>>
      %dma_start3A_20 = arith.constant 0 : i32
      %dma_start3A_21 = arith.constant 0 : i32
      %dma_start3A_22 = tpu.memref_slice %arg4[%add3A, %dma_start3A_20, %dma_start3A_21] : memref<32x125x80xi32, #tpu.memory_space<hbm>> -> memref<1x125x80xi32, #tpu.memory_space<hbm>>
      %dma_start3A_23 = tpu.memref_squeeze %dma_start3A_22 : memref<1x125x80xi32, #tpu.memory_space<hbm>> -> memref<125x80xi32, #tpu.memory_space<hbm>>
      tpu.enqueue_dma source(%dma_start3A_23 : memref<125x80xi32, #tpu.memory_space<hbm>>) target(%arg8 : memref<125x80xi32, #tpu.memory_space<vmem>>) target_semaphore(%run_scoped3A : memref<!tpu.dma_semaphore, #tpu.memory_space<semaphore_mem>>)
      %dma_wait3A = arith.constant 0 : i32
      %dma_wait3A_24 = arith.constant 0 : i32
      %dma_wait3A_25 = tpu.memref_slice %arg4[%add3A, %dma_wait3A, %dma_wait3A_24] : memref<32x125x80xi32, #tpu.memory_space<hbm>> -> memref<1x125x80xi32, #tpu.memory_space<hbm>>
      %dma_wait3A_26 = tpu.memref_squeeze %dma_wait3A_25 : memref<1x125x80xi32, #tpu.memory_space<hbm>> -> memref<125x80xi32, #tpu.memory_space<hbm>>
      %dma_wait3A_27 = arith.constant 0 : i32
      %dma_wait3A_28 = arith.constant 0 : i32
      %dma_wait3A_29 = tpu.memref_slice %arg4[%add3A, %dma_wait3A_27, %dma_wait3A_28] : memref<32x125x80xi32, #tpu.memory_space<hbm>> -> memref<1x125x80xi32, #tpu.memory_space<hbm>>
      %dma_wait3A_30 = tpu.memref_squeeze %dma_wait3A_29 : memref<1x125x80xi32, #tpu.memory_space<hbm>> -> memref<125x80xi32, #tpu.memory_space<hbm>>
      tpu.wait_dma2 semaphore(%run_scoped3A : memref<!tpu.dma_semaphore, #tpu.memory_space<semaphore_mem>>) src(%dma_wait3A_30 : memref<125x80xi32, #tpu.memory_space<hbm>>) dst(%arg8 : memref<125x80xi32, #tpu.memory_space<vmem>>)
      tpu.yield
    }) : () -> ()
    "tpu.region"() ({
      %run_scoped3A = tpu.sem_alloc : memref<!tpu.dma_semaphore, #tpu.memory_space<semaphore_mem>>
      %dma_start3A = arith.constant 0 : i32
      %dma_start3A_17 = tpu.memref_slice %arg10[%multiple_of3A, %dma_start3A] : memref<10000x128xf32, #tpu.memory_space<vmem_shared>> -> memref<624x128xf32, #tpu.memory_space<vmem_shared>>
      %dma_start3A_18 = arith.constant 0 : i32
      %dma_start3A_19 = tpu.memref_slice %arg5[%multiple_of3A, %dma_start3A_18] : memref<10000x128xf32, #tpu.memory_space<hbm>> -> memref<624x128xf32, #tpu.memory_space<hbm>>
      tpu.enqueue_dma source(%dma_start3A_19 : memref<624x128xf32, #tpu.memory_space<hbm>>) target(%dma_start3A_17 : memref<624x128xf32, #tpu.memory_space<vmem_shared>>) target_semaphore(%run_scoped3A : memref<!tpu.dma_semaphore, #tpu.memory_space<semaphore_mem>>)
      %dma_wait3A = arith.constant 0 : i32
      %dma_wait3A_20 = tpu.memref_slice %arg10[%multiple_of3A, %dma_wait3A] : memref<10000x128xf32, #tpu.memory_space<vmem_shared>> -> memref<624x128xf32, #tpu.memory_space<vmem_shared>>
      %dma_wait3A_21 = arith.constant 0 : i32
      %dma_wait3A_22 = tpu.memref_slice %arg5[%multiple_of3A, %dma_wait3A_21] : memref<10000x128xf32, #tpu.memory_space<hbm>> -> memref<624x128xf32, #tpu.memory_space<hbm>>
      tpu.wait_dma2 semaphore(%run_scoped3A : memref<!tpu.dma_semaphore, #tpu.memory_space<semaphore_mem>>) src(%dma_wait3A_22 : memref<624x128xf32, #tpu.memory_space<hbm>>) dst(%dma_wait3A_20 : memref<624x128xf32, #tpu.memory_space<vmem_shared>>)
      tpu.yield
    }) : () -> ()
    %eq3A = arith.constant 0 : i32
    %eq3A_3 = arith.cmpi eq, %arg1, %eq3A : i32
    %convert_element_type3A = arith.extui %eq3A_3 : i1 to i32
    %cond3A = arith.constant 0 : i32
    %cond3A_4 = arith.cmpi ne, %convert_element_type3A, %cond3A : i32
    scf.if %cond3A_4 {
      "tpu.region"() ({
        %run_scoped3A = tpu.sem_alloc : memref<!tpu.dma_semaphore, #tpu.memory_space<semaphore_mem>>
        %dma_start3A = arith.constant 9984 : i32
        %dma_start3A_17 = arith.constant 0 : i32
        %dma_start3A_18 = tpu.memref_slice %arg10[%dma_start3A, %dma_start3A_17] : memref<10000x128xf32, #tpu.memory_space<vmem_shared>> -> memref<16x128xf32, #tpu.memory_space<vmem_shared>>
        %dma_start3A_19 = arith.constant 9984 : i32
        %dma_start3A_20 = arith.constant 0 : i32
        %dma_start3A_21 = tpu.memref_slice %arg5[%dma_start3A_19, %dma_start3A_20] : memref<10000x128xf32, #tpu.memory_space<hbm>> -> memref<16x128xf32, #tpu.memory_space<hbm>>
        tpu.enqueue_dma source(%dma_start3A_21 : memref<16x128xf32, #tpu.memory_space<hbm>>) target(%dma_start3A_18 : memref<16x128xf32, #tpu.memory_space<vmem_shared>>) target_semaphore(%run_scoped3A : memref<!tpu.dma_semaphore, #tpu.memory_space<semaphore_mem>>)
        %dma_wait3A = arith.constant 9984 : i32
        %dma_wait3A_22 = arith.constant 0 : i32
        %dma_wait3A_23 = tpu.memref_slice %arg10[%dma_wait3A, %dma_wait3A_22] : memref<10000x128xf32, #tpu.memory_space<vmem_shared>> -> memref<16x128xf32, #tpu.memory_space<vmem_shared>>
        %dma_wait3A_24 = arith.constant 9984 : i32
        %dma_wait3A_25 = arith.constant 0 : i32
        %dma_wait3A_26 = tpu.memref_slice %arg5[%dma_wait3A_24, %dma_wait3A_25] : memref<10000x128xf32, #tpu.memory_space<hbm>> -> memref<16x128xf32, #tpu.memory_space<hbm>>
        tpu.wait_dma2 semaphore(%run_scoped3A : memref<!tpu.dma_semaphore, #tpu.memory_space<semaphore_mem>>) src(%dma_wait3A_26 : memref<16x128xf32, #tpu.memory_space<hbm>>) dst(%dma_wait3A_23 : memref<16x128xf32, #tpu.memory_space<vmem_shared>>)
        tpu.yield
      }) : () -> ()
    } else {
    }
    %barrier3A = arith.constant 0 : index
    tpu.barrier barrier_id(%barrier3A)
    %scan3A = arith.constant 0 : i32
    %scan3A_5 = arith.constant 0 : i32
    %scan3A_6 = arith.constant 125 : i32
    %scan3A_7 = arith.addi %scan3A_5, %scan3A_6 : i32
    %scan3A_8 = arith.constant 1 : i32
    %scan3A_9 = scf.for %scan3A_17 = %scan3A_5 to %scan3A_7 step %scan3A_8 iter_args(%scan3A_18 = %scan3A) -> (i32)  : i32 {
      %dma_start3A = arith.constant 0 : i32
      %dma_start3A_19 = tpu.memref_slice %arg7[%scan3A_17, %dma_start3A] : memref<125x80xi32, #tpu.memory_space<vmem>> -> memref<1x80xi32, #tpu.memory_space<vmem>>
      %dma_start3A_20 = tpu.memref_squeeze %dma_start3A_19 : memref<1x80xi32, #tpu.memory_space<vmem>> -> memref<80xi32, #tpu.memory_space<vmem>>
      %dma_start3A_21 = arith.constant 0 : i32
      %dma_start3A_22 = arith.constant 0 : i32
      %dma_start3A_23 = tpu.memref_slice %arg2[%dma_start3A_21, %dma_start3A_22] : memref<10000x128xf32, #tpu.memory_space<hbm>> -> memref<10000x128xf32, #tpu.memory_space<hbm>>
      tpu.enqueue_indirect_dma source(%dma_start3A_23 : memref<10000x128xf32, #tpu.memory_space<hbm>>) target(%arg9 : memref<80x128xf32, #tpu.memory_space<vmem>>) offsets(%dma_start3A_20 : memref<80xi32, #tpu.memory_space<vmem>>) semaphore(%arg11 : memref<!tpu.dma_semaphore, #tpu.memory_space<semaphore_mem>>)
      %dma_wait3A = arith.constant 0 : i32
      %dma_wait3A_24 = tpu.memref_slice %arg7[%scan3A_17, %dma_wait3A] : memref<125x80xi32, #tpu.memory_space<vmem>> -> memref<1x80xi32, #tpu.memory_space<vmem>>
      %dma_wait3A_25 = tpu.memref_squeeze %dma_wait3A_24 : memref<1x80xi32, #tpu.memory_space<vmem>> -> memref<80xi32, #tpu.memory_space<vmem>>
      %dma_wait3A_26 = arith.constant 0 : i32
      %dma_wait3A_27 = arith.constant 0 : i32
      %dma_wait3A_28 = tpu.memref_slice %arg2[%dma_wait3A_26, %dma_wait3A_27] : memref<10000x128xf32, #tpu.memory_space<hbm>> -> memref<10000x128xf32, #tpu.memory_space<hbm>>
      tpu.wait_indirect_dma semaphore(%arg11 : memref<!tpu.dma_semaphore, #tpu.memory_space<semaphore_mem>>) src(%dma_wait3A_28 : memref<10000x128xf32, #tpu.memory_space<hbm>>) dst(%arg9 : memref<80x128xf32, #tpu.memory_space<vmem>>)
      "tpu.region"() ({
        %run_scoped3A = tpu.sem_alloc : memref<!tpu.dma_semaphore, #tpu.memory_space<semaphore_mem>>
        %dma_start3A_30 = arith.constant 0 : i32
        %dma_start3A_31 = tpu.memref_slice %arg8[%scan3A_17, %dma_start3A_30] : memref<125x80xi32, #tpu.memory_space<vmem>> -> memref<1x80xi32, #tpu.memory_space<vmem>>
        %dma_start3A_32 = tpu.memref_squeeze %dma_start3A_31 : memref<1x80xi32, #tpu.memory_space<vmem>> -> memref<80xi32, #tpu.memory_space<vmem>>
        %dma_start3A_33 = arith.constant 0 : i32
        %dma_start3A_34 = arith.constant 0 : i32
        %dma_start3A_35 = tpu.memref_slice %arg10[%dma_start3A_33, %dma_start3A_34] : memref<10000x128xf32, #tpu.memory_space<vmem_shared>> -> memref<10000x128xf32, #tpu.memory_space<vmem_shared>>
        tpu.enqueue_indirect_dma source(%arg9 : memref<80x128xf32, #tpu.memory_space<vmem>>) target(%dma_start3A_35 : memref<10000x128xf32, #tpu.memory_space<vmem_shared>>) offsets(%dma_start3A_32 : memref<80xi32, #tpu.memory_space<vmem>>) semaphore(%run_scoped3A : memref<!tpu.dma_semaphore, #tpu.memory_space<semaphore_mem>>) {add = true}
        %dma_wait3A_36 = arith.constant 0 : i32
        %dma_wait3A_37 = tpu.memref_slice %arg8[%scan3A_17, %dma_wait3A_36] : memref<125x80xi32, #tpu.memory_space<vmem>> -> memref<1x80xi32, #tpu.memory_space<vmem>>
        %dma_wait3A_38 = tpu.memref_squeeze %dma_wait3A_37 : memref<1x80xi32, #tpu.memory_space<vmem>> -> memref<80xi32, #tpu.memory_space<vmem>>
        %dma_wait3A_39 = arith.constant 0 : i32
        %dma_wait3A_40 = arith.constant 0 : i32
        %dma_wait3A_41 = tpu.memref_slice %arg10[%dma_wait3A_39, %dma_wait3A_40] : memref<10000x128xf32, #tpu.memory_space<vmem_shared>> -> memref<10000x128xf32, #tpu.memory_space<vmem_shared>>
        tpu.wait_indirect_dma semaphore(%run_scoped3A : memref<!tpu.dma_semaphore, #tpu.memory_space<semaphore_mem>>) src(%arg9 : memref<80x128xf32, #tpu.memory_space<vmem>>) dst(%dma_wait3A_41 : memref<10000x128xf32, #tpu.memory_space<vmem_shared>>)
        tpu.yield
      }) : () -> ()
      %scan3A_29 = arith.constant 0 : i32
      scf.yield %scan3A_29 : i32
    }
    %scan3A_10 = arith.constant 125 : i32
    %barrier3A_11 = arith.constant 0 : index
    tpu.barrier barrier_id(%barrier3A_11)
    "tpu.region"() ({
      %run_scoped3A = tpu.sem_alloc : memref<!tpu.dma_semaphore, #tpu.memory_space<semaphore_mem>>
      %dma_start3A = arith.constant 0 : i32
      %dma_start3A_17 = tpu.memref_slice %arg6[%arg0, %multiple_of3A, %dma_start3A] : memref<2x10000x128xf32, #tpu.memory_space<hbm>> -> memref<1x624x128xf32, #tpu.memory_space<hbm>>
      %dma_start3A_18 = tpu.memref_squeeze %dma_start3A_17 : memref<1x624x128xf32, #tpu.memory_space<hbm>> -> memref<624x128xf32, #tpu.memory_space<hbm>>
      %dma_start3A_19 = arith.constant 0 : i32
      %dma_start3A_20 = tpu.memref_slice %arg10[%multiple_of3A, %dma_start3A_19] : memref<10000x128xf32, #tpu.memory_space<vmem_shared>> -> memref<624x128xf32, #tpu.memory_space<vmem_shared>>
      tpu.enqueue_dma source(%dma_start3A_20 : memref<624x128xf32, #tpu.memory_space<vmem_shared>>) target(%dma_start3A_18 : memref<624x128xf32, #tpu.memory_space<hbm>>) target_semaphore(%run_scoped3A : memref<!tpu.dma_semaphore, #tpu.memory_space<semaphore_mem>>)
      %dma_wait3A = arith.constant 0 : i32
      %dma_wait3A_21 = tpu.memref_slice %arg6[%arg0, %multiple_of3A, %dma_wait3A] : memref<2x10000x128xf32, #tpu.memory_space<hbm>> -> memref<1x624x128xf32, #tpu.memory_space<hbm>>
      %dma_wait3A_22 = tpu.memref_squeeze %dma_wait3A_21 : memref<1x624x128xf32, #tpu.memory_space<hbm>> -> memref<624x128xf32, #tpu.memory_space<hbm>>
      %dma_wait3A_23 = arith.constant 0 : i32
      %dma_wait3A_24 = tpu.memref_slice %arg10[%multiple_of3A, %dma_wait3A_23] : memref<10000x128xf32, #tpu.memory_space<vmem_shared>> -> memref<624x128xf32, #tpu.memory_space<vmem_shared>>
      tpu.wait_dma2 semaphore(%run_scoped3A : memref<!tpu.dma_semaphore, #tpu.memory_space<semaphore_mem>>) src(%dma_wait3A_24 : memref<624x128xf32, #tpu.memory_space<vmem_shared>>) dst(%dma_wait3A_22 : memref<624x128xf32, #tpu.memory_space<hbm>>)
      tpu.yield
    }) : () -> ()
    %eq3A_12 = arith.constant 0 : i32
    %eq3A_13 = arith.cmpi eq, %arg1, %eq3A_12 : i32
    %convert_element_type3A_14 = arith.extui %eq3A_13 : i1 to i32
    %cond3A_15 = arith.constant 0 : i32
    %cond3A_16 = arith.cmpi ne, %convert_element_type3A_14, %cond3A_15 : i32
    scf.if %cond3A_16 {
      "tpu.region"() ({
        %run_scoped3A = tpu.sem_alloc : memref<!tpu.dma_semaphore, #tpu.memory_space<semaphore_mem>>
        %dma_start3A = arith.constant 9984 : i32
        %dma_start3A_17 = arith.constant 0 : i32
        %dma_start3A_18 = tpu.memref_slice %arg6[%arg0, %dma_start3A, %dma_start3A_17] : memref<2x10000x128xf32, #tpu.memory_space<hbm>> -> memref<1x16x128xf32, #tpu.memory_space<hbm>>
        %dma_start3A_19 = tpu.memref_squeeze %dma_start3A_18 : memref<1x16x128xf32, #tpu.memory_space<hbm>> -> memref<16x128xf32, #tpu.memory_space<hbm>>
        %dma_start3A_20 = arith.constant 9984 : i32
        %dma_start3A_21 = arith.constant 0 : i32
        %dma_start3A_22 = tpu.memref_slice %arg10[%dma_start3A_20, %dma_start3A_21] : memref<10000x128xf32, #tpu.memory_space<vmem_shared>> -> memref<16x128xf32, #tpu.memory_space<vmem_shared>>
        tpu.enqueue_dma source(%dma_start3A_22 : memref<16x128xf32, #tpu.memory_space<vmem_shared>>) target(%dma_start3A_19 : memref<16x128xf32, #tpu.memory_space<hbm>>) target_semaphore(%run_scoped3A : memref<!tpu.dma_semaphore, #tpu.memory_space<semaphore_mem>>)
        %dma_wait3A = arith.constant 9984 : i32
        %dma_wait3A_23 = arith.constant 0 : i32
        %dma_wait3A_24 = tpu.memref_slice %arg6[%arg0, %dma_wait3A, %dma_wait3A_23] : memref<2x10000x128xf32, #tpu.memory_space<hbm>> -> memref<1x16x128xf32, #tpu.memory_space<hbm>>
        %dma_wait3A_25 = tpu.memref_squeeze %dma_wait3A_24 : memref<1x16x128xf32, #tpu.memory_space<hbm>> -> memref<16x128xf32, #tpu.memory_space<hbm>>
        %dma_wait3A_26 = arith.constant 9984 : i32
        %dma_wait3A_27 = arith.constant 0 : i32
        %dma_wait3A_28 = tpu.memref_slice %arg10[%dma_wait3A_26, %dma_wait3A_27] : memref<10000x128xf32, #tpu.memory_space<vmem_shared>> -> memref<16x128xf32, #tpu.memory_space<vmem_shared>>
        tpu.wait_dma2 semaphore(%run_scoped3A : memref<!tpu.dma_semaphore, #tpu.memory_space<semaphore_mem>>) src(%dma_wait3A_28 : memref<16x128xf32, #tpu.memory_space<vmem_shared>>) dst(%dma_wait3A_25 : memref<16x128xf32, #tpu.memory_space<hbm>>)
        tpu.yield
      }) : () -> ()
    } else {
    }
    return
  }
}

#map = affine_map<(d0, d1) -> (0, 0)>
#map1 = affine_map<(d0, d1) -> (0, 0, 0)>
module attributes {stable_mosaic.version = 14 : i64} {
  func.func @_sc_agg_body(%arg0: i32, %arg1: i32, %arg2: memref<10000x128xf32, #tpu.memory_space<hbm>>, %arg3: memref<32x125x80xi32, #tpu.memory_space<hbm>>, %arg4: memref<32x125x80xi32, #tpu.memory_space<hbm>>, %arg5: memref<10000x128xf32, #tpu.memory_space<hbm>>, %arg6: memref<2x10000x128xf32, #tpu.memory_space<hbm>>, %arg7: memref<125x80xi32, #tpu.memory_space<vmem>>, %arg8: memref<125x80xi32, #tpu.memory_space<vmem>>, %arg9: memref<80x128xf32, #tpu.memory_space<vmem>>, %arg10: memref<10000x128xf32, #tpu.memory_space<vmem_shared>>, %arg11: memref<!tpu.dma_semaphore, #tpu.memory_space<semaphore_mem>>) attributes {dimension_semantics = [#tpu.dimension_semantics<core_parallel>, #tpu.dimension_semantics<subcore_parallel>], iteration_bounds = array<i64: 2, 16>, scalar_prefetch = 0 : i64, scratch_operands = 5 : i64, tpu.core_type = #tpu.core_type<sc_vector_subcore>, window_params = [{transform_indices = #map}, {transform_indices = #map1}, {transform_indices = #map1}, {transform_indices = #map}, {transform_indices = #map1}]} {
    %mul3A = arith.constant 16 : i32
    %mul3A_0 = arith.muli %arg0, %mul3A : i32
    %add3A = arith.addi %mul3A_0, %arg1 : i32
    %mul3A_1 = arith.constant 624 : i32
    %mul3A_2 = arith.muli %arg1, %mul3A_1 : i32
    %multiple_of3A = tpu.assume_multiple %mul3A_2, 8 : i32
    "tpu.region"() ({
      %run_scoped3A = tpu.sem_alloc : memref<!tpu.dma_semaphore, #tpu.memory_space<semaphore_mem>>
      %dma_start3A = arith.constant 0 : i32
      %dma_start3A_17 = arith.constant 0 : i32
      %dma_start3A_18 = tpu.memref_slice %arg3[%add3A, %dma_start3A, %dma_start3A_17] : memref<32x125x80xi32, #tpu.memory_space<hbm>> -> memref<1x125x80xi32, #tpu.memory_space<hbm>>
      %dma_start3A_19 = tpu.memref_squeeze %dma_start3A_18 : memref<1x125x80xi32, #tpu.memory_space<hbm>> -> memref<125x80xi32, #tpu.memory_space<hbm>>
      %dma_start3A_20 = arith.constant 0 : i32
      %dma_start3A_21 = arith.constant 0 : i32
      %dma_start3A_22 = tpu.memref_slice %arg3[%add3A, %dma_start3A_20, %dma_start3A_21] : memref<32x125x80xi32, #tpu.memory_space<hbm>> -> memref<1x125x80xi32, #tpu.memory_space<hbm>>
      %dma_start3A_23 = tpu.memref_squeeze %dma_start3A_22 : memref<1x125x80xi32, #tpu.memory_space<hbm>> -> memref<125x80xi32, #tpu.memory_space<hbm>>
      tpu.enqueue_dma source(%dma_start3A_23 : memref<125x80xi32, #tpu.memory_space<hbm>>) target(%arg7 : memref<125x80xi32, #tpu.memory_space<vmem>>) target_semaphore(%run_scoped3A : memref<!tpu.dma_semaphore, #tpu.memory_space<semaphore_mem>>)
      %dma_wait3A = arith.constant 0 : i32
      %dma_wait3A_24 = arith.constant 0 : i32
      %dma_wait3A_25 = tpu.memref_slice %arg3[%add3A, %dma_wait3A, %dma_wait3A_24] : memref<32x125x80xi32, #tpu.memory_space<hbm>> -> memref<1x125x80xi32, #tpu.memory_space<hbm>>
      %dma_wait3A_26 = tpu.memref_squeeze %dma_wait3A_25 : memref<1x125x80xi32, #tpu.memory_space<hbm>> -> memref<125x80xi32, #tpu.memory_space<hbm>>
      %dma_wait3A_27 = arith.constant 0 : i32
      %dma_wait3A_28 = arith.constant 0 : i32
      %dma_wait3A_29 = tpu.memref_slice %arg3[%add3A, %dma_wait3A_27, %dma_wait3A_28] : memref<32x125x80xi32, #tpu.memory_space<hbm>> -> memref<1x125x80xi32, #tpu.memory_space<hbm>>
      %dma_wait3A_30 = tpu.memref_squeeze %dma_wait3A_29 : memref<1x125x80xi32, #tpu.memory_space<hbm>> -> memref<125x80xi32, #tpu.memory_space<hbm>>
      tpu.wait_dma2 semaphore(%run_scoped3A : memref<!tpu.dma_semaphore, #tpu.memory_space<semaphore_mem>>) src(%dma_wait3A_30 : memref<125x80xi32, #tpu.memory_space<hbm>>) dst(%arg7 : memref<125x80xi32, #tpu.memory_space<vmem>>)
      tpu.yield
    }) : () -> ()
    "tpu.region"() ({
      %run_scoped3A = tpu.sem_alloc : memref<!tpu.dma_semaphore, #tpu.memory_space<semaphore_mem>>
      %dma_start3A = arith.constant 0 : i32
      %dma_start3A_17 = arith.constant 0 : i32
      %dma_start3A_18 = tpu.memref_slice %arg4[%add3A, %dma_start3A, %dma_start3A_17] : memref<32x125x80xi32, #tpu.memory_space<hbm>> -> memref<1x125x80xi32, #tpu.memory_space<hbm>>
      %dma_start3A_19 = tpu.memref_squeeze %dma_start3A_18 : memref<1x125x80xi32, #tpu.memory_space<hbm>> -> memref<125x80xi32, #tpu.memory_space<hbm>>
      %dma_start3A_20 = arith.constant 0 : i32
      %dma_start3A_21 = arith.constant 0 : i32
      %dma_start3A_22 = tpu.memref_slice %arg4[%add3A, %dma_start3A_20, %dma_start3A_21] : memref<32x125x80xi32, #tpu.memory_space<hbm>> -> memref<1x125x80xi32, #tpu.memory_space<hbm>>
      %dma_start3A_23 = tpu.memref_squeeze %dma_start3A_22 : memref<1x125x80xi32, #tpu.memory_space<hbm>> -> memref<125x80xi32, #tpu.memory_space<hbm>>
      tpu.enqueue_dma source(%dma_start3A_23 : memref<125x80xi32, #tpu.memory_space<hbm>>) target(%arg8 : memref<125x80xi32, #tpu.memory_space<vmem>>) target_semaphore(%run_scoped3A : memref<!tpu.dma_semaphore, #tpu.memory_space<semaphore_mem>>)
      %dma_wait3A = arith.constant 0 : i32
      %dma_wait3A_24 = arith.constant 0 : i32
      %dma_wait3A_25 = tpu.memref_slice %arg4[%add3A, %dma_wait3A, %dma_wait3A_24] : memref<32x125x80xi32, #tpu.memory_space<hbm>> -> memref<1x125x80xi32, #tpu.memory_space<hbm>>
      %dma_wait3A_26 = tpu.memref_squeeze %dma_wait3A_25 : memref<1x125x80xi32, #tpu.memory_space<hbm>> -> memref<125x80xi32, #tpu.memory_space<hbm>>
      %dma_wait3A_27 = arith.constant 0 : i32
      %dma_wait3A_28 = arith.constant 0 : i32
      %dma_wait3A_29 = tpu.memref_slice %arg4[%add3A, %dma_wait3A_27, %dma_wait3A_28] : memref<32x125x80xi32, #tpu.memory_space<hbm>> -> memref<1x125x80xi32, #tpu.memory_space<hbm>>
      %dma_wait3A_30 = tpu.memref_squeeze %dma_wait3A_29 : memref<1x125x80xi32, #tpu.memory_space<hbm>> -> memref<125x80xi32, #tpu.memory_space<hbm>>
      tpu.wait_dma2 semaphore(%run_scoped3A : memref<!tpu.dma_semaphore, #tpu.memory_space<semaphore_mem>>) src(%dma_wait3A_30 : memref<125x80xi32, #tpu.memory_space<hbm>>) dst(%arg8 : memref<125x80xi32, #tpu.memory_space<vmem>>)
      tpu.yield
    }) : () -> ()
    "tpu.region"() ({
      %run_scoped3A = tpu.sem_alloc : memref<!tpu.dma_semaphore, #tpu.memory_space<semaphore_mem>>
      %dma_start3A = arith.constant 0 : i32
      %dma_start3A_17 = tpu.memref_slice %arg10[%multiple_of3A, %dma_start3A] : memref<10000x128xf32, #tpu.memory_space<vmem_shared>> -> memref<624x128xf32, #tpu.memory_space<vmem_shared>>
      %dma_start3A_18 = arith.constant 0 : i32
      %dma_start3A_19 = tpu.memref_slice %arg5[%multiple_of3A, %dma_start3A_18] : memref<10000x128xf32, #tpu.memory_space<hbm>> -> memref<624x128xf32, #tpu.memory_space<hbm>>
      tpu.enqueue_dma source(%dma_start3A_19 : memref<624x128xf32, #tpu.memory_space<hbm>>) target(%dma_start3A_17 : memref<624x128xf32, #tpu.memory_space<vmem_shared>>) target_semaphore(%run_scoped3A : memref<!tpu.dma_semaphore, #tpu.memory_space<semaphore_mem>>)
      %dma_wait3A = arith.constant 0 : i32
      %dma_wait3A_20 = tpu.memref_slice %arg10[%multiple_of3A, %dma_wait3A] : memref<10000x128xf32, #tpu.memory_space<vmem_shared>> -> memref<624x128xf32, #tpu.memory_space<vmem_shared>>
      %dma_wait3A_21 = arith.constant 0 : i32
      %dma_wait3A_22 = tpu.memref_slice %arg5[%multiple_of3A, %dma_wait3A_21] : memref<10000x128xf32, #tpu.memory_space<hbm>> -> memref<624x128xf32, #tpu.memory_space<hbm>>
      tpu.wait_dma2 semaphore(%run_scoped3A : memref<!tpu.dma_semaphore, #tpu.memory_space<semaphore_mem>>) src(%dma_wait3A_22 : memref<624x128xf32, #tpu.memory_space<hbm>>) dst(%dma_wait3A_20 : memref<624x128xf32, #tpu.memory_space<vmem_shared>>)
      tpu.yield
    }) : () -> ()
    %eq3A = arith.constant 0 : i32
    %eq3A_3 = arith.cmpi eq, %arg1, %eq3A : i32
    %convert_element_type3A = arith.extui %eq3A_3 : i1 to i32
    %cond3A = arith.constant 0 : i32
    %cond3A_4 = arith.cmpi ne, %convert_element_type3A, %cond3A : i32
    scf.if %cond3A_4 {
      "tpu.region"() ({
        %run_scoped3A = tpu.sem_alloc : memref<!tpu.dma_semaphore, #tpu.memory_space<semaphore_mem>>
        %dma_start3A = arith.constant 9984 : i32
        %dma_start3A_17 = arith.constant 0 : i32
        %dma_start3A_18 = tpu.memref_slice %arg10[%dma_start3A, %dma_start3A_17] : memref<10000x128xf32, #tpu.memory_space<vmem_shared>> -> memref<16x128xf32, #tpu.memory_space<vmem_shared>>
        %dma_start3A_19 = arith.constant 9984 : i32
        %dma_start3A_20 = arith.constant 0 : i32
        %dma_start3A_21 = tpu.memref_slice %arg5[%dma_start3A_19, %dma_start3A_20] : memref<10000x128xf32, #tpu.memory_space<hbm>> -> memref<16x128xf32, #tpu.memory_space<hbm>>
        tpu.enqueue_dma source(%dma_start3A_21 : memref<16x128xf32, #tpu.memory_space<hbm>>) target(%dma_start3A_18 : memref<16x128xf32, #tpu.memory_space<vmem_shared>>) target_semaphore(%run_scoped3A : memref<!tpu.dma_semaphore, #tpu.memory_space<semaphore_mem>>)
        %dma_wait3A = arith.constant 9984 : i32
        %dma_wait3A_22 = arith.constant 0 : i32
        %dma_wait3A_23 = tpu.memref_slice %arg10[%dma_wait3A, %dma_wait3A_22] : memref<10000x128xf32, #tpu.memory_space<vmem_shared>> -> memref<16x128xf32, #tpu.memory_space<vmem_shared>>
        %dma_wait3A_24 = arith.constant 9984 : i32
        %dma_wait3A_25 = arith.constant 0 : i32
        %dma_wait3A_26 = tpu.memref_slice %arg5[%dma_wait3A_24, %dma_wait3A_25] : memref<10000x128xf32, #tpu.memory_space<hbm>> -> memref<16x128xf32, #tpu.memory_space<hbm>>
        tpu.wait_dma2 semaphore(%run_scoped3A : memref<!tpu.dma_semaphore, #tpu.memory_space<semaphore_mem>>) src(%dma_wait3A_26 : memref<16x128xf32, #tpu.memory_space<hbm>>) dst(%dma_wait3A_23 : memref<16x128xf32, #tpu.memory_space<vmem_shared>>)
        tpu.yield
      }) : () -> ()
    } else {
    }
    %barrier3A = arith.constant 0 : index
    tpu.barrier barrier_id(%barrier3A)
    %scan3A = arith.constant 0 : i32
    %scan3A_5 = arith.constant 0 : i32
    %scan3A_6 = arith.constant 125 : i32
    %scan3A_7 = arith.addi %scan3A_5, %scan3A_6 : i32
    %scan3A_8 = arith.constant 1 : i32
    %scan3A_9 = scf.for %scan3A_17 = %scan3A_5 to %scan3A_7 step %scan3A_8 iter_args(%scan3A_18 = %scan3A) -> (i32)  : i32 {
      %dma_start3A = arith.constant 0 : i32
      %dma_start3A_19 = tpu.memref_slice %arg7[%scan3A_17, %dma_start3A] : memref<125x80xi32, #tpu.memory_space<vmem>> -> memref<1x80xi32, #tpu.memory_space<vmem>>
      %dma_start3A_20 = tpu.memref_squeeze %dma_start3A_19 : memref<1x80xi32, #tpu.memory_space<vmem>> -> memref<80xi32, #tpu.memory_space<vmem>>
      %dma_start3A_21 = arith.constant 0 : i32
      %dma_start3A_22 = arith.constant 0 : i32
      %dma_start3A_23 = tpu.memref_slice %arg2[%dma_start3A_21, %dma_start3A_22] : memref<10000x128xf32, #tpu.memory_space<hbm>> -> memref<10000x128xf32, #tpu.memory_space<hbm>>
      tpu.enqueue_indirect_dma source(%dma_start3A_23 : memref<10000x128xf32, #tpu.memory_space<hbm>>) target(%arg9 : memref<80x128xf32, #tpu.memory_space<vmem>>) offsets(%dma_start3A_20 : memref<80xi32, #tpu.memory_space<vmem>>) semaphore(%arg11 : memref<!tpu.dma_semaphore, #tpu.memory_space<semaphore_mem>>)
      %dma_wait3A = arith.constant 0 : i32
      %dma_wait3A_24 = tpu.memref_slice %arg7[%scan3A_17, %dma_wait3A] : memref<125x80xi32, #tpu.memory_space<vmem>> -> memref<1x80xi32, #tpu.memory_space<vmem>>
      %dma_wait3A_25 = tpu.memref_squeeze %dma_wait3A_24 : memref<1x80xi32, #tpu.memory_space<vmem>> -> memref<80xi32, #tpu.memory_space<vmem>>
      %dma_wait3A_26 = arith.constant 0 : i32
      %dma_wait3A_27 = arith.constant 0 : i32
      %dma_wait3A_28 = tpu.memref_slice %arg2[%dma_wait3A_26, %dma_wait3A_27] : memref<10000x128xf32, #tpu.memory_space<hbm>> -> memref<10000x128xf32, #tpu.memory_space<hbm>>
      tpu.wait_indirect_dma semaphore(%arg11 : memref<!tpu.dma_semaphore, #tpu.memory_space<semaphore_mem>>) src(%dma_wait3A_28 : memref<10000x128xf32, #tpu.memory_space<hbm>>) dst(%arg9 : memref<80x128xf32, #tpu.memory_space<vmem>>)
      "tpu.region"() ({
        %run_scoped3A = tpu.sem_alloc : memref<!tpu.dma_semaphore, #tpu.memory_space<semaphore_mem>>
        %dma_start3A_30 = arith.constant 0 : i32
        %dma_start3A_31 = tpu.memref_slice %arg8[%scan3A_17, %dma_start3A_30] : memref<125x80xi32, #tpu.memory_space<vmem>> -> memref<1x80xi32, #tpu.memory_space<vmem>>
        %dma_start3A_32 = tpu.memref_squeeze %dma_start3A_31 : memref<1x80xi32, #tpu.memory_space<vmem>> -> memref<80xi32, #tpu.memory_space<vmem>>
        %dma_start3A_33 = arith.constant 0 : i32
        %dma_start3A_34 = arith.constant 0 : i32
        %dma_start3A_35 = tpu.memref_slice %arg10[%dma_start3A_33, %dma_start3A_34] : memref<10000x128xf32, #tpu.memory_space<vmem_shared>> -> memref<10000x128xf32, #tpu.memory_space<vmem_shared>>
        tpu.enqueue_indirect_dma source(%arg9 : memref<80x128xf32, #tpu.memory_space<vmem>>) target(%dma_start3A_35 : memref<10000x128xf32, #tpu.memory_space<vmem_shared>>) offsets(%dma_start3A_32 : memref<80xi32, #tpu.memory_space<vmem>>) semaphore(%run_scoped3A : memref<!tpu.dma_semaphore, #tpu.memory_space<semaphore_mem>>) {add = true}
        %dma_wait3A_36 = arith.constant 0 : i32
        %dma_wait3A_37 = tpu.memref_slice %arg8[%scan3A_17, %dma_wait3A_36] : memref<125x80xi32, #tpu.memory_space<vmem>> -> memref<1x80xi32, #tpu.memory_space<vmem>>
        %dma_wait3A_38 = tpu.memref_squeeze %dma_wait3A_37 : memref<1x80xi32, #tpu.memory_space<vmem>> -> memref<80xi32, #tpu.memory_space<vmem>>
        %dma_wait3A_39 = arith.constant 0 : i32
        %dma_wait3A_40 = arith.constant 0 : i32
        %dma_wait3A_41 = tpu.memref_slice %arg10[%dma_wait3A_39, %dma_wait3A_40] : memref<10000x128xf32, #tpu.memory_space<vmem_shared>> -> memref<10000x128xf32, #tpu.memory_space<vmem_shared>>
        tpu.wait_indirect_dma semaphore(%run_scoped3A : memref<!tpu.dma_semaphore, #tpu.memory_space<semaphore_mem>>) src(%arg9 : memref<80x128xf32, #tpu.memory_space<vmem>>) dst(%dma_wait3A_41 : memref<10000x128xf32, #tpu.memory_space<vmem_shared>>)
        tpu.yield
      }) : () -> ()
      %scan3A_29 = arith.constant 0 : i32
      scf.yield %scan3A_29 : i32
    }
    %scan3A_10 = arith.constant 125 : i32
    %barrier3A_11 = arith.constant 0 : index
    tpu.barrier barrier_id(%barrier3A_11)
    "tpu.region"() ({
      %run_scoped3A = tpu.sem_alloc : memref<!tpu.dma_semaphore, #tpu.memory_space<semaphore_mem>>
      %dma_start3A = arith.constant 0 : i32
      %dma_start3A_17 = tpu.memref_slice %arg6[%arg0, %multiple_of3A, %dma_start3A] : memref<2x10000x128xf32, #tpu.memory_space<hbm>> -> memref<1x624x128xf32, #tpu.memory_space<hbm>>
      %dma_start3A_18 = tpu.memref_squeeze %dma_start3A_17 : memref<1x624x128xf32, #tpu.memory_space<hbm>> -> memref<624x128xf32, #tpu.memory_space<hbm>>
      %dma_start3A_19 = arith.constant 0 : i32
      %dma_start3A_20 = tpu.memref_slice %arg10[%multiple_of3A, %dma_start3A_19] : memref<10000x128xf32, #tpu.memory_space<vmem_shared>> -> memref<624x128xf32, #tpu.memory_space<vmem_shared>>
      tpu.enqueue_dma source(%dma_start3A_20 : memref<624x128xf32, #tpu.memory_space<vmem_shared>>) target(%dma_start3A_18 : memref<624x128xf32, #tpu.memory_space<hbm>>) target_semaphore(%run_scoped3A : memref<!tpu.dma_semaphore, #tpu.memory_space<semaphore_mem>>)
      %dma_wait3A = arith.constant 0 : i32
      %dma_wait3A_21 = tpu.memref_slice %arg6[%arg0, %multiple_of3A, %dma_wait3A] : memref<2x10000x128xf32, #tpu.memory_space<hbm>> -> memref<1x624x128xf32, #tpu.memory_space<hbm>>
      %dma_wait3A_22 = tpu.memref_squeeze %dma_wait3A_21 : memref<1x624x128xf32, #tpu.memory_space<hbm>> -> memref<624x128xf32, #tpu.memory_space<hbm>>
      %dma_wait3A_23 = arith.constant 0 : i32
      %dma_wait3A_24 = tpu.memref_slice %arg10[%multiple_of3A, %dma_wait3A_23] : memref<10000x128xf32, #tpu.memory_space<vmem_shared>> -> memref<624x128xf32, #tpu.memory_space<vmem_shared>>
      tpu.wait_dma2 semaphore(%run_scoped3A : memref<!tpu.dma_semaphore, #tpu.memory_space<semaphore_mem>>) src(%dma_wait3A_24 : memref<624x128xf32, #tpu.memory_space<vmem_shared>>) dst(%dma_wait3A_22 : memref<624x128xf32, #tpu.memory_space<hbm>>)
      tpu.yield
    }) : () -> ()
    %eq3A_12 = arith.constant 0 : i32
    %eq3A_13 = arith.cmpi eq, %arg1, %eq3A_12 : i32
    %convert_element_type3A_14 = arith.extui %eq3A_13 : i1 to i32
    %cond3A_15 = arith.constant 0 : i32
    %cond3A_16 = arith.cmpi ne, %convert_element_type3A_14, %cond3A_15 : i32
    scf.if %cond3A_16 {
      "tpu.region"() ({
        %run_scoped3A = tpu.sem_alloc : memref<!tpu.dma_semaphore, #tpu.memory_space<semaphore_mem>>
        %dma_start3A = arith.constant 9984 : i32
        %dma_start3A_17 = arith.constant 0 : i32
        %dma_start3A_18 = tpu.memref_slice %arg6[%arg0, %dma_start3A, %dma_start3A_17] : memref<2x10000x128xf32, #tpu.memory_space<hbm>> -> memref<1x16x128xf32, #tpu.memory_space<hbm>>
        %dma_start3A_19 = tpu.memref_squeeze %dma_start3A_18 : memref<1x16x128xf32, #tpu.memory_space<hbm>> -> memref<16x128xf32, #tpu.memory_space<hbm>>
        %dma_start3A_20 = arith.constant 9984 : i32
        %dma_start3A_21 = arith.constant 0 : i32
        %dma_start3A_22 = tpu.memref_slice %arg10[%dma_start3A_20, %dma_start3A_21] : memref<10000x128xf32, #tpu.memory_space<vmem_shared>> -> memref<16x128xf32, #tpu.memory_space<vmem_shared>>
        tpu.enqueue_dma source(%dma_start3A_22 : memref<16x128xf32, #tpu.memory_space<vmem_shared>>) target(%dma_start3A_19 : memref<16x128xf32, #tpu.memory_space<hbm>>) target_semaphore(%run_scoped3A : memref<!tpu.dma_semaphore, #tpu.memory_space<semaphore_mem>>)
        %dma_wait3A = arith.constant 9984 : i32
        %dma_wait3A_23 = arith.constant 0 : i32
        %dma_wait3A_24 = tpu.memref_slice %arg6[%arg0, %dma_wait3A, %dma_wait3A_23] : memref<2x10000x128xf32, #tpu.memory_space<hbm>> -> memref<1x16x128xf32, #tpu.memory_space<hbm>>
        %dma_wait3A_25 = tpu.memref_squeeze %dma_wait3A_24 : memref<1x16x128xf32, #tpu.memory_space<hbm>> -> memref<16x128xf32, #tpu.memory_space<hbm>>
        %dma_wait3A_26 = arith.constant 9984 : i32
        %dma_wait3A_27 = arith.constant 0 : i32
        %dma_wait3A_28 = tpu.memref_slice %arg10[%dma_wait3A_26, %dma_wait3A_27] : memref<10000x128xf32, #tpu.memory_space<vmem_shared>> -> memref<16x128xf32, #tpu.memory_space<vmem_shared>>
        tpu.wait_dma2 semaphore(%run_scoped3A : memref<!tpu.dma_semaphore, #tpu.memory_space<semaphore_mem>>) src(%dma_wait3A_28 : memref<16x128xf32, #tpu.memory_space<vmem_shared>>) dst(%dma_wait3A_25 : memref<16x128xf32, #tpu.memory_space<hbm>>)
        tpu.yield
      }) : () -> ()
    } else {
    }
    return
  }
}

#map = affine_map<(d0, d1) -> (0, 0)>
#map1 = affine_map<(d0, d1) -> (0, 0, 0)>
module attributes {stable_mosaic.version = 14 : i64} {
  func.func @_sc_agg_body(%arg0: i32, %arg1: i32, %arg2: memref<10000x128xf32, #tpu.memory_space<hbm>>, %arg3: memref<32x125x80xi32, #tpu.memory_space<hbm>>, %arg4: memref<32x125x80xi32, #tpu.memory_space<hbm>>, %arg5: memref<10000x128xf32, #tpu.memory_space<hbm>>, %arg6: memref<2x10000x128xf32, #tpu.memory_space<hbm>>, %arg7: memref<125x80xi32, #tpu.memory_space<vmem>>, %arg8: memref<125x80xi32, #tpu.memory_space<vmem>>, %arg9: memref<80x128xf32, #tpu.memory_space<vmem>>, %arg10: memref<10000x128xf32, #tpu.memory_space<vmem_shared>>, %arg11: memref<!tpu.dma_semaphore, #tpu.memory_space<semaphore_mem>>) attributes {dimension_semantics = [#tpu.dimension_semantics<core_parallel>, #tpu.dimension_semantics<subcore_parallel>], iteration_bounds = array<i64: 2, 16>, scalar_prefetch = 0 : i64, scratch_operands = 5 : i64, tpu.core_type = #tpu.core_type<sc_vector_subcore>, window_params = [{transform_indices = #map}, {transform_indices = #map1}, {transform_indices = #map1}, {transform_indices = #map}, {transform_indices = #map1}]} {
    %mul3A = arith.constant 16 : i32
    %mul3A_0 = arith.muli %arg0, %mul3A : i32
    %add3A = arith.addi %mul3A_0, %arg1 : i32
    %mul3A_1 = arith.constant 624 : i32
    %mul3A_2 = arith.muli %arg1, %mul3A_1 : i32
    %multiple_of3A = tpu.assume_multiple %mul3A_2, 8 : i32
    "tpu.region"() ({
      %run_scoped3A = tpu.sem_alloc : memref<!tpu.dma_semaphore, #tpu.memory_space<semaphore_mem>>
      %dma_start3A = arith.constant 0 : i32
      %dma_start3A_17 = arith.constant 0 : i32
      %dma_start3A_18 = tpu.memref_slice %arg3[%add3A, %dma_start3A, %dma_start3A_17] : memref<32x125x80xi32, #tpu.memory_space<hbm>> -> memref<1x125x80xi32, #tpu.memory_space<hbm>>
      %dma_start3A_19 = tpu.memref_squeeze %dma_start3A_18 : memref<1x125x80xi32, #tpu.memory_space<hbm>> -> memref<125x80xi32, #tpu.memory_space<hbm>>
      %dma_start3A_20 = arith.constant 0 : i32
      %dma_start3A_21 = arith.constant 0 : i32
      %dma_start3A_22 = tpu.memref_slice %arg3[%add3A, %dma_start3A_20, %dma_start3A_21] : memref<32x125x80xi32, #tpu.memory_space<hbm>> -> memref<1x125x80xi32, #tpu.memory_space<hbm>>
      %dma_start3A_23 = tpu.memref_squeeze %dma_start3A_22 : memref<1x125x80xi32, #tpu.memory_space<hbm>> -> memref<125x80xi32, #tpu.memory_space<hbm>>
      tpu.enqueue_dma source(%dma_start3A_23 : memref<125x80xi32, #tpu.memory_space<hbm>>) target(%arg7 : memref<125x80xi32, #tpu.memory_space<vmem>>) target_semaphore(%run_scoped3A : memref<!tpu.dma_semaphore, #tpu.memory_space<semaphore_mem>>)
      %dma_wait3A = arith.constant 0 : i32
      %dma_wait3A_24 = arith.constant 0 : i32
      %dma_wait3A_25 = tpu.memref_slice %arg3[%add3A, %dma_wait3A, %dma_wait3A_24] : memref<32x125x80xi32, #tpu.memory_space<hbm>> -> memref<1x125x80xi32, #tpu.memory_space<hbm>>
      %dma_wait3A_26 = tpu.memref_squeeze %dma_wait3A_25 : memref<1x125x80xi32, #tpu.memory_space<hbm>> -> memref<125x80xi32, #tpu.memory_space<hbm>>
      %dma_wait3A_27 = arith.constant 0 : i32
      %dma_wait3A_28 = arith.constant 0 : i32
      %dma_wait3A_29 = tpu.memref_slice %arg3[%add3A, %dma_wait3A_27, %dma_wait3A_28] : memref<32x125x80xi32, #tpu.memory_space<hbm>> -> memref<1x125x80xi32, #tpu.memory_space<hbm>>
      %dma_wait3A_30 = tpu.memref_squeeze %dma_wait3A_29 : memref<1x125x80xi32, #tpu.memory_space<hbm>> -> memref<125x80xi32, #tpu.memory_space<hbm>>
      tpu.wait_dma2 semaphore(%run_scoped3A : memref<!tpu.dma_semaphore, #tpu.memory_space<semaphore_mem>>) src(%dma_wait3A_30 : memref<125x80xi32, #tpu.memory_space<hbm>>) dst(%arg7 : memref<125x80xi32, #tpu.memory_space<vmem>>)
      tpu.yield
    }) : () -> ()
    "tpu.region"() ({
      %run_scoped3A = tpu.sem_alloc : memref<!tpu.dma_semaphore, #tpu.memory_space<semaphore_mem>>
      %dma_start3A = arith.constant 0 : i32
      %dma_start3A_17 = arith.constant 0 : i32
      %dma_start3A_18 = tpu.memref_slice %arg4[%add3A, %dma_start3A, %dma_start3A_17] : memref<32x125x80xi32, #tpu.memory_space<hbm>> -> memref<1x125x80xi32, #tpu.memory_space<hbm>>
      %dma_start3A_19 = tpu.memref_squeeze %dma_start3A_18 : memref<1x125x80xi32, #tpu.memory_space<hbm>> -> memref<125x80xi32, #tpu.memory_space<hbm>>
      %dma_start3A_20 = arith.constant 0 : i32
      %dma_start3A_21 = arith.constant 0 : i32
      %dma_start3A_22 = tpu.memref_slice %arg4[%add3A, %dma_start3A_20, %dma_start3A_21] : memref<32x125x80xi32, #tpu.memory_space<hbm>> -> memref<1x125x80xi32, #tpu.memory_space<hbm>>
      %dma_start3A_23 = tpu.memref_squeeze %dma_start3A_22 : memref<1x125x80xi32, #tpu.memory_space<hbm>> -> memref<125x80xi32, #tpu.memory_space<hbm>>
      tpu.enqueue_dma source(%dma_start3A_23 : memref<125x80xi32, #tpu.memory_space<hbm>>) target(%arg8 : memref<125x80xi32, #tpu.memory_space<vmem>>) target_semaphore(%run_scoped3A : memref<!tpu.dma_semaphore, #tpu.memory_space<semaphore_mem>>)
      %dma_wait3A = arith.constant 0 : i32
      %dma_wait3A_24 = arith.constant 0 : i32
      %dma_wait3A_25 = tpu.memref_slice %arg4[%add3A, %dma_wait3A, %dma_wait3A_24] : memref<32x125x80xi32, #tpu.memory_space<hbm>> -> memref<1x125x80xi32, #tpu.memory_space<hbm>>
      %dma_wait3A_26 = tpu.memref_squeeze %dma_wait3A_25 : memref<1x125x80xi32, #tpu.memory_space<hbm>> -> memref<125x80xi32, #tpu.memory_space<hbm>>
      %dma_wait3A_27 = arith.constant 0 : i32
      %dma_wait3A_28 = arith.constant 0 : i32
      %dma_wait3A_29 = tpu.memref_slice %arg4[%add3A, %dma_wait3A_27, %dma_wait3A_28] : memref<32x125x80xi32, #tpu.memory_space<hbm>> -> memref<1x125x80xi32, #tpu.memory_space<hbm>>
      %dma_wait3A_30 = tpu.memref_squeeze %dma_wait3A_29 : memref<1x125x80xi32, #tpu.memory_space<hbm>> -> memref<125x80xi32, #tpu.memory_space<hbm>>
      tpu.wait_dma2 semaphore(%run_scoped3A : memref<!tpu.dma_semaphore, #tpu.memory_space<semaphore_mem>>) src(%dma_wait3A_30 : memref<125x80xi32, #tpu.memory_space<hbm>>) dst(%arg8 : memref<125x80xi32, #tpu.memory_space<vmem>>)
      tpu.yield
    }) : () -> ()
    "tpu.region"() ({
      %run_scoped3A = tpu.sem_alloc : memref<!tpu.dma_semaphore, #tpu.memory_space<semaphore_mem>>
      %dma_start3A = arith.constant 0 : i32
      %dma_start3A_17 = tpu.memref_slice %arg10[%multiple_of3A, %dma_start3A] : memref<10000x128xf32, #tpu.memory_space<vmem_shared>> -> memref<624x128xf32, #tpu.memory_space<vmem_shared>>
      %dma_start3A_18 = arith.constant 0 : i32
      %dma_start3A_19 = tpu.memref_slice %arg5[%multiple_of3A, %dma_start3A_18] : memref<10000x128xf32, #tpu.memory_space<hbm>> -> memref<624x128xf32, #tpu.memory_space<hbm>>
      tpu.enqueue_dma source(%dma_start3A_19 : memref<624x128xf32, #tpu.memory_space<hbm>>) target(%dma_start3A_17 : memref<624x128xf32, #tpu.memory_space<vmem_shared>>) target_semaphore(%run_scoped3A : memref<!tpu.dma_semaphore, #tpu.memory_space<semaphore_mem>>)
      %dma_wait3A = arith.constant 0 : i32
      %dma_wait3A_20 = tpu.memref_slice %arg10[%multiple_of3A, %dma_wait3A] : memref<10000x128xf32, #tpu.memory_space<vmem_shared>> -> memref<624x128xf32, #tpu.memory_space<vmem_shared>>
      %dma_wait3A_21 = arith.constant 0 : i32
      %dma_wait3A_22 = tpu.memref_slice %arg5[%multiple_of3A, %dma_wait3A_21] : memref<10000x128xf32, #tpu.memory_space<hbm>> -> memref<624x128xf32, #tpu.memory_space<hbm>>
      tpu.wait_dma2 semaphore(%run_scoped3A : memref<!tpu.dma_semaphore, #tpu.memory_space<semaphore_mem>>) src(%dma_wait3A_22 : memref<624x128xf32, #tpu.memory_space<hbm>>) dst(%dma_wait3A_20 : memref<624x128xf32, #tpu.memory_space<vmem_shared>>)
      tpu.yield
    }) : () -> ()
    %eq3A = arith.constant 0 : i32
    %eq3A_3 = arith.cmpi eq, %arg1, %eq3A : i32
    %convert_element_type3A = arith.extui %eq3A_3 : i1 to i32
    %cond3A = arith.constant 0 : i32
    %cond3A_4 = arith.cmpi ne, %convert_element_type3A, %cond3A : i32
    scf.if %cond3A_4 {
      "tpu.region"() ({
        %run_scoped3A = tpu.sem_alloc : memref<!tpu.dma_semaphore, #tpu.memory_space<semaphore_mem>>
        %dma_start3A = arith.constant 9984 : i32
        %dma_start3A_17 = arith.constant 0 : i32
        %dma_start3A_18 = tpu.memref_slice %arg10[%dma_start3A, %dma_start3A_17] : memref<10000x128xf32, #tpu.memory_space<vmem_shared>> -> memref<16x128xf32, #tpu.memory_space<vmem_shared>>
        %dma_start3A_19 = arith.constant 9984 : i32
        %dma_start3A_20 = arith.constant 0 : i32
        %dma_start3A_21 = tpu.memref_slice %arg5[%dma_start3A_19, %dma_start3A_20] : memref<10000x128xf32, #tpu.memory_space<hbm>> -> memref<16x128xf32, #tpu.memory_space<hbm>>
        tpu.enqueue_dma source(%dma_start3A_21 : memref<16x128xf32, #tpu.memory_space<hbm>>) target(%dma_start3A_18 : memref<16x128xf32, #tpu.memory_space<vmem_shared>>) target_semaphore(%run_scoped3A : memref<!tpu.dma_semaphore, #tpu.memory_space<semaphore_mem>>)
        %dma_wait3A = arith.constant 9984 : i32
        %dma_wait3A_22 = arith.constant 0 : i32
        %dma_wait3A_23 = tpu.memref_slice %arg10[%dma_wait3A, %dma_wait3A_22] : memref<10000x128xf32, #tpu.memory_space<vmem_shared>> -> memref<16x128xf32, #tpu.memory_space<vmem_shared>>
        %dma_wait3A_24 = arith.constant 9984 : i32
        %dma_wait3A_25 = arith.constant 0 : i32
        %dma_wait3A_26 = tpu.memref_slice %arg5[%dma_wait3A_24, %dma_wait3A_25] : memref<10000x128xf32, #tpu.memory_space<hbm>> -> memref<16x128xf32, #tpu.memory_space<hbm>>
        tpu.wait_dma2 semaphore(%run_scoped3A : memref<!tpu.dma_semaphore, #tpu.memory_space<semaphore_mem>>) src(%dma_wait3A_26 : memref<16x128xf32, #tpu.memory_space<hbm>>) dst(%dma_wait3A_23 : memref<16x128xf32, #tpu.memory_space<vmem_shared>>)
        tpu.yield
      }) : () -> ()
    } else {
    }
    %barrier3A = arith.constant 0 : index
    tpu.barrier barrier_id(%barrier3A)
    %scan3A = arith.constant 0 : i32
    %scan3A_5 = arith.constant 0 : i32
    %scan3A_6 = arith.constant 125 : i32
    %scan3A_7 = arith.addi %scan3A_5, %scan3A_6 : i32
    %scan3A_8 = arith.constant 1 : i32
    %scan3A_9 = scf.for %scan3A_17 = %scan3A_5 to %scan3A_7 step %scan3A_8 iter_args(%scan3A_18 = %scan3A) -> (i32)  : i32 {
      %dma_start3A = arith.constant 0 : i32
      %dma_start3A_19 = tpu.memref_slice %arg7[%scan3A_17, %dma_start3A] : memref<125x80xi32, #tpu.memory_space<vmem>> -> memref<1x80xi32, #tpu.memory_space<vmem>>
      %dma_start3A_20 = tpu.memref_squeeze %dma_start3A_19 : memref<1x80xi32, #tpu.memory_space<vmem>> -> memref<80xi32, #tpu.memory_space<vmem>>
      %dma_start3A_21 = arith.constant 0 : i32
      %dma_start3A_22 = arith.constant 0 : i32
      %dma_start3A_23 = tpu.memref_slice %arg2[%dma_start3A_21, %dma_start3A_22] : memref<10000x128xf32, #tpu.memory_space<hbm>> -> memref<10000x128xf32, #tpu.memory_space<hbm>>
      tpu.enqueue_indirect_dma source(%dma_start3A_23 : memref<10000x128xf32, #tpu.memory_space<hbm>>) target(%arg9 : memref<80x128xf32, #tpu.memory_space<vmem>>) offsets(%dma_start3A_20 : memref<80xi32, #tpu.memory_space<vmem>>) semaphore(%arg11 : memref<!tpu.dma_semaphore, #tpu.memory_space<semaphore_mem>>)
      %dma_wait3A = arith.constant 0 : i32
      %dma_wait3A_24 = tpu.memref_slice %arg7[%scan3A_17, %dma_wait3A] : memref<125x80xi32, #tpu.memory_space<vmem>> -> memref<1x80xi32, #tpu.memory_space<vmem>>
      %dma_wait3A_25 = tpu.memref_squeeze %dma_wait3A_24 : memref<1x80xi32, #tpu.memory_space<vmem>> -> memref<80xi32, #tpu.memory_space<vmem>>
      %dma_wait3A_26 = arith.constant 0 : i32
      %dma_wait3A_27 = arith.constant 0 : i32
      %dma_wait3A_28 = tpu.memref_slice %arg2[%dma_wait3A_26, %dma_wait3A_27] : memref<10000x128xf32, #tpu.memory_space<hbm>> -> memref<10000x128xf32, #tpu.memory_space<hbm>>
      tpu.wait_indirect_dma semaphore(%arg11 : memref<!tpu.dma_semaphore, #tpu.memory_space<semaphore_mem>>) src(%dma_wait3A_28 : memref<10000x128xf32, #tpu.memory_space<hbm>>) dst(%arg9 : memref<80x128xf32, #tpu.memory_space<vmem>>)
      "tpu.region"() ({
        %run_scoped3A = tpu.sem_alloc : memref<!tpu.dma_semaphore, #tpu.memory_space<semaphore_mem>>
        %dma_start3A_30 = arith.constant 0 : i32
        %dma_start3A_31 = tpu.memref_slice %arg8[%scan3A_17, %dma_start3A_30] : memref<125x80xi32, #tpu.memory_space<vmem>> -> memref<1x80xi32, #tpu.memory_space<vmem>>
        %dma_start3A_32 = tpu.memref_squeeze %dma_start3A_31 : memref<1x80xi32, #tpu.memory_space<vmem>> -> memref<80xi32, #tpu.memory_space<vmem>>
        %dma_start3A_33 = arith.constant 0 : i32
        %dma_start3A_34 = arith.constant 0 : i32
        %dma_start3A_35 = tpu.memref_slice %arg10[%dma_start3A_33, %dma_start3A_34] : memref<10000x128xf32, #tpu.memory_space<vmem_shared>> -> memref<10000x128xf32, #tpu.memory_space<vmem_shared>>
        tpu.enqueue_indirect_dma source(%arg9 : memref<80x128xf32, #tpu.memory_space<vmem>>) target(%dma_start3A_35 : memref<10000x128xf32, #tpu.memory_space<vmem_shared>>) offsets(%dma_start3A_32 : memref<80xi32, #tpu.memory_space<vmem>>) semaphore(%run_scoped3A : memref<!tpu.dma_semaphore, #tpu.memory_space<semaphore_mem>>) {add = true}
        %dma_wait3A_36 = arith.constant 0 : i32
        %dma_wait3A_37 = tpu.memref_slice %arg8[%scan3A_17, %dma_wait3A_36] : memref<125x80xi32, #tpu.memory_space<vmem>> -> memref<1x80xi32, #tpu.memory_space<vmem>>
        %dma_wait3A_38 = tpu.memref_squeeze %dma_wait3A_37 : memref<1x80xi32, #tpu.memory_space<vmem>> -> memref<80xi32, #tpu.memory_space<vmem>>
        %dma_wait3A_39 = arith.constant 0 : i32
        %dma_wait3A_40 = arith.constant 0 : i32
        %dma_wait3A_41 = tpu.memref_slice %arg10[%dma_wait3A_39, %dma_wait3A_40] : memref<10000x128xf32, #tpu.memory_space<vmem_shared>> -> memref<10000x128xf32, #tpu.memory_space<vmem_shared>>
        tpu.wait_indirect_dma semaphore(%run_scoped3A : memref<!tpu.dma_semaphore, #tpu.memory_space<semaphore_mem>>) src(%arg9 : memref<80x128xf32, #tpu.memory_space<vmem>>) dst(%dma_wait3A_41 : memref<10000x128xf32, #tpu.memory_space<vmem_shared>>)
        tpu.yield
      }) : () -> ()
      %scan3A_29 = arith.constant 0 : i32
      scf.yield %scan3A_29 : i32
    }
    %scan3A_10 = arith.constant 125 : i32
    %barrier3A_11 = arith.constant 0 : index
    tpu.barrier barrier_id(%barrier3A_11)
    "tpu.region"() ({
      %run_scoped3A = tpu.sem_alloc : memref<!tpu.dma_semaphore, #tpu.memory_space<semaphore_mem>>
      %dma_start3A = arith.constant 0 : i32
      %dma_start3A_17 = tpu.memref_slice %arg6[%arg0, %multiple_of3A, %dma_start3A] : memref<2x10000x128xf32, #tpu.memory_space<hbm>> -> memref<1x624x128xf32, #tpu.memory_space<hbm>>
      %dma_start3A_18 = tpu.memref_squeeze %dma_start3A_17 : memref<1x624x128xf32, #tpu.memory_space<hbm>> -> memref<624x128xf32, #tpu.memory_space<hbm>>
      %dma_start3A_19 = arith.constant 0 : i32
      %dma_start3A_20 = tpu.memref_slice %arg10[%multiple_of3A, %dma_start3A_19] : memref<10000x128xf32, #tpu.memory_space<vmem_shared>> -> memref<624x128xf32, #tpu.memory_space<vmem_shared>>
      tpu.enqueue_dma source(%dma_start3A_20 : memref<624x128xf32, #tpu.memory_space<vmem_shared>>) target(%dma_start3A_18 : memref<624x128xf32, #tpu.memory_space<hbm>>) target_semaphore(%run_scoped3A : memref<!tpu.dma_semaphore, #tpu.memory_space<semaphore_mem>>)
      %dma_wait3A = arith.constant 0 : i32
      %dma_wait3A_21 = tpu.memref_slice %arg6[%arg0, %multiple_of3A, %dma_wait3A] : memref<2x10000x128xf32, #tpu.memory_space<hbm>> -> memref<1x624x128xf32, #tpu.memory_space<hbm>>
      %dma_wait3A_22 = tpu.memref_squeeze %dma_wait3A_21 : memref<1x624x128xf32, #tpu.memory_space<hbm>> -> memref<624x128xf32, #tpu.memory_space<hbm>>
      %dma_wait3A_23 = arith.constant 0 : i32
      %dma_wait3A_24 = tpu.memref_slice %arg10[%multiple_of3A, %dma_wait3A_23] : memref<10000x128xf32, #tpu.memory_space<vmem_shared>> -> memref<624x128xf32, #tpu.memory_space<vmem_shared>>
      tpu.wait_dma2 semaphore(%run_scoped3A : memref<!tpu.dma_semaphore, #tpu.memory_space<semaphore_mem>>) src(%dma_wait3A_24 : memref<624x128xf32, #tpu.memory_space<vmem_shared>>) dst(%dma_wait3A_22 : memref<624x128xf32, #tpu.memory_space<hbm>>)
      tpu.yield
    }) : () -> ()
    %eq3A_12 = arith.constant 0 : i32
    %eq3A_13 = arith.cmpi eq, %arg1, %eq3A_12 : i32
    %convert_element_type3A_14 = arith.extui %eq3A_13 : i1 to i32
    %cond3A_15 = arith.constant 0 : i32
    %cond3A_16 = arith.cmpi ne, %convert_element_type3A_14, %cond3A_15 : i32
    scf.if %cond3A_16 {
      "tpu.region"() ({
        %run_scoped3A = tpu.sem_alloc : memref<!tpu.dma_semaphore, #tpu.memory_space<semaphore_mem>>
        %dma_start3A = arith.constant 9984 : i32
        %dma_start3A_17 = arith.constant 0 : i32
        %dma_start3A_18 = tpu.memref_slice %arg6[%arg0, %dma_start3A, %dma_start3A_17] : memref<2x10000x128xf32, #tpu.memory_space<hbm>> -> memref<1x16x128xf32, #tpu.memory_space<hbm>>
        %dma_start3A_19 = tpu.memref_squeeze %dma_start3A_18 : memref<1x16x128xf32, #tpu.memory_space<hbm>> -> memref<16x128xf32, #tpu.memory_space<hbm>>
        %dma_start3A_20 = arith.constant 9984 : i32
        %dma_start3A_21 = arith.constant 0 : i32
        %dma_start3A_22 = tpu.memref_slice %arg10[%dma_start3A_20, %dma_start3A_21] : memref<10000x128xf32, #tpu.memory_space<vmem_shared>> -> memref<16x128xf32, #tpu.memory_space<vmem_shared>>
        tpu.enqueue_dma source(%dma_start3A_22 : memref<16x128xf32, #tpu.memory_space<vmem_shared>>) target(%dma_start3A_19 : memref<16x128xf32, #tpu.memory_space<hbm>>) target_semaphore(%run_scoped3A : memref<!tpu.dma_semaphore, #tpu.memory_space<semaphore_mem>>)
        %dma_wait3A = arith.constant 9984 : i32
        %dma_wait3A_23 = arith.constant 0 : i32
        %dma_wait3A_24 = tpu.memref_slice %arg6[%arg0, %dma_wait3A, %dma_wait3A_23] : memref<2x10000x128xf32, #tpu.memory_space<hbm>> -> memref<1x16x128xf32, #tpu.memory_space<hbm>>
        %dma_wait3A_25 = tpu.memref_squeeze %dma_wait3A_24 : memref<1x16x128xf32, #tpu.memory_space<hbm>> -> memref<16x128xf32, #tpu.memory_space<hbm>>
        %dma_wait3A_26 = arith.constant 9984 : i32
        %dma_wait3A_27 = arith.constant 0 : i32
        %dma_wait3A_28 = tpu.memref_slice %arg10[%dma_wait3A_26, %dma_wait3A_27] : memref<10000x128xf32, #tpu.memory_space<vmem_shared>> -> memref<16x128xf32, #tpu.memory_space<vmem_shared>>
        tpu.wait_dma2 semaphore(%run_scoped3A : memref<!tpu.dma_semaphore, #tpu.memory_space<semaphore_mem>>) src(%dma_wait3A_28 : memref<16x128xf32, #tpu.memory_space<vmem_shared>>) dst(%dma_wait3A_25 : memref<16x128xf32, #tpu.memory_space<hbm>>)
        tpu.yield
      }) : () -> ()
    } else {
    }
    return
  }
}

#map = affine_map<(d0, d1) -> (0, 0)>
#map1 = affine_map<(d0, d1) -> (0, 0, 0)>
module attributes {stable_mosaic.version = 14 : i64} {
  func.func @_sc_agg_body(%arg0: i32, %arg1: i32, %arg2: memref<10000x128xf32, #tpu.memory_space<hbm>>, %arg3: memref<32x125x80xi32, #tpu.memory_space<hbm>>, %arg4: memref<32x125x80xi32, #tpu.memory_space<hbm>>, %arg5: memref<10000x128xf32, #tpu.memory_space<hbm>>, %arg6: memref<2x10000x128xf32, #tpu.memory_space<hbm>>, %arg7: memref<125x80xi32, #tpu.memory_space<vmem>>, %arg8: memref<125x80xi32, #tpu.memory_space<vmem>>, %arg9: memref<80x128xf32, #tpu.memory_space<vmem>>, %arg10: memref<10000x128xf32, #tpu.memory_space<vmem_shared>>, %arg11: memref<!tpu.dma_semaphore, #tpu.memory_space<semaphore_mem>>) attributes {dimension_semantics = [#tpu.dimension_semantics<core_parallel>, #tpu.dimension_semantics<subcore_parallel>], iteration_bounds = array<i64: 2, 16>, scalar_prefetch = 0 : i64, scratch_operands = 5 : i64, tpu.core_type = #tpu.core_type<sc_vector_subcore>, window_params = [{transform_indices = #map}, {transform_indices = #map1}, {transform_indices = #map1}, {transform_indices = #map}, {transform_indices = #map1}]} {
    %mul3A = arith.constant 16 : i32
    %mul3A_0 = arith.muli %arg0, %mul3A : i32
    %add3A = arith.addi %mul3A_0, %arg1 : i32
    %mul3A_1 = arith.constant 624 : i32
    %mul3A_2 = arith.muli %arg1, %mul3A_1 : i32
    %multiple_of3A = tpu.assume_multiple %mul3A_2, 8 : i32
    "tpu.region"() ({
      %run_scoped3A = tpu.sem_alloc : memref<!tpu.dma_semaphore, #tpu.memory_space<semaphore_mem>>
      %dma_start3A = arith.constant 0 : i32
      %dma_start3A_17 = arith.constant 0 : i32
      %dma_start3A_18 = tpu.memref_slice %arg3[%add3A, %dma_start3A, %dma_start3A_17] : memref<32x125x80xi32, #tpu.memory_space<hbm>> -> memref<1x125x80xi32, #tpu.memory_space<hbm>>
      %dma_start3A_19 = tpu.memref_squeeze %dma_start3A_18 : memref<1x125x80xi32, #tpu.memory_space<hbm>> -> memref<125x80xi32, #tpu.memory_space<hbm>>
      %dma_start3A_20 = arith.constant 0 : i32
      %dma_start3A_21 = arith.constant 0 : i32
      %dma_start3A_22 = tpu.memref_slice %arg3[%add3A, %dma_start3A_20, %dma_start3A_21] : memref<32x125x80xi32, #tpu.memory_space<hbm>> -> memref<1x125x80xi32, #tpu.memory_space<hbm>>
      %dma_start3A_23 = tpu.memref_squeeze %dma_start3A_22 : memref<1x125x80xi32, #tpu.memory_space<hbm>> -> memref<125x80xi32, #tpu.memory_space<hbm>>
      tpu.enqueue_dma source(%dma_start3A_23 : memref<125x80xi32, #tpu.memory_space<hbm>>) target(%arg7 : memref<125x80xi32, #tpu.memory_space<vmem>>) target_semaphore(%run_scoped3A : memref<!tpu.dma_semaphore, #tpu.memory_space<semaphore_mem>>)
      %dma_wait3A = arith.constant 0 : i32
      %dma_wait3A_24 = arith.constant 0 : i32
      %dma_wait3A_25 = tpu.memref_slice %arg3[%add3A, %dma_wait3A, %dma_wait3A_24] : memref<32x125x80xi32, #tpu.memory_space<hbm>> -> memref<1x125x80xi32, #tpu.memory_space<hbm>>
      %dma_wait3A_26 = tpu.memref_squeeze %dma_wait3A_25 : memref<1x125x80xi32, #tpu.memory_space<hbm>> -> memref<125x80xi32, #tpu.memory_space<hbm>>
      %dma_wait3A_27 = arith.constant 0 : i32
      %dma_wait3A_28 = arith.constant 0 : i32
      %dma_wait3A_29 = tpu.memref_slice %arg3[%add3A, %dma_wait3A_27, %dma_wait3A_28] : memref<32x125x80xi32, #tpu.memory_space<hbm>> -> memref<1x125x80xi32, #tpu.memory_space<hbm>>
      %dma_wait3A_30 = tpu.memref_squeeze %dma_wait3A_29 : memref<1x125x80xi32, #tpu.memory_space<hbm>> -> memref<125x80xi32, #tpu.memory_space<hbm>>
      tpu.wait_dma2 semaphore(%run_scoped3A : memref<!tpu.dma_semaphore, #tpu.memory_space<semaphore_mem>>) src(%dma_wait3A_30 : memref<125x80xi32, #tpu.memory_space<hbm>>) dst(%arg7 : memref<125x80xi32, #tpu.memory_space<vmem>>)
      tpu.yield
    }) : () -> ()
    "tpu.region"() ({
      %run_scoped3A = tpu.sem_alloc : memref<!tpu.dma_semaphore, #tpu.memory_space<semaphore_mem>>
      %dma_start3A = arith.constant 0 : i32
      %dma_start3A_17 = arith.constant 0 : i32
      %dma_start3A_18 = tpu.memref_slice %arg4[%add3A, %dma_start3A, %dma_start3A_17] : memref<32x125x80xi32, #tpu.memory_space<hbm>> -> memref<1x125x80xi32, #tpu.memory_space<hbm>>
      %dma_start3A_19 = tpu.memref_squeeze %dma_start3A_18 : memref<1x125x80xi32, #tpu.memory_space<hbm>> -> memref<125x80xi32, #tpu.memory_space<hbm>>
      %dma_start3A_20 = arith.constant 0 : i32
      %dma_start3A_21 = arith.constant 0 : i32
      %dma_start3A_22 = tpu.memref_slice %arg4[%add3A, %dma_start3A_20, %dma_start3A_21] : memref<32x125x80xi32, #tpu.memory_space<hbm>> -> memref<1x125x80xi32, #tpu.memory_space<hbm>>
      %dma_start3A_23 = tpu.memref_squeeze %dma_start3A_22 : memref<1x125x80xi32, #tpu.memory_space<hbm>> -> memref<125x80xi32, #tpu.memory_space<hbm>>
      tpu.enqueue_dma source(%dma_start3A_23 : memref<125x80xi32, #tpu.memory_space<hbm>>) target(%arg8 : memref<125x80xi32, #tpu.memory_space<vmem>>) target_semaphore(%run_scoped3A : memref<!tpu.dma_semaphore, #tpu.memory_space<semaphore_mem>>)
      %dma_wait3A = arith.constant 0 : i32
      %dma_wait3A_24 = arith.constant 0 : i32
      %dma_wait3A_25 = tpu.memref_slice %arg4[%add3A, %dma_wait3A, %dma_wait3A_24] : memref<32x125x80xi32, #tpu.memory_space<hbm>> -> memref<1x125x80xi32, #tpu.memory_space<hbm>>
      %dma_wait3A_26 = tpu.memref_squeeze %dma_wait3A_25 : memref<1x125x80xi32, #tpu.memory_space<hbm>> -> memref<125x80xi32, #tpu.memory_space<hbm>>
      %dma_wait3A_27 = arith.constant 0 : i32
      %dma_wait3A_28 = arith.constant 0 : i32
      %dma_wait3A_29 = tpu.memref_slice %arg4[%add3A, %dma_wait3A_27, %dma_wait3A_28] : memref<32x125x80xi32, #tpu.memory_space<hbm>> -> memref<1x125x80xi32, #tpu.memory_space<hbm>>
      %dma_wait3A_30 = tpu.memref_squeeze %dma_wait3A_29 : memref<1x125x80xi32, #tpu.memory_space<hbm>> -> memref<125x80xi32, #tpu.memory_space<hbm>>
      tpu.wait_dma2 semaphore(%run_scoped3A : memref<!tpu.dma_semaphore, #tpu.memory_space<semaphore_mem>>) src(%dma_wait3A_30 : memref<125x80xi32, #tpu.memory_space<hbm>>) dst(%arg8 : memref<125x80xi32, #tpu.memory_space<vmem>>)
      tpu.yield
    }) : () -> ()
    "tpu.region"() ({
      %run_scoped3A = tpu.sem_alloc : memref<!tpu.dma_semaphore, #tpu.memory_space<semaphore_mem>>
      %dma_start3A = arith.constant 0 : i32
      %dma_start3A_17 = tpu.memref_slice %arg10[%multiple_of3A, %dma_start3A] : memref<10000x128xf32, #tpu.memory_space<vmem_shared>> -> memref<624x128xf32, #tpu.memory_space<vmem_shared>>
      %dma_start3A_18 = arith.constant 0 : i32
      %dma_start3A_19 = tpu.memref_slice %arg5[%multiple_of3A, %dma_start3A_18] : memref<10000x128xf32, #tpu.memory_space<hbm>> -> memref<624x128xf32, #tpu.memory_space<hbm>>
      tpu.enqueue_dma source(%dma_start3A_19 : memref<624x128xf32, #tpu.memory_space<hbm>>) target(%dma_start3A_17 : memref<624x128xf32, #tpu.memory_space<vmem_shared>>) target_semaphore(%run_scoped3A : memref<!tpu.dma_semaphore, #tpu.memory_space<semaphore_mem>>)
      %dma_wait3A = arith.constant 0 : i32
      %dma_wait3A_20 = tpu.memref_slice %arg10[%multiple_of3A, %dma_wait3A] : memref<10000x128xf32, #tpu.memory_space<vmem_shared>> -> memref<624x128xf32, #tpu.memory_space<vmem_shared>>
      %dma_wait3A_21 = arith.constant 0 : i32
      %dma_wait3A_22 = tpu.memref_slice %arg5[%multiple_of3A, %dma_wait3A_21] : memref<10000x128xf32, #tpu.memory_space<hbm>> -> memref<624x128xf32, #tpu.memory_space<hbm>>
      tpu.wait_dma2 semaphore(%run_scoped3A : memref<!tpu.dma_semaphore, #tpu.memory_space<semaphore_mem>>) src(%dma_wait3A_22 : memref<624x128xf32, #tpu.memory_space<hbm>>) dst(%dma_wait3A_20 : memref<624x128xf32, #tpu.memory_space<vmem_shared>>)
      tpu.yield
    }) : () -> ()
    %eq3A = arith.constant 0 : i32
    %eq3A_3 = arith.cmpi eq, %arg1, %eq3A : i32
    %convert_element_type3A = arith.extui %eq3A_3 : i1 to i32
    %cond3A = arith.constant 0 : i32
    %cond3A_4 = arith.cmpi ne, %convert_element_type3A, %cond3A : i32
    scf.if %cond3A_4 {
      "tpu.region"() ({
        %run_scoped3A = tpu.sem_alloc : memref<!tpu.dma_semaphore, #tpu.memory_space<semaphore_mem>>
        %dma_start3A = arith.constant 9984 : i32
        %dma_start3A_17 = arith.constant 0 : i32
        %dma_start3A_18 = tpu.memref_slice %arg10[%dma_start3A, %dma_start3A_17] : memref<10000x128xf32, #tpu.memory_space<vmem_shared>> -> memref<16x128xf32, #tpu.memory_space<vmem_shared>>
        %dma_start3A_19 = arith.constant 9984 : i32
        %dma_start3A_20 = arith.constant 0 : i32
        %dma_start3A_21 = tpu.memref_slice %arg5[%dma_start3A_19, %dma_start3A_20] : memref<10000x128xf32, #tpu.memory_space<hbm>> -> memref<16x128xf32, #tpu.memory_space<hbm>>
        tpu.enqueue_dma source(%dma_start3A_21 : memref<16x128xf32, #tpu.memory_space<hbm>>) target(%dma_start3A_18 : memref<16x128xf32, #tpu.memory_space<vmem_shared>>) target_semaphore(%run_scoped3A : memref<!tpu.dma_semaphore, #tpu.memory_space<semaphore_mem>>)
        %dma_wait3A = arith.constant 9984 : i32
        %dma_wait3A_22 = arith.constant 0 : i32
        %dma_wait3A_23 = tpu.memref_slice %arg10[%dma_wait3A, %dma_wait3A_22] : memref<10000x128xf32, #tpu.memory_space<vmem_shared>> -> memref<16x128xf32, #tpu.memory_space<vmem_shared>>
        %dma_wait3A_24 = arith.constant 9984 : i32
        %dma_wait3A_25 = arith.constant 0 : i32
        %dma_wait3A_26 = tpu.memref_slice %arg5[%dma_wait3A_24, %dma_wait3A_25] : memref<10000x128xf32, #tpu.memory_space<hbm>> -> memref<16x128xf32, #tpu.memory_space<hbm>>
        tpu.wait_dma2 semaphore(%run_scoped3A : memref<!tpu.dma_semaphore, #tpu.memory_space<semaphore_mem>>) src(%dma_wait3A_26 : memref<16x128xf32, #tpu.memory_space<hbm>>) dst(%dma_wait3A_23 : memref<16x128xf32, #tpu.memory_space<vmem_shared>>)
        tpu.yield
      }) : () -> ()
    } else {
    }
    %barrier3A = arith.constant 0 : index
    tpu.barrier barrier_id(%barrier3A)
    %scan3A = arith.constant 0 : i32
    %scan3A_5 = arith.constant 0 : i32
    %scan3A_6 = arith.constant 125 : i32
    %scan3A_7 = arith.addi %scan3A_5, %scan3A_6 : i32
    %scan3A_8 = arith.constant 1 : i32
    %scan3A_9 = scf.for %scan3A_17 = %scan3A_5 to %scan3A_7 step %scan3A_8 iter_args(%scan3A_18 = %scan3A) -> (i32)  : i32 {
      %dma_start3A = arith.constant 0 : i32
      %dma_start3A_19 = tpu.memref_slice %arg7[%scan3A_17, %dma_start3A] : memref<125x80xi32, #tpu.memory_space<vmem>> -> memref<1x80xi32, #tpu.memory_space<vmem>>
      %dma_start3A_20 = tpu.memref_squeeze %dma_start3A_19 : memref<1x80xi32, #tpu.memory_space<vmem>> -> memref<80xi32, #tpu.memory_space<vmem>>
      %dma_start3A_21 = arith.constant 0 : i32
      %dma_start3A_22 = arith.constant 0 : i32
      %dma_start3A_23 = tpu.memref_slice %arg2[%dma_start3A_21, %dma_start3A_22] : memref<10000x128xf32, #tpu.memory_space<hbm>> -> memref<10000x128xf32, #tpu.memory_space<hbm>>
      tpu.enqueue_indirect_dma source(%dma_start3A_23 : memref<10000x128xf32, #tpu.memory_space<hbm>>) target(%arg9 : memref<80x128xf32, #tpu.memory_space<vmem>>) offsets(%dma_start3A_20 : memref<80xi32, #tpu.memory_space<vmem>>) semaphore(%arg11 : memref<!tpu.dma_semaphore, #tpu.memory_space<semaphore_mem>>)
      %dma_wait3A = arith.constant 0 : i32
      %dma_wait3A_24 = tpu.memref_slice %arg7[%scan3A_17, %dma_wait3A] : memref<125x80xi32, #tpu.memory_space<vmem>> -> memref<1x80xi32, #tpu.memory_space<vmem>>
      %dma_wait3A_25 = tpu.memref_squeeze %dma_wait3A_24 : memref<1x80xi32, #tpu.memory_space<vmem>> -> memref<80xi32, #tpu.memory_space<vmem>>
      %dma_wait3A_26 = arith.constant 0 : i32
      %dma_wait3A_27 = arith.constant 0 : i32
      %dma_wait3A_28 = tpu.memref_slice %arg2[%dma_wait3A_26, %dma_wait3A_27] : memref<10000x128xf32, #tpu.memory_space<hbm>> -> memref<10000x128xf32, #tpu.memory_space<hbm>>
      tpu.wait_indirect_dma semaphore(%arg11 : memref<!tpu.dma_semaphore, #tpu.memory_space<semaphore_mem>>) src(%dma_wait3A_28 : memref<10000x128xf32, #tpu.memory_space<hbm>>) dst(%arg9 : memref<80x128xf32, #tpu.memory_space<vmem>>)
      "tpu.region"() ({
        %run_scoped3A = tpu.sem_alloc : memref<!tpu.dma_semaphore, #tpu.memory_space<semaphore_mem>>
        %dma_start3A_30 = arith.constant 0 : i32
        %dma_start3A_31 = tpu.memref_slice %arg8[%scan3A_17, %dma_start3A_30] : memref<125x80xi32, #tpu.memory_space<vmem>> -> memref<1x80xi32, #tpu.memory_space<vmem>>
        %dma_start3A_32 = tpu.memref_squeeze %dma_start3A_31 : memref<1x80xi32, #tpu.memory_space<vmem>> -> memref<80xi32, #tpu.memory_space<vmem>>
        %dma_start3A_33 = arith.constant 0 : i32
        %dma_start3A_34 = arith.constant 0 : i32
        %dma_start3A_35 = tpu.memref_slice %arg10[%dma_start3A_33, %dma_start3A_34] : memref<10000x128xf32, #tpu.memory_space<vmem_shared>> -> memref<10000x128xf32, #tpu.memory_space<vmem_shared>>
        tpu.enqueue_indirect_dma source(%arg9 : memref<80x128xf32, #tpu.memory_space<vmem>>) target(%dma_start3A_35 : memref<10000x128xf32, #tpu.memory_space<vmem_shared>>) offsets(%dma_start3A_32 : memref<80xi32, #tpu.memory_space<vmem>>) semaphore(%run_scoped3A : memref<!tpu.dma_semaphore, #tpu.memory_space<semaphore_mem>>) {add = true}
        %dma_wait3A_36 = arith.constant 0 : i32
        %dma_wait3A_37 = tpu.memref_slice %arg8[%scan3A_17, %dma_wait3A_36] : memref<125x80xi32, #tpu.memory_space<vmem>> -> memref<1x80xi32, #tpu.memory_space<vmem>>
        %dma_wait3A_38 = tpu.memref_squeeze %dma_wait3A_37 : memref<1x80xi32, #tpu.memory_space<vmem>> -> memref<80xi32, #tpu.memory_space<vmem>>
        %dma_wait3A_39 = arith.constant 0 : i32
        %dma_wait3A_40 = arith.constant 0 : i32
        %dma_wait3A_41 = tpu.memref_slice %arg10[%dma_wait3A_39, %dma_wait3A_40] : memref<10000x128xf32, #tpu.memory_space<vmem_shared>> -> memref<10000x128xf32, #tpu.memory_space<vmem_shared>>
        tpu.wait_indirect_dma semaphore(%run_scoped3A : memref<!tpu.dma_semaphore, #tpu.memory_space<semaphore_mem>>) src(%arg9 : memref<80x128xf32, #tpu.memory_space<vmem>>) dst(%dma_wait3A_41 : memref<10000x128xf32, #tpu.memory_space<vmem_shared>>)
        tpu.yield
      }) : () -> ()
      %scan3A_29 = arith.constant 0 : i32
      scf.yield %scan3A_29 : i32
    }
    %scan3A_10 = arith.constant 125 : i32
    %barrier3A_11 = arith.constant 0 : index
    tpu.barrier barrier_id(%barrier3A_11)
    "tpu.region"() ({
      %run_scoped3A = tpu.sem_alloc : memref<!tpu.dma_semaphore, #tpu.memory_space<semaphore_mem>>
      %dma_start3A = arith.constant 0 : i32
      %dma_start3A_17 = tpu.memref_slice %arg6[%arg0, %multiple_of3A, %dma_start3A] : memref<2x10000x128xf32, #tpu.memory_space<hbm>> -> memref<1x624x128xf32, #tpu.memory_space<hbm>>
      %dma_start3A_18 = tpu.memref_squeeze %dma_start3A_17 : memref<1x624x128xf32, #tpu.memory_space<hbm>> -> memref<624x128xf32, #tpu.memory_space<hbm>>
      %dma_start3A_19 = arith.constant 0 : i32
      %dma_start3A_20 = tpu.memref_slice %arg10[%multiple_of3A, %dma_start3A_19] : memref<10000x128xf32, #tpu.memory_space<vmem_shared>> -> memref<624x128xf32, #tpu.memory_space<vmem_shared>>
      tpu.enqueue_dma source(%dma_start3A_20 : memref<624x128xf32, #tpu.memory_space<vmem_shared>>) target(%dma_start3A_18 : memref<624x128xf32, #tpu.memory_space<hbm>>) target_semaphore(%run_scoped3A : memref<!tpu.dma_semaphore, #tpu.memory_space<semaphore_mem>>)
      %dma_wait3A = arith.constant 0 : i32
      %dma_wait3A_21 = tpu.memref_slice %arg6[%arg0, %multiple_of3A, %dma_wait3A] : memref<2x10000x128xf32, #tpu.memory_space<hbm>> -> memref<1x624x128xf32, #tpu.memory_space<hbm>>
      %dma_wait3A_22 = tpu.memref_squeeze %dma_wait3A_21 : memref<1x624x128xf32, #tpu.memory_space<hbm>> -> memref<624x128xf32, #tpu.memory_space<hbm>>
      %dma_wait3A_23 = arith.constant 0 : i32
      %dma_wait3A_24 = tpu.memref_slice %arg10[%multiple_of3A, %dma_wait3A_23] : memref<10000x128xf32, #tpu.memory_space<vmem_shared>> -> memref<624x128xf32, #tpu.memory_space<vmem_shared>>
      tpu.wait_dma2 semaphore(%run_scoped3A : memref<!tpu.dma_semaphore, #tpu.memory_space<semaphore_mem>>) src(%dma_wait3A_24 : memref<624x128xf32, #tpu.memory_space<vmem_shared>>) dst(%dma_wait3A_22 : memref<624x128xf32, #tpu.memory_space<hbm>>)
      tpu.yield
    }) : () -> ()
    %eq3A_12 = arith.constant 0 : i32
    %eq3A_13 = arith.cmpi eq, %arg1, %eq3A_12 : i32
    %convert_element_type3A_14 = arith.extui %eq3A_13 : i1 to i32
    %cond3A_15 = arith.constant 0 : i32
    %cond3A_16 = arith.cmpi ne, %convert_element_type3A_14, %cond3A_15 : i32
    scf.if %cond3A_16 {
      "tpu.region"() ({
        %run_scoped3A = tpu.sem_alloc : memref<!tpu.dma_semaphore, #tpu.memory_space<semaphore_mem>>
        %dma_start3A = arith.constant 9984 : i32
        %dma_start3A_17 = arith.constant 0 : i32
        %dma_start3A_18 = tpu.memref_slice %arg6[%arg0, %dma_start3A, %dma_start3A_17] : memref<2x10000x128xf32, #tpu.memory_space<hbm>> -> memref<1x16x128xf32, #tpu.memory_space<hbm>>
        %dma_start3A_19 = tpu.memref_squeeze %dma_start3A_18 : memref<1x16x128xf32, #tpu.memory_space<hbm>> -> memref<16x128xf32, #tpu.memory_space<hbm>>
        %dma_start3A_20 = arith.constant 9984 : i32
        %dma_start3A_21 = arith.constant 0 : i32
        %dma_start3A_22 = tpu.memref_slice %arg10[%dma_start3A_20, %dma_start3A_21] : memref<10000x128xf32, #tpu.memory_space<vmem_shared>> -> memref<16x128xf32, #tpu.memory_space<vmem_shared>>
        tpu.enqueue_dma source(%dma_start3A_22 : memref<16x128xf32, #tpu.memory_space<vmem_shared>>) target(%dma_start3A_19 : memref<16x128xf32, #tpu.memory_space<hbm>>) target_semaphore(%run_scoped3A : memref<!tpu.dma_semaphore, #tpu.memory_space<semaphore_mem>>)
        %dma_wait3A = arith.constant 9984 : i32
        %dma_wait3A_23 = arith.constant 0 : i32
        %dma_wait3A_24 = tpu.memref_slice %arg6[%arg0, %dma_wait3A, %dma_wait3A_23] : memref<2x10000x128xf32, #tpu.memory_space<hbm>> -> memref<1x16x128xf32, #tpu.memory_space<hbm>>
        %dma_wait3A_25 = tpu.memref_squeeze %dma_wait3A_24 : memref<1x16x128xf32, #tpu.memory_space<hbm>> -> memref<16x128xf32, #tpu.memory_space<hbm>>
        %dma_wait3A_26 = arith.constant 9984 : i32
        %dma_wait3A_27 = arith.constant 0 : i32
        %dma_wait3A_28 = tpu.memref_slice %arg10[%dma_wait3A_26, %dma_wait3A_27] : memref<10000x128xf32, #tpu.memory_space<vmem_shared>> -> memref<16x128xf32, #tpu.memory_space<vmem_shared>>
        tpu.wait_dma2 semaphore(%run_scoped3A : memref<!tpu.dma_semaphore, #tpu.memory_space<semaphore_mem>>) src(%dma_wait3A_28 : memref<16x128xf32, #tpu.memory_space<vmem_shared>>) dst(%dma_wait3A_25 : memref<16x128xf32, #tpu.memory_space<hbm>>)
        tpu.yield
      }) : () -> ()
    } else {
    }
    return
  }
}

module attributes {stable_mosaic.version = 14 : i64} {
  func.func @_tc0_body(%arg0: i32, %arg1: memref<1000x128xf32, #tpu.memory_space<vmem>>, %arg2: memref<128x128xf32, #tpu.memory_space<vmem>>, %arg3: memref<1x128xf32, #tpu.memory_space<vmem>>, %arg4: memref<128x128xf32, #tpu.memory_space<vmem>>, %arg5: memref<128x128xf32, #tpu.memory_space<vmem>>, %arg6: memref<1x128xf32, #tpu.memory_space<vmem>>, %arg7: memref<1000x128xf32, #tpu.memory_space<vmem>>, %arg8: memref<1000x128xf32, #tpu.memory_space<vmem>>) attributes {dimension_semantics = [#tpu.dimension_semantics<arbitrary>], iteration_bounds = array<i64: 10>, scalar_prefetch = 0 : i64, scratch_operands = 0 : i64, tpu.core_type = #tpu.core_type<tc>, window_params = [{transform_indices = @transform_0, window_bounds = array<i64: 1000, 128>}, {pipeline_mode = #tpu.pipeline_mode<synchronous>, transform_indices = @transform_1, window_bounds = array<i64: 128, 128>}, {pipeline_mode = #tpu.pipeline_mode<synchronous>, transform_indices = @transform_2, window_bounds = array<i64: 1, 128>}, {pipeline_mode = #tpu.pipeline_mode<synchronous>, transform_indices = @transform_3, window_bounds = array<i64: 128, 128>}, {pipeline_mode = #tpu.pipeline_mode<synchronous>, transform_indices = @transform_4, window_bounds = array<i64: 128, 128>}, {pipeline_mode = #tpu.pipeline_mode<synchronous>, transform_indices = @transform_5, window_bounds = array<i64: 1, 128>}, {transform_indices = @transform_6, window_bounds = array<i64: 1000, 128>}, {transform_indices = @transform_7, window_bounds = array<i64: 1000, 128>}]} {
    %get3A = arith.constant 0 : index
    %get3A_0 = arith.constant 0 : index
    %get3A_1 = vector.load %arg1[%get3A, %get3A_0] : memref<1000x128xf32, #tpu.memory_space<vmem>>, vector<1000x128xf32>
    %get3A_2 = arith.constant 0 : index
    %get3A_3 = arith.constant 0 : index
    %get3A_4 = vector.load %arg2[%get3A_2, %get3A_3] : memref<128x128xf32, #tpu.memory_space<vmem>>, vector<128x128xf32>
    %dot_general3A = arith.constant dense<0.000000e+00> : vector<1000x128xf32>
    %dot_general3A_5 = tpu.matmul %get3A_1, %get3A_4, %dot_general3A {dimension_numbers = #tpu.dot_dimension_numbers<[1], [0], [0], [1], [0, 0, 1, 1], [], []>, transpose_lhs_hint = false} : vector<1000x128xf32>, vector<128x128xf32>, vector<1000x128xf32> -> vector<1000x128xf32>
    %get3A_6 = arith.constant 0 : index
    %get3A_7 = arith.constant 0 : index
    %get3A_8 = vector.load %arg3[%get3A_6, %get3A_7] : memref<1x128xf32, #tpu.memory_space<vmem>>, vector<1x128xf32>
    %add3A = vector.broadcast %get3A_8 : vector<1x128xf32> to vector<1000x128xf32>
    %add3A_9 = arith.addf %dot_general3A_5, %add3A : vector<1000x128xf32>
    %get3A_10 = arith.constant 0 : index
    %get3A_11 = arith.constant 0 : index
    %get3A_12 = vector.load %arg4[%get3A_10, %get3A_11] : memref<128x128xf32, #tpu.memory_space<vmem>>, vector<128x128xf32>
    %dot_general3A_13 = arith.constant dense<0.000000e+00> : vector<1000x128xf32>
    %dot_general3A_14 = tpu.matmul %add3A_9, %get3A_12, %dot_general3A_13 {dimension_numbers = #tpu.dot_dimension_numbers<[1], [0], [0], [1], [0, 0, 1, 1], [], []>, transpose_lhs_hint = false} : vector<1000x128xf32>, vector<128x128xf32>, vector<1000x128xf32> -> vector<1000x128xf32>
    %swap3A = arith.constant 0 : index
    %swap3A_15 = arith.constant 0 : index
    %swap3A_16 = vector.load %arg7[%swap3A, %swap3A_15] : memref<1000x128xf32, #tpu.memory_space<vmem>>, vector<1000x128xf32>
    tpu.vector_store %arg7[%swap3A, %swap3A_15], %dot_general3A_14 {strides = array<i32>} : memref<1000x128xf32, #tpu.memory_space<vmem>>, vector<1000x128xf32>,
    %get3A_17 = arith.constant 0 : index
    %get3A_18 = arith.constant 0 : index
    %get3A_19 = vector.load %arg5[%get3A_17, %get3A_18] : memref<128x128xf32, #tpu.memory_space<vmem>>, vector<128x128xf32>
    %dot_general3A_20 = arith.constant dense<0.000000e+00> : vector<1000x128xf32>
    %dot_general3A_21 = tpu.matmul %add3A_9, %get3A_19, %dot_general3A_20 {dimension_numbers = #tpu.dot_dimension_numbers<[1], [0], [0], [1], [0, 0, 1, 1], [], []>, transpose_lhs_hint = false} : vector<1000x128xf32>, vector<128x128xf32>, vector<1000x128xf32> -> vector<1000x128xf32>
    %add3A_22 = arith.addf %add3A_9, %dot_general3A_21 : vector<1000x128xf32>
    %get3A_23 = arith.constant 0 : index
    %get3A_24 = arith.constant 0 : index
    %get3A_25 = vector.load %arg6[%get3A_23, %get3A_24] : memref<1x128xf32, #tpu.memory_space<vmem>>, vector<1x128xf32>
    %add3A_26 = vector.broadcast %get3A_25 : vector<1x128xf32> to vector<1000x128xf32>
    %add3A_27 = arith.addf %add3A_22, %add3A_26 : vector<1000x128xf32>
    %swap3A_28 = arith.constant 0 : index
    %swap3A_29 = arith.constant 0 : index
    %swap3A_30 = vector.load %arg8[%swap3A_28, %swap3A_29] : memref<1000x128xf32, #tpu.memory_space<vmem>>, vector<1000x128xf32>
    tpu.vector_store %arg8[%swap3A_28, %swap3A_29], %add3A_27 {strides = array<i32>} : memref<1000x128xf32, #tpu.memory_space<vmem>>, vector<1000x128xf32>,
    return
  }
  func.func @transform_0(%arg0: i32) -> (i32, i32) {
    %c0_i32 = arith.constant 0 : i32
    %c0_i32_0 = arith.constant 0 : i32
    return %arg0, %c0_i32 : i32, i32
  }
  func.func @transform_1(%arg0: i32) -> (i32, i32) {
    %c0_i32 = arith.constant 0 : i32
    %c0_i32_0 = arith.constant 0 : i32
    %c0_i32_1 = arith.constant 0 : i32
    return %c0_i32, %c0_i32_0 : i32, i32
  }
  func.func @transform_2(%arg0: i32) -> (i32, i32) {
    %c0_i32 = arith.constant 0 : i32
    %c0_i32_0 = arith.constant 0 : i32
    %c0_i32_1 = arith.constant 0 : i32
    return %c0_i32, %c0_i32_0 : i32, i32
  }
  func.func @transform_3(%arg0: i32) -> (i32, i32) {
    %c0_i32 = arith.constant 0 : i32
    %c0_i32_0 = arith.constant 0 : i32
    %c0_i32_1 = arith.constant 0 : i32
    return %c0_i32, %c0_i32_0 : i32, i32
  }
  func.func @transform_4(%arg0: i32) -> (i32, i32) {
    %c0_i32 = arith.constant 0 : i32
    %c0_i32_0 = arith.constant 0 : i32
    %c0_i32_1 = arith.constant 0 : i32
    return %c0_i32, %c0_i32_0 : i32, i32
  }
  func.func @transform_5(%arg0: i32) -> (i32, i32) {
    %c0_i32 = arith.constant 0 : i32
    %c0_i32_0 = arith.constant 0 : i32
    %c0_i32_1 = arith.constant 0 : i32
    return %c0_i32, %c0_i32_0 : i32, i32
  }
  func.func @transform_6(%arg0: i32) -> (i32, i32) {
    %c0_i32 = arith.constant 0 : i32
    %c0_i32_0 = arith.constant 0 : i32
    return %arg0, %c0_i32 : i32, i32
  }
  func.func @transform_7(%arg0: i32) -> (i32, i32) {
    %c0_i32 = arith.constant 0 : i32
    %c0_i32_0 = arith.constant 0 : i32
    return %arg0, %c0_i32 : i32, i32
  }
}

module attributes {stable_mosaic.version = 14 : i64} {
  func.func @_tcmid_body(%arg0: i32, %arg1: memref<1000x128xf32, #tpu.memory_space<vmem>>, %arg2: memref<2x1000x128xf32, #tpu.memory_space<vmem>>, %arg3: memref<2x1000x128xf32, #tpu.memory_space<vmem>>, %arg4: memref<1x128xf32, #tpu.memory_space<vmem>>, %arg5: memref<1x128xf32, #tpu.memory_space<vmem>>, %arg6: memref<128x128xf32, #tpu.memory_space<vmem>>, %arg7: memref<128x128xf32, #tpu.memory_space<vmem>>, %arg8: memref<1x128xf32, #tpu.memory_space<vmem>>, %arg9: memref<1000x128xf32, #tpu.memory_space<vmem>>, %arg10: memref<1000x128xf32, #tpu.memory_space<vmem>>) attributes {dimension_semantics = [#tpu.dimension_semantics<arbitrary>], iteration_bounds = array<i64: 10>, scalar_prefetch = 0 : i64, scratch_operands = 0 : i64, tpu.core_type = #tpu.core_type<tc>, window_params = [{transform_indices = @transform_0, window_bounds = array<i64: 1000, 128>}, {transform_indices = @transform_1, window_bounds = array<i64: 2, 1000, 128>}, {transform_indices = @transform_2, window_bounds = array<i64: 2, 1000, 128>}, {pipeline_mode = #tpu.pipeline_mode<synchronous>, transform_indices = @transform_3, window_bounds = array<i64: 1, 128>}, {pipeline_mode = #tpu.pipeline_mode<synchronous>, transform_indices = @transform_4, window_bounds = array<i64: 1, 128>}, {pipeline_mode = #tpu.pipeline_mode<synchronous>, transform_indices = @transform_5, window_bounds = array<i64: 128, 128>}, {pipeline_mode = #tpu.pipeline_mode<synchronous>, transform_indices = @transform_6, window_bounds = array<i64: 128, 128>}, {pipeline_mode = #tpu.pipeline_mode<synchronous>, transform_indices = @transform_7, window_bounds = array<i64: 1, 128>}, {transform_indices = @transform_8, window_bounds = array<i64: 1000, 128>}, {transform_indices = @transform_9, window_bounds = array<i64: 1000, 128>}]} {
    %get3A = arith.constant 0 : index
    %get3A_0 = arith.constant 0 : index
    %get3A_1 = arith.constant 0 : index
    %get3A_2 = vector.load %arg2[%get3A, %get3A_0, %get3A_1] : memref<2x1000x128xf32, #tpu.memory_space<vmem>>, vector<1x1000x128xf32>
    %get3A_3 = vector.shape_cast %get3A_2 : vector<1x1000x128xf32> to vector<1000x128xf32>
    %get3A_4 = arith.constant 1 : index
    %get3A_5 = arith.constant 0 : index
    %get3A_6 = arith.constant 0 : index
    %get3A_7 = vector.load %arg2[%get3A_4, %get3A_5, %get3A_6] : memref<2x1000x128xf32, #tpu.memory_space<vmem>>, vector<1x1000x128xf32>
    %get3A_8 = vector.shape_cast %get3A_7 : vector<1x1000x128xf32> to vector<1000x128xf32>
    %add3A = arith.addf %get3A_3, %get3A_8 : vector<1000x128xf32>
    %get3A_9 = arith.constant 0 : index
    %get3A_10 = arith.constant 0 : index
    %get3A_11 = arith.constant 0 : index
    %get3A_12 = vector.load %arg3[%get3A_9, %get3A_10, %get3A_11] : memref<2x1000x128xf32, #tpu.memory_space<vmem>>, vector<1x1000x1xf32>
    %get3A_13 = vector.shape_cast %get3A_12 : vector<1x1000x1xf32> to vector<1000x1xf32>
    %get3A_14 = arith.constant 1 : index
    %get3A_15 = arith.constant 0 : index
    %get3A_16 = arith.constant 0 : index
    %get3A_17 = vector.load %arg3[%get3A_14, %get3A_15, %get3A_16] : memref<2x1000x128xf32, #tpu.memory_space<vmem>>, vector<1x1000x1xf32>
    %get3A_18 = vector.shape_cast %get3A_17 : vector<1x1000x1xf32> to vector<1000x1xf32>
    %add3A_19 = arith.addf %get3A_13, %get3A_18 : vector<1000x1xf32>
    %max3A = arith.constant 1.000000e+00 : f32
    %max3A_20 = vector.broadcast %max3A : f32 to vector<1000x1xf32>
    %max3A_21 = arith.maximumf %add3A_19, %max3A_20 : vector<1000x1xf32>
    %div3A = arith.constant 1.000000e+00 : f32
    %div3A_22 = vector.broadcast %div3A : f32 to vector<1000x1xf32>
    %div3A_23 = arith.divf %div3A_22, %max3A_21 : vector<1000x1xf32>
    %get3A_24 = arith.constant 0 : index
    %get3A_25 = arith.constant 0 : index
    %get3A_26 = vector.load %arg1[%get3A_24, %get3A_25] : memref<1000x128xf32, #tpu.memory_space<vmem>>, vector<1000x128xf32>
    %mul3A = vector.broadcast %div3A_23 : vector<1000x1xf32> to vector<1000x128xf32>
    %mul3A_27 = arith.mulf %add3A, %mul3A : vector<1000x128xf32>
    %add3A_28 = arith.addf %get3A_26, %mul3A_27 : vector<1000x128xf32>
    %reduce_sum3A = arith.constant dense<0.000000e+00> : vector<1000xf32>
    %reduce_sum3A_29 = vector.multi_reduction <add>, %add3A_28, %reduce_sum3A [1] : vector<1000x128xf32> to vector<1000xf32>
    %broadcast_in_dim3A = vector.shape_cast %reduce_sum3A_29 : vector<1000xf32> to vector<1000x1xf32>
    %div3A_30 = arith.constant 1.280000e+02 : f32
    %div3A_31 = vector.broadcast %div3A_30 : f32 to vector<1000x1xf32>
    %div3A_32 = arith.divf %broadcast_in_dim3A, %div3A_31 : vector<1000x1xf32>
    %sub3A = vector.broadcast %div3A_32 : vector<1000x1xf32> to vector<1000x128xf32>
    %sub3A_33 = arith.subf %add3A_28, %sub3A : vector<1000x128xf32>
    %sub3A_34 = vector.broadcast %div3A_32 : vector<1000x1xf32> to vector<1000x128xf32>
    %sub3A_35 = arith.subf %add3A_28, %sub3A_34 : vector<1000x128xf32>
    %mul3A_36 = arith.mulf %sub3A_33, %sub3A_35 : vector<1000x128xf32>
    %reduce_sum3A_37 = arith.constant dense<0.000000e+00> : vector<1000xf32>
    %reduce_sum3A_38 = vector.multi_reduction <add>, %mul3A_36, %reduce_sum3A_37 [1] : vector<1000x128xf32> to vector<1000xf32>
    %broadcast_in_dim3A_39 = vector.shape_cast %reduce_sum3A_38 : vector<1000xf32> to vector<1000x1xf32>
    %div3A_40 = arith.constant 1.280000e+02 : f32
    %div3A_41 = vector.broadcast %div3A_40 : f32 to vector<1000x1xf32>
    %div3A_42 = arith.divf %broadcast_in_dim3A_39, %div3A_41 : vector<1000x1xf32>
    %sub3A_43 = vector.broadcast %div3A_32 : vector<1000x1xf32> to vector<1000x128xf32>
    %sub3A_44 = arith.subf %add3A_28, %sub3A_43 : vector<1000x128xf32>
    %add3A_45 = arith.constant 9.99999974E-6 : f32
    %add3A_46 = vector.broadcast %add3A_45 : f32 to vector<1000x1xf32>
    %add3A_47 = arith.addf %div3A_42, %add3A_46 : vector<1000x1xf32>
    %rsqrt3A = math.rsqrt %add3A_47 : vector<1000x1xf32>
    %mul3A_48 = vector.broadcast %rsqrt3A : vector<1000x1xf32> to vector<1000x128xf32>
    %mul3A_49 = arith.mulf %sub3A_44, %mul3A_48 : vector<1000x128xf32>
    %get3A_50 = arith.constant 0 : index
    %get3A_51 = arith.constant 0 : index
    %get3A_52 = vector.load %arg4[%get3A_50, %get3A_51] : memref<1x128xf32, #tpu.memory_space<vmem>>, vector<1x128xf32>
    %mul3A_53 = vector.broadcast %get3A_52 : vector<1x128xf32> to vector<1000x128xf32>
    %mul3A_54 = arith.mulf %mul3A_49, %mul3A_53 : vector<1000x128xf32>
    %get3A_55 = arith.constant 0 : index
    %get3A_56 = arith.constant 0 : index
    %get3A_57 = vector.load %arg5[%get3A_55, %get3A_56] : memref<1x128xf32, #tpu.memory_space<vmem>>, vector<1x128xf32>
    %add3A_58 = vector.broadcast %get3A_57 : vector<1x128xf32> to vector<1000x128xf32>
    %add3A_59 = arith.addf %mul3A_54, %add3A_58 : vector<1000x128xf32>
    %get3A_60 = arith.constant 0 : index
    %get3A_61 = arith.constant 0 : index
    %get3A_62 = vector.load %arg6[%get3A_60, %get3A_61] : memref<128x128xf32, #tpu.memory_space<vmem>>, vector<128x128xf32>
    %dot_general3A = arith.constant dense<0.000000e+00> : vector<1000x128xf32>
    %dot_general3A_63 = tpu.matmul %add3A_59, %get3A_62, %dot_general3A {dimension_numbers = #tpu.dot_dimension_numbers<[1], [0], [0], [1], [0, 0, 1, 1], [], []>, transpose_lhs_hint = false} : vector<1000x128xf32>, vector<128x128xf32>, vector<1000x128xf32> -> vector<1000x128xf32>
    %swap3A = arith.constant 0 : index
    %swap3A_64 = arith.constant 0 : index
    %swap3A_65 = vector.load %arg9[%swap3A, %swap3A_64] : memref<1000x128xf32, #tpu.memory_space<vmem>>, vector<1000x128xf32>
    tpu.vector_store %arg9[%swap3A, %swap3A_64], %dot_general3A_63 {strides = array<i32>} : memref<1000x128xf32, #tpu.memory_space<vmem>>, vector<1000x128xf32>,
    %get3A_66 = arith.constant 0 : index
    %get3A_67 = arith.constant 0 : index
    %get3A_68 = vector.load %arg7[%get3A_66, %get3A_67] : memref<128x128xf32, #tpu.memory_space<vmem>>, vector<128x128xf32>
    %dot_general3A_69 = arith.constant dense<0.000000e+00> : vector<1000x128xf32>
    %dot_general3A_70 = tpu.matmul %add3A_59, %get3A_68, %dot_general3A_69 {dimension_numbers = #tpu.dot_dimension_numbers<[1], [0], [0], [1], [0, 0, 1, 1], [], []>, transpose_lhs_hint = false} : vector<1000x128xf32>, vector<128x128xf32>, vector<1000x128xf32> -> vector<1000x128xf32>
    %add3A_71 = arith.addf %add3A_59, %dot_general3A_70 : vector<1000x128xf32>
    %get3A_72 = arith.constant 0 : index
    %get3A_73 = arith.constant 0 : index
    %get3A_74 = vector.load %arg8[%get3A_72, %get3A_73] : memref<1x128xf32, #tpu.memory_space<vmem>>, vector<1x128xf32>
    %add3A_75 = vector.broadcast %get3A_74 : vector<1x128xf32> to vector<1000x128xf32>
    %add3A_76 = arith.addf %add3A_71, %add3A_75 : vector<1000x128xf32>
    %swap3A_77 = arith.constant 0 : index
    %swap3A_78 = arith.constant 0 : index
    %swap3A_79 = vector.load %arg10[%swap3A_77, %swap3A_78] : memref<1000x128xf32, #tpu.memory_space<vmem>>, vector<1000x128xf32>
    tpu.vector_store %arg10[%swap3A_77, %swap3A_78], %add3A_76 {strides = array<i32>} : memref<1000x128xf32, #tpu.memory_space<vmem>>, vector<1000x128xf32>,
    return
  }
  func.func @transform_0(%arg0: i32) -> (i32, i32) {
    %c0_i32 = arith.constant 0 : i32
    %c0_i32_0 = arith.constant 0 : i32
    return %arg0, %c0_i32 : i32, i32
  }
  func.func @transform_1(%arg0: i32) -> (i32, i32, i32) {
    %c0_i32 = arith.constant 0 : i32
    %c0_i32_0 = arith.constant 0 : i32
    %c0_i32_1 = arith.constant 0 : i32
    return %c0_i32, %arg0, %c0_i32_0 : i32, i32, i32
  }
  func.func @transform_2(%arg0: i32) -> (i32, i32, i32) {
    %c0_i32 = arith.constant 0 : i32
    %c0_i32_0 = arith.constant 0 : i32
    %c0_i32_1 = arith.constant 0 : i32
    return %c0_i32, %arg0, %c0_i32_0 : i32, i32, i32
  }
  func.func @transform_3(%arg0: i32) -> (i32, i32) {
    %c0_i32 = arith.constant 0 : i32
    %c0_i32_0 = arith.constant 0 : i32
    %c0_i32_1 = arith.constant 0 : i32
    return %c0_i32, %c0_i32_0 : i32, i32
  }
  func.func @transform_4(%arg0: i32) -> (i32, i32) {
    %c0_i32 = arith.constant 0 : i32
    %c0_i32_0 = arith.constant 0 : i32
    %c0_i32_1 = arith.constant 0 : i32
    return %c0_i32, %c0_i32_0 : i32, i32
  }
  func.func @transform_5(%arg0: i32) -> (i32, i32) {
    %c0_i32 = arith.constant 0 : i32
    %c0_i32_0 = arith.constant 0 : i32
    %c0_i32_1 = arith.constant 0 : i32
    return %c0_i32, %c0_i32_0 : i32, i32
  }
  func.func @transform_6(%arg0: i32) -> (i32, i32) {
    %c0_i32 = arith.constant 0 : i32
    %c0_i32_0 = arith.constant 0 : i32
    %c0_i32_1 = arith.constant 0 : i32
    return %c0_i32, %c0_i32_0 : i32, i32
  }
  func.func @transform_7(%arg0: i32) -> (i32, i32) {
    %c0_i32 = arith.constant 0 : i32
    %c0_i32_0 = arith.constant 0 : i32
    %c0_i32_1 = arith.constant 0 : i32
    return %c0_i32, %c0_i32_0 : i32, i32
  }
  func.func @transform_8(%arg0: i32) -> (i32, i32) {
    %c0_i32 = arith.constant 0 : i32
    %c0_i32_0 = arith.constant 0 : i32
    return %arg0, %c0_i32 : i32, i32
  }
  func.func @transform_9(%arg0: i32) -> (i32, i32) {
    %c0_i32 = arith.constant 0 : i32
    %c0_i32_0 = arith.constant 0 : i32
    return %arg0, %c0_i32 : i32, i32
  }
}

module attributes {stable_mosaic.version = 14 : i64} {
  func.func @_tcfin_body(%arg0: i32, %arg1: memref<1000x128xf32, #tpu.memory_space<vmem>>, %arg2: memref<2x1000x128xf32, #tpu.memory_space<vmem>>, %arg3: memref<2x1000x128xf32, #tpu.memory_space<vmem>>, %arg4: memref<1x128xf32, #tpu.memory_space<vmem>>, %arg5: memref<1x128xf32, #tpu.memory_space<vmem>>, %arg6: memref<128x128xf32, #tpu.memory_space<vmem>>, %arg7: memref<1x128xf32, #tpu.memory_space<vmem>>, %arg8: memref<1000x128xf32, #tpu.memory_space<vmem>>) attributes {dimension_semantics = [#tpu.dimension_semantics<arbitrary>], iteration_bounds = array<i64: 10>, scalar_prefetch = 0 : i64, scratch_operands = 0 : i64, tpu.core_type = #tpu.core_type<tc>, window_params = [{transform_indices = @transform_0, window_bounds = array<i64: 1000, 128>}, {transform_indices = @transform_1, window_bounds = array<i64: 2, 1000, 128>}, {transform_indices = @transform_2, window_bounds = array<i64: 2, 1000, 128>}, {pipeline_mode = #tpu.pipeline_mode<synchronous>, transform_indices = @transform_3, window_bounds = array<i64: 1, 128>}, {pipeline_mode = #tpu.pipeline_mode<synchronous>, transform_indices = @transform_4, window_bounds = array<i64: 1, 128>}, {pipeline_mode = #tpu.pipeline_mode<synchronous>, transform_indices = @transform_5, window_bounds = array<i64: 128, 128>}, {pipeline_mode = #tpu.pipeline_mode<synchronous>, transform_indices = @transform_6, window_bounds = array<i64: 1, 128>}, {transform_indices = @transform_7, window_bounds = array<i64: 1000, 128>}]} {
    %get3A = arith.constant 0 : index
    %get3A_0 = arith.constant 0 : index
    %get3A_1 = arith.constant 0 : index
    %get3A_2 = vector.load %arg2[%get3A, %get3A_0, %get3A_1] : memref<2x1000x128xf32, #tpu.memory_space<vmem>>, vector<1x1000x128xf32>
    %get3A_3 = vector.shape_cast %get3A_2 : vector<1x1000x128xf32> to vector<1000x128xf32>
    %get3A_4 = arith.constant 1 : index
    %get3A_5 = arith.constant 0 : index
    %get3A_6 = arith.constant 0 : index
    %get3A_7 = vector.load %arg2[%get3A_4, %get3A_5, %get3A_6] : memref<2x1000x128xf32, #tpu.memory_space<vmem>>, vector<1x1000x128xf32>
    %get3A_8 = vector.shape_cast %get3A_7 : vector<1x1000x128xf32> to vector<1000x128xf32>
    %add3A = arith.addf %get3A_3, %get3A_8 : vector<1000x128xf32>
    %get3A_9 = arith.constant 0 : index
    %get3A_10 = arith.constant 0 : index
    %get3A_11 = arith.constant 0 : index
    %get3A_12 = vector.load %arg3[%get3A_9, %get3A_10, %get3A_11] : memref<2x1000x128xf32, #tpu.memory_space<vmem>>, vector<1x1000x1xf32>
    %get3A_13 = vector.shape_cast %get3A_12 : vector<1x1000x1xf32> to vector<1000x1xf32>
    %get3A_14 = arith.constant 1 : index
    %get3A_15 = arith.constant 0 : index
    %get3A_16 = arith.constant 0 : index
    %get3A_17 = vector.load %arg3[%get3A_14, %get3A_15, %get3A_16] : memref<2x1000x128xf32, #tpu.memory_space<vmem>>, vector<1x1000x1xf32>
    %get3A_18 = vector.shape_cast %get3A_17 : vector<1x1000x1xf32> to vector<1000x1xf32>
    %add3A_19 = arith.addf %get3A_13, %get3A_18 : vector<1000x1xf32>
    %max3A = arith.constant 1.000000e+00 : f32
    %max3A_20 = vector.broadcast %max3A : f32 to vector<1000x1xf32>
    %max3A_21 = arith.maximumf %add3A_19, %max3A_20 : vector<1000x1xf32>
    %div3A = arith.constant 1.000000e+00 : f32
    %div3A_22 = vector.broadcast %div3A : f32 to vector<1000x1xf32>
    %div3A_23 = arith.divf %div3A_22, %max3A_21 : vector<1000x1xf32>
    %get3A_24 = arith.constant 0 : index
    %get3A_25 = arith.constant 0 : index
    %get3A_26 = vector.load %arg1[%get3A_24, %get3A_25] : memref<1000x128xf32, #tpu.memory_space<vmem>>, vector<1000x128xf32>
    %mul3A = vector.broadcast %div3A_23 : vector<1000x1xf32> to vector<1000x128xf32>
    %mul3A_27 = arith.mulf %add3A, %mul3A : vector<1000x128xf32>
    %add3A_28 = arith.addf %get3A_26, %mul3A_27 : vector<1000x128xf32>
    %reduce_sum3A = arith.constant dense<0.000000e+00> : vector<1000xf32>
    %reduce_sum3A_29 = vector.multi_reduction <add>, %add3A_28, %reduce_sum3A [1] : vector<1000x128xf32> to vector<1000xf32>
    %broadcast_in_dim3A = vector.shape_cast %reduce_sum3A_29 : vector<1000xf32> to vector<1000x1xf32>
    %div3A_30 = arith.constant 1.280000e+02 : f32
    %div3A_31 = vector.broadcast %div3A_30 : f32 to vector<1000x1xf32>
    %div3A_32 = arith.divf %broadcast_in_dim3A, %div3A_31 : vector<1000x1xf32>
    %sub3A = vector.broadcast %div3A_32 : vector<1000x1xf32> to vector<1000x128xf32>
    %sub3A_33 = arith.subf %add3A_28, %sub3A : vector<1000x128xf32>
    %sub3A_34 = vector.broadcast %div3A_32 : vector<1000x1xf32> to vector<1000x128xf32>
    %sub3A_35 = arith.subf %add3A_28, %sub3A_34 : vector<1000x128xf32>
    %mul3A_36 = arith.mulf %sub3A_33, %sub3A_35 : vector<1000x128xf32>
    %reduce_sum3A_37 = arith.constant dense<0.000000e+00> : vector<1000xf32>
    %reduce_sum3A_38 = vector.multi_reduction <add>, %mul3A_36, %reduce_sum3A_37 [1] : vector<1000x128xf32> to vector<1000xf32>
    %broadcast_in_dim3A_39 = vector.shape_cast %reduce_sum3A_38 : vector<1000xf32> to vector<1000x1xf32>
    %div3A_40 = arith.constant 1.280000e+02 : f32
    %div3A_41 = vector.broadcast %div3A_40 : f32 to vector<1000x1xf32>
    %div3A_42 = arith.divf %broadcast_in_dim3A_39, %div3A_41 : vector<1000x1xf32>
    %sub3A_43 = vector.broadcast %div3A_32 : vector<1000x1xf32> to vector<1000x128xf32>
    %sub3A_44 = arith.subf %add3A_28, %sub3A_43 : vector<1000x128xf32>
    %add3A_45 = arith.constant 9.99999974E-6 : f32
    %add3A_46 = vector.broadcast %add3A_45 : f32 to vector<1000x1xf32>
    %add3A_47 = arith.addf %div3A_42, %add3A_46 : vector<1000x1xf32>
    %rsqrt3A = math.rsqrt %add3A_47 : vector<1000x1xf32>
    %mul3A_48 = vector.broadcast %rsqrt3A : vector<1000x1xf32> to vector<1000x128xf32>
    %mul3A_49 = arith.mulf %sub3A_44, %mul3A_48 : vector<1000x128xf32>
    %get3A_50 = arith.constant 0 : index
    %get3A_51 = arith.constant 0 : index
    %get3A_52 = vector.load %arg4[%get3A_50, %get3A_51] : memref<1x128xf32, #tpu.memory_space<vmem>>, vector<1x128xf32>
    %mul3A_53 = vector.broadcast %get3A_52 : vector<1x128xf32> to vector<1000x128xf32>
    %mul3A_54 = arith.mulf %mul3A_49, %mul3A_53 : vector<1000x128xf32>
    %get3A_55 = arith.constant 0 : index
    %get3A_56 = arith.constant 0 : index
    %get3A_57 = vector.load %arg5[%get3A_55, %get3A_56] : memref<1x128xf32, #tpu.memory_space<vmem>>, vector<1x128xf32>
    %add3A_58 = vector.broadcast %get3A_57 : vector<1x128xf32> to vector<1000x128xf32>
    %add3A_59 = arith.addf %mul3A_54, %add3A_58 : vector<1000x128xf32>
    %get3A_60 = arith.constant 0 : index
    %get3A_61 = arith.constant 0 : index
    %get3A_62 = vector.load %arg6[%get3A_60, %get3A_61] : memref<128x128xf32, #tpu.memory_space<vmem>>, vector<128x128xf32>
    %dot_general3A = arith.constant dense<0.000000e+00> : vector<1000x128xf32>
    %dot_general3A_63 = tpu.matmul %add3A_59, %get3A_62, %dot_general3A {dimension_numbers = #tpu.dot_dimension_numbers<[1], [0], [0], [1], [0, 0, 1, 1], [], []>, transpose_lhs_hint = false} : vector<1000x128xf32>, vector<128x128xf32>, vector<1000x128xf32> -> vector<1000x128xf32>
    %get3A_64 = arith.constant 0 : index
    %get3A_65 = arith.constant 0 : index
    %get3A_66 = vector.load %arg7[%get3A_64, %get3A_65] : memref<1x128xf32, #tpu.memory_space<vmem>>, vector<1x128xf32>
    %add3A_67 = vector.broadcast %get3A_66 : vector<1x128xf32> to vector<1000x128xf32>
    %add3A_68 = arith.addf %dot_general3A_63, %add3A_67 : vector<1000x128xf32>
    %swap3A = arith.constant 0 : index
    %swap3A_69 = arith.constant 0 : index
    %swap3A_70 = vector.load %arg8[%swap3A, %swap3A_69] : memref<1000x128xf32, #tpu.memory_space<vmem>>, vector<1000x128xf32>
    tpu.vector_store %arg8[%swap3A, %swap3A_69], %add3A_68 {strides = array<i32>} : memref<1000x128xf32, #tpu.memory_space<vmem>>, vector<1000x128xf32>,
    return
  }
  func.func @transform_0(%arg0: i32) -> (i32, i32) {
    %c0_i32 = arith.constant 0 : i32
    %c0_i32_0 = arith.constant 0 : i32
    return %arg0, %c0_i32 : i32, i32
  }
  func.func @transform_1(%arg0: i32) -> (i32, i32, i32) {
    %c0_i32 = arith.constant 0 : i32
    %c0_i32_0 = arith.constant 0 : i32
    %c0_i32_1 = arith.constant 0 : i32
    return %c0_i32, %arg0, %c0_i32_0 : i32, i32, i32
  }
  func.func @transform_2(%arg0: i32) -> (i32, i32, i32) {
    %c0_i32 = arith.constant 0 : i32
    %c0_i32_0 = arith.constant 0 : i32
    %c0_i32_1 = arith.constant 0 : i32
    return %c0_i32, %arg0, %c0_i32_0 : i32, i32, i32
  }
  func.func @transform_3(%arg0: i32) -> (i32, i32) {
    %c0_i32 = arith.constant 0 : i32
    %c0_i32_0 = arith.constant 0 : i32
    %c0_i32_1 = arith.constant 0 : i32
    return %c0_i32, %c0_i32_0 : i32, i32
  }
  func.func @transform_4(%arg0: i32) -> (i32, i32) {
    %c0_i32 = arith.constant 0 : i32
    %c0_i32_0 = arith.constant 0 : i32
    %c0_i32_1 = arith.constant 0 : i32
    return %c0_i32, %c0_i32_0 : i32, i32
  }
  func.func @transform_5(%arg0: i32) -> (i32, i32) {
    %c0_i32 = arith.constant 0 : i32
    %c0_i32_0 = arith.constant 0 : i32
    %c0_i32_1 = arith.constant 0 : i32
    return %c0_i32, %c0_i32_0 : i32, i32
  }
  func.func @transform_6(%arg0: i32) -> (i32, i32) {
    %c0_i32 = arith.constant 0 : i32
    %c0_i32_0 = arith.constant 0 : i32
    %c0_i32_1 = arith.constant 0 : i32
    return %c0_i32, %c0_i32_0 : i32, i32
  }
  func.func @transform_7(%arg0: i32) -> (i32, i32) {
    %c0_i32 = arith.constant 0 : i32
    %c0_i32_0 = arith.constant 0 : i32
    return %arg0, %c0_i32 : i32, i32
  }
}

</mosaic_0001>

<sc_bundles>
// kernel: kernel.12.cloned.1.call-start
scs
__scs_entry_jumppad:
0x0: {  	(pc) =	sbr.rel $0x88, $3  }
0x1: {  	(tag) =	ssettag $0x0;
	lr =	simm.s32 $0x1  }
0x2: {  	[smem:$0x3F96] =	sst lr;
	_ =	strace $0xD0000000  }
0x3: {  	_ = 	snop  }
0x4: {  	_ = 	snop  }
0x5: {  	_ = 	snop  }
0x6: {  	_ = 	snop  }
0x7: {  	_ = 	snop  }
__scs_overlays_trampoline_lowered:
0x8: {  	[smem:$0x3FA5] =	sst s0  }
0x9: {  	[smem:$0x3FA6] =	sst s1  }
0xa: {  	[smem:$0x3FA7] =	sst s2  }
0xb: {  	[smem:$0x3FA8] =	sst s3  }
0xc: {  	[smem:$0x3FA9] =	sst s4  }
0xd: {  	[smem:$0x3FAA] =	sst s5  }
0xe: {  	[smem:$0x3FAB] =	sst s6  }
0xf: {  	[smem:$0x3FAC] =	sst s7  }
0x10: {  	[smem:$0x3FAD] =	sst s8  }
0x11: {  	[smem:$0x3FAE] =	sst s9;
	s0 =	simm.s32 @!p0 $0x0  }
0x12: {  	s1 =	sld [smem:$0x3F94];
	s0 =	simm.s32 @p0 $0x1  }
0x13: {  	[smem:$0x3FAF] =	sst s0;
	s0 =	simm.s32 @!p1 $0x0  }
0x14: {  	s2 =	sld [smem:$0x3F93];
	s0 =	simm.s32 @p1 $0x1  }
0x15: {  	[smem:$0x3FB0] =	sst s0;
	s0 =	simm.s32 @!p2 $0x0  }
0x16: {  	s3 =	sld [smem:$0x3FDB];
	s0 =	simm.s32 @p2 $0x1  }
0x17: {  	s4 =	simm.s32 $0x1BF5;
	[smem:$0x3FB2] =	sst s0  }
0x18: {  	s0 =	sld [smem:$0x3F95];
	_ =	swait.ge [sflag:s4], $0x0  }
0x19: {  	s7 =	sld [smem:$0x3F96]  }
0x1a: {  	s8 =	sadd.s32 $0xFFFFE003, lr  }
0x1b: {  	s9 =	sadd.s32 $0xFFFFFEF7, lr;
	s5 =	simm.s32 $0xFFFFFFFF;
	p2 =	slt.u32 s8, $0xFFFFF086  }
0x1c: {  	p1 =	slt.u32 s9, $0xF7A;
	s5 =	simm.s32 @!p2 $0x0  }
0x1d: {  	s5 =	simm.s32 @p1 $0x1;
	p0 =	seq.s32 s7, s2  }
0x1e: {  	s7 =	smul.u32 @!p0 $0xF7A, s2;
	p2 =	seq.s32 @!p0 s5, $0x0  }
0x1f: {  	s9 =	smul.u32 $0xF7A, s1;
	s8 =	simm.s32 @!p0 $0x1BF5;
	p2 =	por !p2, p0  }
0x20: {  	[sflag:s8] =	ssyncset.s32 @!p0 $0xFFFFF086;
	s6 =	sadd.s32 @!p0 s3, s7;
	s7 =	simm.s32 @!p0 $0x108  }
0x21: {  	s3 =	sadd.s32 s3, s9;
	s6 =	sadd.s32 @!p0 $0x88, s6;
	s7 =	simm.s32 @p2 $0x1082  }
0x22: {  	[simem:s7], [sflag:s8] =	dma.local @!p0 [hbm:s6], $0xF7A  }
0x23: {  	s9 =	sor.u32 $0xD0000000, s2;
	s6 =	simm.s32 $0x108;
	_ =	swait.ge @!p0 [sflag:s8], $0x0  }
0x24: {  	s3 =	sadd.s32 $0x88, s3;
	s6 =	simm.s32 @!p1 $0x1082;
	[sflag:s4] =	ssyncset.s32 $0xFFFFF086  }
0x25: {  	[simem:s6], [sflag:s4] =	dma.local [hbm:s3], $0xF7A  }
0x26: {  	[smem:$0x3F96] =	sst s1;
	(tag) =	ssettag s2;
	_ =	strace s9  }
0x27: {  	s1 =	sld [smem:$0x3FA6]  }
0x28: {  	s2 =	sld [smem:$0x3FA7]  }
0x29: {  	s4 =	sld [smem:$0x3FA9]  }
0x2a: {  	p0 =	seq.s32 s5, $0x0;
	s5 =	sld [smem:$0x3FAA]  }
0x2b: {  	s6 =	sld [smem:$0x3FAB]  }
0x2c: {  	s7 =	sld [smem:$0x3FAC]  }
0x2d: {  	s3 =	simm.s32 $0x108;
	s8 =	sld [smem:$0x3FAD]  }
0x2e: {  	s3 =	simm.s32 @!p0 $0x1082;
	s9 =	sld [smem:$0x3FAE]  }
0x2f: {  	lr =	sadd.s32 s0, s3;
	s0 =	sld [smem:$0x3FA5]  }
0x30: {  	s3 =	sld [smem:$0x3FA8]  }
0x31: {  	[smem:$0x3FB1] =	sst s10  }
0x32: {  	s10 =	sld [smem:$0x3FAF];
	_ =	sdelay $0x3  }
0x33: {  	p0 =	seq.s32 s10, $0x1;
	s10 =	sld [smem:$0x3FB1];
	_ =	sdelay $0x3  }
0x34: {  	[smem:$0x3FB1] =	sst s10  }
0x35: {  	s10 =	sld [smem:$0x3FB0];
	_ =	sdelay $0x3  }
0x36: {  	p1 =	seq.s32 s10, $0x1;
	s10 =	sld [smem:$0x3FB1];
	_ =	sdelay $0x3  }
0x37: {  	[smem:$0x3FB1] =	sst s10  }
0x38: {  	s10 =	sld [smem:$0x3FB2]  }
0x39: {  	_ = 	snop;
	(pc) =	sbr.ind lr, $3  }
0x3a: {  	_ = 	snop  }
0x3b: {  	_ = 	snop  }
0x3c: {  	p2 =	seq.s32 s10, $0x1;
	s10 =	sld [smem:$0x3FB1]  }
0x3d: {  	_ =	shalt  }
0x3e: {  	_ =	shalt  }
0x3f: {  	_ =	shalt  }
0x40: {  	_ =	shalt  }
0x41: {  	_ =	shalt  }
0x42: {  	_ =	shalt  }
0x43: {  	_ =	shalt  }
0x44: {  	_ =	shalt  }
0x45: {  	_ =	shalt  }
0x46: {  	_ =	shalt  }
0x47: {  	_ =	shalt  }
0x48: {  	_ =	shalt  }
0x49: {  	_ =	shalt  }
0x4a: {  	_ =	shalt  }
0x4b: {  	_ =	shalt  }
0x4c: {  	_ =	shalt  }
0x4d: {  	_ =	shalt  }
0x4e: {  	_ =	shalt  }
0x4f: {  	_ =	shalt  }
0x50: {  	_ =	shalt  }
0x51: {  	_ =	shalt  }
0x52: {  	_ =	shalt  }
0x53: {  	_ =	shalt  }
0x54: {  	_ =	shalt  }
0x55: {  	_ =	shalt  }
0x56: {  	_ =	shalt  }
0x57: {  	_ =	shalt  }
0x58: {  	_ =	shalt  }
0x59: {  	_ =	shalt  }
0x5a: {  	_ =	shalt  }
0x5b: {  	_ =	shalt  }
0x5c: {  	_ =	shalt  }
0x5d: {  	_ =	shalt  }
0x5e: {  	_ =	shalt  }
0x5f: {  	_ =	shalt  }
0x60: {  	_ =	shalt  }
0x61: {  	_ =	shalt  }
0x62: {  	_ =	shalt  }
0x63: {  	_ =	shalt  }
0x64: {  	_ =	shalt  }
0x65: {  	_ =	shalt  }
0x66: {  	_ =	shalt  }
0x67: {  	_ =	shalt  }
0x68: {  	_ =	shalt  }
0x69: {  	_ =	shalt  }
0x6a: {  	_ =	shalt  }
0x6b: {  	_ =	shalt  }
0x6c: {  	_ =	shalt  }
0x6d: {  	_ =	shalt  }
0x6e: {  	_ =	shalt  }
0x6f: {  	_ =	shalt  }
0x70: {  	_ =	shalt  }
0x71: {  	_ =	shalt  }
0x72: {  	_ =	shalt  }
0x73: {  	_ =	shalt  }
0x74: {  	_ =	shalt  }
0x75: {  	_ =	shalt  }
0x76: {  	_ =	shalt  }
0x77: {  	_ =	shalt  }
0x78: {  	_ =	shalt  }
0x79: {  	_ =	shalt  }
0x7a: {  	_ =	shalt  }
0x7b: {  	_ =	shalt  }
0x7c: {  	_ =	shalt  }
0x7d: {  	_ =	shalt  }
0x7e: {  	_ =	shalt  }
0x7f: {  	_ =	shalt  }
0x80: {  	_ =	shalt  }
0x81: {  	_ =	shalt  }
0x82: {  	_ =	shalt  }
0x83: {  	_ =	shalt  }
0x84: {  	_ =	shalt  }
0x85: {  	_ =	shalt  }
0x86: {  	_ =	shalt  }
0x87: {  	_ =	shalt  }
.Lfunc_end0:
.L_simem_size_0:
called_computation_lowered:
.L_overlay_start_0:
0x88: {  	s2 =	sld [smem:$0x3FD9]  }
0x89: {  	s3 =	sld [smem:$0x3FFE];
	_ =	sdelay $0x1  }
0x8a: {  	s1 =	srdreg.scid  }
0x8b: {  	s0 =	sand.u32 $0x1, s1  }
0x8c: {  	s17 =	sshll.u32 s0, $0xA;
	s2 =	sadd.s32 s3, s2  }
0x8d: {  	s2 =	sadd.s32 s2, s17  }
0x8e: {  	[smem:$0x3FBD] =	sst s2  }
0x8f: {  	_ = 	snop  }
0x90: {  	(tm) =	ssettm $0x1  }
0x91: {  	s18 =	sld [smem:$0x3FFB];
	_ =	sdelay $0x3  }
0x92: {  	_ =	strace s18  }
0x93: {  	s2 =	sld [smem:$0x3FFC];
	_ =	sdelay $0x3  }
0x94: {  	_ =	strace s2  }
0x95: {  	s2 =	sld [smem:$0x3FFD];
	_ =	sdelay $0x3  }
0x96: {  	_ =	strace s2  }
0x97: {  	_ =	strace $0x8FFFFFFF  }
0x98: {  	s19 =	sld [smem:$0x3FDB];
	_ =	sdelay $0x1  }
0x99: {  	s20 =	simm.s32 $_scs_section_size  }
0x9a: {  	s4 =	simm.s32 $_size__tile_overlayer_lowered;
	s5 =	simm.s32 $_tile_overlayer_lowered  }
0x9b: {  	s6 =	simm.s32 $0x1BFF;
	s21 =	sshll.u32 s5, $0x1;
	s3 =	sadd.s32 s20, s19  }
0x9c: {  	s22 =	simm.s32 $0x0;
	s4 =	sshll.u32 s4, $0x1;
	s5 =	sadd.s32 s21, s3  }
0x9d: {  	[timem:s22], [sflag:s6] =	dma.local [hbm:s5], s4  }
0x9e: {  	_ =	swait.ge [sflag:s6], s4  }
0x9f: {  	s4 =	ssub.s32 $0x0, s4;
	[sflag:s6] =	ssyncset.done $0x0  }
0xa0: {  	[sflag:s6] =	ssyncadd.s32 s4;
	_ =	sdelay $0x1  }
0xa1: {  	s23 =	simm.s32 $0x1B8B  }
0xa2: {  	_ =	swait.ge [sflag:s23], $0x1  }
0xa3: {  	[sflag:s23] =	ssyncset.done $0x0  }
0xa4: {  	[sflag:s23] =	ssyncadd.s32 $0xFFFFFFFF  }
0xa5: {  	s4 =	sld [smem:$0x0]  }
0xa6: {  	s5 =	sand.u32 $0xFFFFFFFE, s1  }
0xa7: {  	p0 =	sne.s32 s1, s5  }
0xa8: {  	s5 =	sshll.u32 @p0 s5, $0xE  }
0xa9: {  	s5 =	sadd.s32 @p0 $0x11B8D, s5;
	s6 =	sshll.u32 @p0 s4, $0x11  }
0xaa: {  	s5 =	sor.u32 @p0 s6, s5  }
0xab: {  	[sflag:s5] =	ssyncadd.remote.s32 @p0 $0x1;
	_ =	sdelay $0x1  }
0xac: {  	s5 =	simm.s32 @p0 $0x1B8D  }
0xad: {  	_ =	swait.eq @p0 [sflag:s5], $0x1  }
0xae: {  	[sflag:s5] =	ssyncadd.s32 @p0 $0xFFFFFFFF  }
0xaf: {  	s6 =	sshll.u32 @!p0 s1, $0xE  }
0xb0: {  	s6 =	sor.u32 @!p0 $0x4000, s6;
	s5 =	simm.s32 @!p0 $0x1B8D  }
0xb1: {  	s4 =	sshll.u32 @!p0 s4, $0x11;
	s6 =	sadd.s32 @!p0 $0x11B8D, s6;
	_ =	swait.eq @!p0 [sflag:s5], $0x1  }
0xb2: {  	s4 =	sor.u32 @!p0 s4, s6;
	[sflag:s5] =	ssyncadd.s32 @!p0 $0xFFFFFFFF  }
0xb3: {  	s25 =	simm.s32 $0x1B8E;
	s24 =	sld [smem:$0x3FFE];
	[sflag:s4] =	ssyncadd.remote.s32 @!p0 $0x1  }
0xb4: {  	s26 =	simm.s32 $execute0_lowered;
	[smem:$0x3FD2] =	sst s25  }
0xb5: {  	s5 =	sshll.u32 s26, $0x1;
	_ =	strace $0x80000049;
	[dreg:$0x1] =	wrdreg $0xFFFFFFFF  }
0xb6: {  	s28 =	simm.s32 $_size_execute0_lowered;
	s3 =	sadd.s32 s3, s5;
	[dreg:$0x0] =	wrdreg $0x0  }
0xb7: {  	s5 =	sshll.u32 s28, $0x1;
	[dreg:$0x2] =	wrdreg s3  }
0xb8: {  	[dreg:$0x3] =	wrdreg s5  }
0xb9: {  	[dreg:$0x4] =	wrdreg $0xC0  }
0xba: {  	_ =	task [dreg:s22], $0x5FFFF  }
0xbb: {  	[dreg:$0x1] =	wrdreg $0xFFFFFFFF  }
0xbc: {  	[dreg:$0x0] =	wrdreg $0x60  }
0xbd: {  	[dreg:$0x2] =	wrdreg s24  }
0xbe: {  	[dreg:$0x3] =	wrdreg $0xA8000  }
0xbf: {  	[dreg:$0x4] =	wrdreg $0x9  }
0xc0: {  	_ =	task.clear_ibuf [dreg:s22], $0x5FFFF;
	_ =	strace $0x90000049  }
0xc1: {  	s29 =	simm.s32 $0x9;
	_ =	strace $0x8000004B  }
0xc2: {  	_ =	swait.ge [sflag:s29], $0x1  }
0xc3: {  	[sflag:s29] =	ssyncadd.s32 $0xFFFFFFFF  }
0xc4: {  	_ =	strace $0x9000004B  }
0xc5: {  	_ =	sfence  }
0xc6: {  	s30 =	sld [smem:$0x0];
	_ =	sdelay $0x2  }
0xc7: {  	s31 =	sshll.u32 s1, $0xD;
	s1 =	sshrl.u32 s1, $0x2  }
0xc8: {  	s4 =	sand.u32 $0x4000, s31;
	s1 =	sadd.s32 s1, s30  }
0xc9: {  	s0 =	sor.u32 s4, s0;
	s1 =	sshll.u32 s1, $0x11  }
0xca: {  	s0 =	sor.u32 s1, s0  }
0xcb: {  	s0 =	sadd.s32 $0x8F2B, s0  }
0xcc: {  	[sflag:s0] =	ssyncadd.remote.s32 $0x1  }
0xcd: {  	_ =	sfence.sel $0xFFFF  }
0xce: {  	[dreg:$0x0] =	wrdreg $0xFFFFFFFF;
	(pc) =	sbr.abs _section_cstart, $3  }
0xcf: {  	[dreg:$0x1] =	wrdreg $0xFFFFFFFF  }
0xd0: {  	_ =	task.clear_ibuf [dreg:s22], $0x2FFFF;
	_ =	strace $0x9FFFFFFF  }
0xd1: {  	(tm) =	ssettm $0x7FFFFFFF  }
tec
execute0_lowered:
.L_overlay_start_1:
0x0: {  	(tag) =	ssettag $0x1  }
0x1: {  	s7 =	rddreg [dreg:$0x0]  }
0x2: {  	s1 =	rddreg [dreg:$0x1];
	s2 =	srdreg.scid  }
0x3: {  	s0 =	rddreg [dreg:$0x2];
	s11 =	stileid.u32;
	s16 =	simm.s32 $0x50  }
0x4: {  	s17 =	simm.s32 $0x8000;
	s18 =	simm.s32 $0x1;
	s19 =	simm.s32 $0x0  }
0x5: {  	s4 =	sand.u32 $0x1, s2;
	s2 =	simm.s32 $0x0;
	s8 =	smul.u32 $0x13800, s11  }
0x6: {  	s5 =	sshll.u32 s11, $0xB;
	s10 =	smul.u32 $0x4E000, s11;
	s12 =	sadd.s32 $0xC0200, s7  }
0x7: {  	s15 =	sadd.s32 $0x138000, s1;
	p0 =	sne.s32 s11, $0x0;
	s31 =	sshll.u32 s11, $0x6  }
0x8: {  	s11 =	simm.s32 $0x2;
	s3 =	sshll.u32 s4, $0xF;
	[smem:$0x7FF] =	sst s2  }
0x9: {  	s9 =	ssub.s32 $0x2, s4;
	s29 =	smul.u32 $0x138800, s4;
	s15 =	sshrl.u32 @!p0 s15, $0x3  }
0xa: {  	s5 =	sor.u32 s5, s3;
	_ =	strace $0x8000004A;
	s3 =	sadd.s32 $0x99000, s7  }
0xb: {  	s6 =	sshrl.u32 s8, $0x3;
	s13 =	sshrl.u32 s9, $0x1;
	s28 =	sshrl.u32 s10, $0x2  }
0xc: {  	s5 =	sadd.s32 s5, s7;
	s6 =	sadd.s32 s6, s7;
	s13 =	ssub.s32 s9, s13  }
0xd: {  	s14 =	sadd.s32 s28, s1;
	s8 =	sadd.s32 s8, s29;
	s30 =	sshrl.u32 s29, $0x3  }
0xe: {  	s7 =	sadd.s32 $0x4AC00, s7;
	s4 =	sadd.s32 $0x13C00, s5;
	s5 =	sadd.s32 $0x3C00, s5  }
0xf: {  	s6 =	sadd.s32 $0x23C00, s6;
	s8 =	sshrl.u32 s8, $0x3;
	s9 =	sadd.s32 s12, s30  }
0x10: {  	s10 =	smax.u32 s13, $0x1;
	s13 =	sor.u32 $0x1C02, s31;
	s14 =	sshrl.u32 s14, $0x3  }
0x11: {  	s8 =	sadd.s32 s12, s8;
	s9 =	sadd.s32 $0x27000, s9;
	s12 =	simm.s32 $0x4000  }
.LBB2_1:
0x12: {  	[tilespmem:s2], [sflag:$0x2] =	stream.linear.gather [hbm4b:s4+s2], $0x3E80, $0x38;
	[tilespmem:$0x1E080] =	vst v63  }
0x13: {  	_ =	swait.ge [sflag:s11], $0x3E80  }
0x14: {  	[sflag:s11] =	ssyncset.done $0x0  }
0x15: {  	[sflag:s11] =	ssyncadd.s32 $0xFFFFC180  }
0x16: {  	[tilespmem:s12], [sflag:$0x2] =	stream.linear.gather [hbm4b:s5+s2], $0x3E80, $0x38;
	[tilespmem:$0x1E080] =	vst v63  }
0x17: {  	_ =	swait.ge [sflag:s11], $0x3E80  }
0x18: {  	[sflag:s11] =	ssyncset.done $0x0  }
0x19: {  	[sflag:s11] =	ssyncadd.s32 $0xFFFFC180  }
0x1a: {  	[spmem:s14], [sflag:s13] =	dma.local [hbm:s6], $0x2700  }
0x1b: {  	_ =	swait.ge [sflag:s11], $0x2700  }
0x1c: {  	[sflag:s11] =	ssyncset.done $0x0  }
0x1d: {  	s20 =	simm.s32 @!p0 $0x2;
	[sflag:s11] =	ssyncadd.s32 $0xFFFFD900  }
0x1e: {  	[spmem:s15], [sflag:s13] =	dma.local @!p0 [hbm:s7], $0x100  }
0x1f: {  	_ =	swait.ge @!p0 [sflag:s20], $0x100  }
0x20: {  	[sflag:s20] =	ssyncset.done @!p0 $0x0  }
0x21: {  	[sflag:s20] =	ssyncadd.s32 @!p0 $0xFFFFFF00  }
0x22: {  	s30 =	simm.s32 $0x0;
	[bflag:$0x0] =	sbarrier.arrive $0xFFFF  }
0x23: {  	[tilespmem:s17], [sflag:$0x1] =	stream.indirect.gather [hbm4b:s3+s16], $0x80, s30, s16, $0xb8;
	[tilespmem:$0x1E080] =	vst v63  }
0x24: {  	_ =	swait.ge [sflag:s18], $0x2800  }
0x25: {  	[sflag:s18] =	ssyncset.done $0x0  }
0x26: {  	s31 =	simm.s32 $0x4000;
	[sflag:s18] =	ssyncadd.s32 $0xFFFFD800  }
0x27: {  	[spmem:s1] =	stream.indirect.scatter.add.f32 [tilespmem:s17], [sflag:$0x2], $0x80, s31, s16, $0xb8;
	[tilespmem:$0x1E080] =	vst v63  }
0x28: {  	_ =	swait.ge [sflag:s11], $0x2800  }
0x29: {  	s21 =	simm.s32 $0x400;
	s20 =	simm.s32 $0x200;
	[sflag:s11] =	ssyncset.done $0x0  }
.LBB2_2:
0x2a: {  	s22 =	sshra.s32 s20, $0x2  }
0x2b: {  	[sflag:s11] =	ssyncadd.s32 $0xFFFFD800;
	s20 =	smov.u32 s21;
	s23 =	sadd.s32 $0x200, s21  }
0x2c: {  	[tilespmem:s17], [sflag:$0x1] =	stream.indirect.gather [hbm4b:s3+s16], $0x80, s22, s16, $0xb8;
	[tilespmem:$0x1E080] =	vst v63  }
0x2d: {  	p1 =	sne.s32 s21, $0xF800;
	_ =	swait.ge [sflag:s18], $0x2800  }
.Ltmp0:
0x2e: {  	[sflag:s18] =	ssyncset.done $0x0;
	(pc) =	sbr.rel @p1 .LBB2_2-.Ltmp0, $4  }
0x2f: {  	s21 =	sadd.s32 $0x4000, s22;
	[sflag:s18] =	ssyncadd.s32 $0xFFFFD800  }
0x30: {  	[spmem:s1] =	stream.indirect.scatter.add.f32 [tilespmem:s17], [sflag:$0x2], $0x80, s21, s16, $0xb8;
	[tilespmem:$0x1E080] =	vst v63  }
0x31: {  	_ =	swait.ge [sflag:s11], $0x2800  }
0x32: {  	s21 =	smov.u32 s23;
	[sflag:s11] =	ssyncset.done $0x0  }
0x33: {  	s20 =	sshra.s32 s20, $0x2;
	[sflag:s11] =	ssyncadd.s32 $0xFFFFD800  }
0x34: {  	[tilespmem:s17], [sflag:$0x1] =	stream.indirect.gather [hbm4b:s3+s16], $0x80, s20, s16, $0xb8;
	[tilespmem:$0x1E080] =	vst v63  }
0x35: {  	_ =	swait.ge [sflag:s18], $0x2800  }
0x36: {  	[sflag:s18] =	ssyncset.done $0x0  }
0x37: {  	s20 =	sadd.s32 $0x4000, s20;
	[sflag:s18] =	ssyncadd.s32 $0xFFFFD800  }
0x38: {  	[spmem:s1] =	stream.indirect.scatter.add.f32 [tilespmem:s17], [sflag:$0x2], $0x80, s20, s16, $0xb8;
	[tilespmem:$0x1E080] =	vst v63  }
0x39: {  	_ =	swait.ge [sflag:s11], $0x2800  }
0x3a: {  	[sflag:s11] =	ssyncset.done $0x0  }
0x3b: {  	[sflag:s11] =	ssyncadd.s32 $0xFFFFD800  }
0x3c: {  	[bflag:$0x0] =	sbarrier.arrive $0xFFFF  }
0x3d: {  	[hbm:s8], [sflag:s13] =	dma.local [spmem:s14], $0x2700  }
0x3e: {  	s19 =	sadd.s32 $0x1, s19;
	_ =	swait.ge [sflag:s11], $0x2700  }
0x3f: {  	p1 =	sne.s32 s19, s10;
	[sflag:s11] =	ssyncset.done $0x0  }
.Ltmp1:
0x40: {  	s20 =	simm.s32 @!p0 $0x2;
	[sflag:s11] =	ssyncadd.s32 $0xFFFFD900;
	(pc) =	sbr.rel @p1 .LBB2_1-.Ltmp1, $4  }
0x41: {  	[hbm:s9], [sflag:s13] =	dma.local @!p0 [spmem:s15], $0x100  }
0x42: {  	_ =	swait.ge @!p0 [sflag:s20], $0x100  }
0x43: {  	[sflag:s20] =	ssyncset.done @!p0 $0x0  }
0x44: {  	[sflag:s20] =	ssyncadd.s32 @!p0 $0xFFFFFF00  }
0x45: {  	_ =	sfence.sel $0x180000  }
0x46: {  	[bflag:$0x0] =	sbarrier.arrive $0xFFFF  }
0x47: {  	_ =	strace $0x9000004A  }
0x48: {  	s0 =	sadd.s32 @!p0 $0x100000, s0;
	[bflag:$0x2] =	sbarrier.arrive $0xFFFF  }
0x49: {  	[sflag:s0] =	ssyncadd.tile.s32 @!p0 $0x1;
	_ =	shalt  }
.Lfunc_end2:
_tile_overlayer_lowered:
.L_overlay_start_2:
0x4a: {  	(tag) =	ssettag $0x2  }
0x4b: {  	s0 =	rddreg [dreg:$0x0];
	s2 =	stileid.u32  }
0x4c: {  	s1 =	rddreg [dreg:$0x1];
	p0 =	sne.s32 s2, $0x0  }
0x4d: {  	s3 =	rddreg [dreg:$0x2];
	[bflag:$0x3] =	sbarrier.arrive $0xFFFF;
	s2 =	simm.s32 @!p0 $0x1C02  }
0x4e: {  	[timem:s3], [sflag:s2] =	dma.local @!p0 [hbm:s0], s1  }
0x4f: {  	s0 =	simm.s32 @!p0 $0x2  }
0x50: {  	_ =	swait.ge @!p0 [sflag:s0], s1  }
0x51: {  	s1 =	ssub.s32 @!p0 $0x0, s1;
	[sflag:s0] =	ssyncset.done @!p0 $0x0  }
0x52: {  	[sflag:s0] =	ssyncadd.s32 @!p0 s1  }
0x53: {  	[bflag:$0x3] =	sbarrier.arrive $0xFFFF  }
0x54: {  	_ =	shalt  }

// kernel: kernel.15.cloned.1.call-start
scs
__scs_entry_jumppad:
0x0: {  	(pc) =	sbr.rel $0x88, $3  }
0x1: {  	(tag) =	ssettag $0x0;
	lr =	simm.s32 $0x1  }
0x2: {  	[smem:$0x3F96] =	sst lr;
	_ =	strace $0xD0000000  }
0x3: {  	_ = 	snop  }
0x4: {  	_ = 	snop  }
0x5: {  	_ = 	snop  }
0x6: {  	_ = 	snop  }
0x7: {  	_ = 	snop  }
__scs_overlays_trampoline_lowered:
0x8: {  	[smem:$0x3FA5] =	sst s0  }
0x9: {  	[smem:$0x3FA6] =	sst s1  }
0xa: {  	[smem:$0x3FA7] =	sst s2  }
0xb: {  	[smem:$0x3FA8] =	sst s3  }
0xc: {  	[smem:$0x3FA9] =	sst s4  }
0xd: {  	[smem:$0x3FAA] =	sst s5  }
0xe: {  	[smem:$0x3FAB] =	sst s6  }
0xf: {  	[smem:$0x3FAC] =	sst s7  }
0x10: {  	[smem:$0x3FAD] =	sst s8  }
0x11: {  	[smem:$0x3FAE] =	sst s9;
	s0 =	simm.s32 @!p0 $0x0  }
0x12: {  	s1 =	sld [smem:$0x3F94];
	s0 =	simm.s32 @p0 $0x1  }
0x13: {  	[smem:$0x3FAF] =	sst s0;
	s0 =	simm.s32 @!p1 $0x0  }
0x14: {  	s2 =	sld [smem:$0x3F93];
	s0 =	simm.s32 @p1 $0x1  }
0x15: {  	[smem:$0x3FB0] =	sst s0;
	s0 =	simm.s32 @!p2 $0x0  }
0x16: {  	s3 =	sld [smem:$0x3FDB];
	s0 =	simm.s32 @p2 $0x1  }
0x17: {  	s4 =	simm.s32 $0x1BF5;
	[smem:$0x3FB2] =	sst s0  }
0x18: {  	s0 =	sld [smem:$0x3F95];
	_ =	swait.ge [sflag:s4], $0x0  }
0x19: {  	s7 =	sld [smem:$0x3F96]  }
0x1a: {  	s8 =	sadd.s32 $0xFFFFE003, lr  }
0x1b: {  	s9 =	sadd.s32 $0xFFFFFEF7, lr;
	s5 =	simm.s32 $0xFFFFFFFF;
	p2 =	slt.u32 s8, $0xFFFFF086  }
0x1c: {  	p1 =	slt.u32 s9, $0xF7A;
	s5 =	simm.s32 @!p2 $0x0  }
0x1d: {  	s5 =	simm.s32 @p1 $0x1;
	p0 =	seq.s32 s7, s2  }
0x1e: {  	s7 =	smul.u32 @!p0 $0xF7A, s2;
	p2 =	seq.s32 @!p0 s5, $0x0  }
0x1f: {  	s9 =	smul.u32 $0xF7A, s1;
	s8 =	simm.s32 @!p0 $0x1BF5;
	p2 =	por !p2, p0  }
0x20: {  	[sflag:s8] =	ssyncset.s32 @!p0 $0xFFFFF086;
	s6 =	sadd.s32 @!p0 s3, s7;
	s7 =	simm.s32 @!p0 $0x108  }
0x21: {  	s3 =	sadd.s32 s3, s9;
	s6 =	sadd.s32 @!p0 $0x88, s6;
	s7 =	simm.s32 @p2 $0x1082  }
0x22: {  	[simem:s7], [sflag:s8] =	dma.local @!p0 [hbm:s6], $0xF7A  }
0x23: {  	s9 =	sor.u32 $0xD0000000, s2;
	s6 =	simm.s32 $0x108;
	_ =	swait.ge @!p0 [sflag:s8], $0x0  }
0x24: {  	s3 =	sadd.s32 $0x88, s3;
	s6 =	simm.s32 @!p1 $0x1082;
	[sflag:s4] =	ssyncset.s32 $0xFFFFF086  }
0x25: {  	[simem:s6], [sflag:s4] =	dma.local [hbm:s3], $0xF7A  }
0x26: {  	[smem:$0x3F96] =	sst s1;
	(tag) =	ssettag s2;
	_ =	strace s9  }
0x27: {  	s1 =	sld [smem:$0x3FA6]  }
0x28: {  	s2 =	sld [smem:$0x3FA7]  }
0x29: {  	s4 =	sld [smem:$0x3FA9]  }
0x2a: {  	p0 =	seq.s32 s5, $0x0;
	s5 =	sld [smem:$0x3FAA]  }
0x2b: {  	s6 =	sld [smem:$0x3FAB]  }
0x2c: {  	s7 =	sld [smem:$0x3FAC]  }
0x2d: {  	s3 =	simm.s32 $0x108;
	s8 =	sld [smem:$0x3FAD]  }
0x2e: {  	s3 =	simm.s32 @!p0 $0x1082;
	s9 =	sld [smem:$0x3FAE]  }
0x2f: {  	lr =	sadd.s32 s0, s3;
	s0 =	sld [smem:$0x3FA5]  }
0x30: {  	s3 =	sld [smem:$0x3FA8]  }
0x31: {  	[smem:$0x3FB1] =	sst s10  }
0x32: {  	s10 =	sld [smem:$0x3FAF];
	_ =	sdelay $0x3  }
0x33: {  	p0 =	seq.s32 s10, $0x1;
	s10 =	sld [smem:$0x3FB1];
	_ =	sdelay $0x3  }
0x34: {  	[smem:$0x3FB1] =	sst s10  }
0x35: {  	s10 =	sld [smem:$0x3FB0];
	_ =	sdelay $0x3  }
0x36: {  	p1 =	seq.s32 s10, $0x1;
	s10 =	sld [smem:$0x3FB1];
	_ =	sdelay $0x3  }
0x37: {  	[smem:$0x3FB1] =	sst s10  }
0x38: {  	s10 =	sld [smem:$0x3FB2]  }
0x39: {  	_ = 	snop;
	(pc) =	sbr.ind lr, $3  }
0x3a: {  	_ = 	snop  }
0x3b: {  	_ = 	snop  }
0x3c: {  	p2 =	seq.s32 s10, $0x1;
	s10 =	sld [smem:$0x3FB1]  }
0x3d: {  	_ =	shalt  }
0x3e: {  	_ =	shalt  }
0x3f: {  	_ =	shalt  }
0x40: {  	_ =	shalt  }
0x41: {  	_ =	shalt  }
0x42: {  	_ =	shalt  }
0x43: {  	_ =	shalt  }
0x44: {  	_ =	shalt  }
0x45: {  	_ =	shalt  }
0x46: {  	_ =	shalt  }
0x47: {  	_ =	shalt  }
0x48: {  	_ =	shalt  }
0x49: {  	_ =	shalt  }
0x4a: {  	_ =	shalt  }
0x4b: {  	_ =	shalt  }
0x4c: {  	_ =	shalt  }
0x4d: {  	_ =	shalt  }
0x4e: {  	_ =	shalt  }
0x4f: {  	_ =	shalt  }
0x50: {  	_ =	shalt  }
0x51: {  	_ =	shalt  }
0x52: {  	_ =	shalt  }
0x53: {  	_ =	shalt  }
0x54: {  	_ =	shalt  }
0x55: {  	_ =	shalt  }
0x56: {  	_ =	shalt  }
0x57: {  	_ =	shalt  }
0x58: {  	_ =	shalt  }
0x59: {  	_ =	shalt  }
0x5a: {  	_ =	shalt  }
0x5b: {  	_ =	shalt  }
0x5c: {  	_ =	shalt  }
0x5d: {  	_ =	shalt  }
0x5e: {  	_ =	shalt  }
0x5f: {  	_ =	shalt  }
0x60: {  	_ =	shalt  }
0x61: {  	_ =	shalt  }
0x62: {  	_ =	shalt  }
0x63: {  	_ =	shalt  }
0x64: {  	_ =	shalt  }
0x65: {  	_ =	shalt  }
0x66: {  	_ =	shalt  }
0x67: {  	_ =	shalt  }
0x68: {  	_ =	shalt  }
0x69: {  	_ =	shalt  }
0x6a: {  	_ =	shalt  }
0x6b: {  	_ =	shalt  }
0x6c: {  	_ =	shalt  }
0x6d: {  	_ =	shalt  }
0x6e: {  	_ =	shalt  }
0x6f: {  	_ =	shalt  }
0x70: {  	_ =	shalt  }
0x71: {  	_ =	shalt  }
0x72: {  	_ =	shalt  }
0x73: {  	_ =	shalt  }
0x74: {  	_ =	shalt  }
0x75: {  	_ =	shalt  }
0x76: {  	_ =	shalt  }
0x77: {  	_ =	shalt  }
0x78: {  	_ =	shalt  }
0x79: {  	_ =	shalt  }
0x7a: {  	_ =	shalt  }
0x7b: {  	_ =	shalt  }
0x7c: {  	_ =	shalt  }
0x7d: {  	_ =	shalt  }
0x7e: {  	_ =	shalt  }
0x7f: {  	_ =	shalt  }
0x80: {  	_ =	shalt  }
0x81: {  	_ =	shalt  }
0x82: {  	_ =	shalt  }
0x83: {  	_ =	shalt  }
0x84: {  	_ =	shalt  }
0x85: {  	_ =	shalt  }
0x86: {  	_ =	shalt  }
0x87: {  	_ =	shalt  }
.Lfunc_end0:
.L_simem_size_0:
called_computation.1_lowered:
.L_overlay_start_0:
0x88: {  	s2 =	sld [smem:$0x3FD9]  }
0x89: {  	s3 =	sld [smem:$0x3FFE];
	_ =	sdelay $0x1  }
0x8a: {  	s1 =	srdreg.scid  }
0x8b: {  	s0 =	sand.u32 $0x1, s1  }
0x8c: {  	s17 =	sshll.u32 s0, $0xA;
	s2 =	sadd.s32 s3, s2  }
0x8d: {  	s2 =	sadd.s32 s2, s17  }
0x8e: {  	[smem:$0x3FBD] =	sst s2  }
0x8f: {  	_ = 	snop  }
0x90: {  	s2 =	sld [smem:$0x3FD0];
	(tm) =	ssettm $0x1  }
0x91: {  	s18 =	sld [smem:$0x3FFB];
	_ =	sdelay $0x3  }
0x92: {  	_ =	strace s18  }
0x93: {  	s3 =	sld [smem:$0x3FFC];
	_ =	sdelay $0x3  }
0x94: {  	_ =	strace s3  }
0x95: {  	s3 =	sld [smem:$0x3FFD];
	_ =	sdelay $0x3  }
0x96: {  	_ =	strace s3  }
0x97: {  	_ =	strace $0x8FFFFFFF  }
0x98: {  	s19 =	sld [smem:$0x3FDB];
	_ =	sdelay $0x1  }
0x99: {  	s4 =	simm.s32 $_scs_section_size  }
0x9a: {  	s5 =	simm.s32 $_size__tile_overlayer_lowered;
	s6 =	simm.s32 $_tile_overlayer_lowered  }
0x9b: {  	s22 =	simm.s32 $0x1BFF;
	s21 =	sshll.u32 s6, $0x1;
	s3 =	sadd.s32 s4, s19  }
0x9c: {  	s7 =	simm.s32 $0x0;
	s20 =	sshll.u32 s5, $0x1;
	s5 =	sadd.s32 s21, s3  }
0x9d: {  	[timem:s7], [sflag:s22] =	dma.local [hbm:s5], s20  }
0x9e: {  	_ =	swait.ge [sflag:s22], s20  }
0x9f: {  	s4 =	ssub.s32 $0x0, s20;
	[sflag:s22] =	ssyncset.done $0x0  }
0xa0: {  	[sflag:s22] =	ssyncadd.s32 s4;
	_ =	sdelay $0x1  }
0xa1: {  	s23 =	simm.s32 $0x1B8B  }
0xa2: {  	_ =	swait.ge [sflag:s23], $0x1  }
0xa3: {  	[sflag:s23] =	ssyncset.done $0x0  }
0xa4: {  	s25 =	simm.s32 $0x1B8E;
	s24 =	sld [smem:$0x3FFE];
	[sflag:s23] =	ssyncadd.s32 $0xFFFFFFFF  }
0xa5: {  	s26 =	simm.s32 $execute0_lowered;
	[smem:$0x3FD2] =	sst s25  }
0xa6: {  	s5 =	sshll.u32 s26, $0x1;
	_ =	strace $0x80000046;
	[dreg:$0x1] =	wrdreg $0xFFFFFFFF  }
0xa7: {  	s28 =	simm.s32 $_size_execute0_lowered;
	s3 =	sadd.s32 s3, s5;
	[dreg:$0x0] =	wrdreg $0x0  }
0xa8: {  	s5 =	sshll.u32 s28, $0x1;
	[dreg:$0x2] =	wrdreg s3  }
0xa9: {  	[dreg:$0x3] =	wrdreg s5  }
0xaa: {  	[dreg:$0x4] =	wrdreg $0xC0  }
0xab: {  	_ =	task [dreg:s7], $0x5FFFF  }
0xac: {  	[dreg:$0x1] =	wrdreg $0xFFFFFFFF  }
0xad: {  	[dreg:$0x0] =	wrdreg $0x60  }
0xae: {  	[dreg:$0x2] =	wrdreg s2  }
0xaf: {  	[dreg:$0x3] =	wrdreg s24  }
0xb0: {  	[dreg:$0x4] =	wrdreg $0xA8000  }
0xb1: {  	[dreg:$0x5] =	wrdreg $0xA  }
0xb2: {  	_ =	task.clear_ibuf [dreg:s7], $0x6FFFF;
	_ =	strace $0x90000046  }
0xb3: {  	s29 =	simm.s32 $0xA;
	_ =	strace $0x80000048  }
0xb4: {  	_ =	swait.ge [sflag:s29], $0x1  }
0xb5: {  	[sflag:s29] =	ssyncadd.s32 $0xFFFFFFFF  }
0xb6: {  	_ =	strace $0x90000048  }
0xb7: {  	_ =	sfence  }
0xb8: {  	s30 =	sld [smem:$0x0];
	_ =	sdelay $0x2  }
0xb9: {  	s31 =	sshll.u32 s1, $0xD;
	s1 =	sshrl.u32 s1, $0x2  }
0xba: {  	s3 =	sand.u32 $0x4000, s31;
	s1 =	sadd.s32 s1, s30  }
0xbb: {  	s0 =	sor.u32 s3, s0;
	s1 =	sshll.u32 s1, $0x11  }
0xbc: {  	s0 =	sor.u32 s1, s0  }
0xbd: {  	s0 =	sadd.s32 $0x8F2B, s0  }
0xbe: {  	[sflag:s0] =	ssyncadd.remote.s32 $0x1  }
0xbf: {  	_ =	sfence.sel $0xFFFF  }
0xc0: {  	[dreg:$0x0] =	wrdreg $0xFFFFFFFF;
	(pc) =	sbr.abs _section_cstart, $3  }
0xc1: {  	[dreg:$0x1] =	wrdreg $0xFFFFFFFF  }
0xc2: {  	_ =	task.clear_ibuf [dreg:s7], $0x2FFFF;
	_ =	strace $0x9FFFFFFF  }
0xc3: {  	(tm) =	ssettm $0x7FFFFFFF  }
tec
execute0_lowered:
.L_overlay_start_1:
0x0: {  	(tag) =	ssettag $0x1  }
0x1: {  	s1 =	rddreg [dreg:$0x0]  }
0x2: {  	s7 =	rddreg [dreg:$0x1]  }
0x3: {  	s2 =	rddreg [dreg:$0x2];
	s3 =	srdreg.scid  }
0x4: {  	s0 =	rddreg [dreg:$0x3];
	s11 =	stileid.u32  }
0x5: {  	s16 =	simm.s32 $0x50;
	s17 =	simm.s32 $0x8000;
	s18 =	simm.s32 $0x1  }
0x6: {  	s19 =	simm.s32 $0x0;
	s4 =	sand.u32 $0x1, s3;
	s8 =	smul.u32 $0x13800, s11  }
0x7: {  	s3 =	simm.s32 $0x0;
	s6 =	sshll.u32 s11, $0xB;
	s10 =	smul.u32 $0x4E000, s11  }
0x8: {  	s12 =	sadd.s32 $0x4AE00, s7;
	s15 =	sadd.s32 $0x138000, s2;
	p0 =	sne.s32 s11, $0x0  }
0x9: {  	s31 =	sshll.u32 s11, $0x6;
	s11 =	simm.s32 $0x2;
	s5 =	sshll.u32 s4, $0xF  }
0xa: {  	[smem:$0x7FF] =	sst s3;
	s9 =	ssub.s32 $0x2, s4;
	s29 =	smul.u32 $0x138800, s4  }
0xb: {  	s15 =	sshrl.u32 @!p0 s15, $0x3;
	s5 =	sor.u32 s6, s5;
	_ =	strace $0x80000047  }
0xc: {  	s26 =	sshrl.u32 s8, $0x3;
	s13 =	sshrl.u32 s9, $0x1;
	s28 =	sshrl.u32 s10, $0x2  }
0xd: {  	s5 =	sadd.s32 s5, s7;
	s6 =	sadd.s32 s26, s7;
	s13 =	ssub.s32 s9, s13  }
0xe: {  	s14 =	sadd.s32 s28, s2;
	s8 =	sadd.s32 s8, s29;
	s30 =	sshrl.u32 s29, $0x3  }
0xf: {  	s7 =	sadd.s32 $0x4AC00, s7;
	s4 =	sadd.s32 $0x13C00, s5;
	s5 =	sadd.s32 $0x3C00, s5  }
0x10: {  	s6 =	sadd.s32 $0x23C00, s6;
	s8 =	sshrl.u32 s8, $0x3;
	s9 =	sadd.s32 s12, s30  }
0x11: {  	s10 =	smax.u32 s13, $0x1;
	s13 =	sor.u32 $0x1C02, s31;
	s14 =	sshrl.u32 s14, $0x3  }
0x12: {  	s8 =	sadd.s32 s12, s8;
	s9 =	sadd.s32 $0x27000, s9;
	s12 =	simm.s32 $0x4000  }
.LBB2_1:
0x13: {  	[tilespmem:s3], [sflag:$0x2] =	stream.linear.gather [hbm4b:s4+s3], $0x3E80, $0x38;
	[tilespmem:$0x1E080] =	vst v63  }
0x14: {  	_ =	swait.ge [sflag:s11], $0x3E80  }
0x15: {  	[sflag:s11] =	ssyncset.done $0x0  }
0x16: {  	[sflag:s11] =	ssyncadd.s32 $0xFFFFC180  }
0x17: {  	[tilespmem:s12], [sflag:$0x2] =	stream.linear.gather [hbm4b:s5+s3], $0x3E80, $0x38;
	[tilespmem:$0x1E080] =	vst v63  }
0x18: {  	_ =	swait.ge [sflag:s11], $0x3E80  }
0x19: {  	[sflag:s11] =	ssyncset.done $0x0  }
0x1a: {  	[sflag:s11] =	ssyncadd.s32 $0xFFFFC180  }
0x1b: {  	[spmem:s14], [sflag:s13] =	dma.local [hbm:s6], $0x2700  }
0x1c: {  	_ =	swait.ge [sflag:s11], $0x2700  }
0x1d: {  	[sflag:s11] =	ssyncset.done $0x0  }
0x1e: {  	s20 =	simm.s32 @!p0 $0x2;
	[sflag:s11] =	ssyncadd.s32 $0xFFFFD900  }
0x1f: {  	[spmem:s15], [sflag:s13] =	dma.local @!p0 [hbm:s7], $0x100  }
0x20: {  	_ =	swait.ge @!p0 [sflag:s20], $0x100  }
0x21: {  	[sflag:s20] =	ssyncset.done @!p0 $0x0  }
0x22: {  	[sflag:s20] =	ssyncadd.s32 @!p0 $0xFFFFFF00  }
0x23: {  	s30 =	simm.s32 $0x0;
	[bflag:$0x0] =	sbarrier.arrive $0xFFFF  }
0x24: {  	[tilespmem:s17], [sflag:$0x1] =	stream.indirect.gather [hbm4b:s1+s16], $0x80, s30, s16, $0xb8;
	[tilespmem:$0x1E080] =	vst v63  }
0x25: {  	_ =	swait.ge [sflag:s18], $0x2800  }
0x26: {  	[sflag:s18] =	ssyncset.done $0x0  }
0x27: {  	s31 =	simm.s32 $0x4000;
	[sflag:s18] =	ssyncadd.s32 $0xFFFFD800  }
0x28: {  	[spmem:s2] =	stream.indirect.scatter.add.f32 [tilespmem:s17], [sflag:$0x2], $0x80, s31, s16, $0xb8;
	[tilespmem:$0x1E080] =	vst v63  }
0x29: {  	_ =	swait.ge [sflag:s11], $0x2800  }
0x2a: {  	s21 =	simm.s32 $0x400;
	s20 =	simm.s32 $0x200;
	[sflag:s11] =	ssyncset.done $0x0  }
.LBB2_2:
0x2b: {  	s22 =	sshra.s32 s20, $0x2  }
0x2c: {  	[sflag:s11] =	ssyncadd.s32 $0xFFFFD800;
	s20 =	smov.u32 s21;
	s23 =	sadd.s32 $0x200, s21  }
0x2d: {  	[tilespmem:s17], [sflag:$0x1] =	stream.indirect.gather [hbm4b:s1+s16], $0x80, s22, s16, $0xb8;
	[tilespmem:$0x1E080] =	vst v63  }
0x2e: {  	p1 =	sne.s32 s21, $0xF800;
	_ =	swait.ge [sflag:s18], $0x2800  }
.Ltmp0:
0x2f: {  	[sflag:s18] =	ssyncset.done $0x0;
	(pc) =	sbr.rel @p1 .LBB2_2-.Ltmp0, $4  }
0x30: {  	s21 =	sadd.s32 $0x4000, s22;
	[sflag:s18] =	ssyncadd.s32 $0xFFFFD800  }
0x31: {  	[spmem:s2] =	stream.indirect.scatter.add.f32 [tilespmem:s17], [sflag:$0x2], $0x80, s21, s16, $0xb8;
	[tilespmem:$0x1E080] =	vst v63  }
0x32: {  	_ =	swait.ge [sflag:s11], $0x2800  }
0x33: {  	s21 =	smov.u32 s23;
	[sflag:s11] =	ssyncset.done $0x0  }
0x34: {  	s20 =	sshra.s32 s20, $0x2;
	[sflag:s11] =	ssyncadd.s32 $0xFFFFD800  }
0x35: {  	[tilespmem:s17], [sflag:$0x1] =	stream.indirect.gather [hbm4b:s1+s16], $0x80, s20, s16, $0xb8;
	[tilespmem:$0x1E080] =	vst v63  }
0x36: {  	_ =	swait.ge [sflag:s18], $0x2800  }
0x37: {  	[sflag:s18] =	ssyncset.done $0x0  }
0x38: {  	s20 =	sadd.s32 $0x4000, s20;
	[sflag:s18] =	ssyncadd.s32 $0xFFFFD800  }
0x39: {  	[spmem:s2] =	stream.indirect.scatter.add.f32 [tilespmem:s17], [sflag:$0x2], $0x80, s20, s16, $0xb8;
	[tilespmem:$0x1E080] =	vst v63  }
0x3a: {  	_ =	swait.ge [sflag:s11], $0x2800  }
0x3b: {  	[sflag:s11] =	ssyncset.done $0x0  }
0x3c: {  	[sflag:s11] =	ssyncadd.s32 $0xFFFFD800  }
0x3d: {  	[bflag:$0x0] =	sbarrier.arrive $0xFFFF  }
0x3e: {  	[hbm:s8], [sflag:s13] =	dma.local [spmem:s14], $0x2700  }
0x3f: {  	s19 =	sadd.s32 $0x1, s19;
	_ =	swait.ge [sflag:s11], $0x2700  }
0x40: {  	p1 =	sne.s32 s19, s10;
	[sflag:s11] =	ssyncset.done $0x0  }
.Ltmp1:
0x41: {  	s20 =	simm.s32 @!p0 $0x2;
	[sflag:s11] =	ssyncadd.s32 $0xFFFFD900;
	(pc) =	sbr.rel @p1 .LBB2_1-.Ltmp1, $4  }
0x42: {  	[hbm:s9], [sflag:s13] =	dma.local @!p0 [spmem:s15], $0x100  }
0x43: {  	_ =	swait.ge @!p0 [sflag:s20], $0x100  }
0x44: {  	[sflag:s20] =	ssyncset.done @!p0 $0x0  }
0x45: {  	[sflag:s20] =	ssyncadd.s32 @!p0 $0xFFFFFF00  }
0x46: {  	_ =	sfence.sel $0x180000  }
0x47: {  	[bflag:$0x0] =	sbarrier.arrive $0xFFFF  }
0x48: {  	_ =	strace $0x90000047  }
0x49: {  	s0 =	sadd.s32 @!p0 $0x100000, s0;
	[bflag:$0x2] =	sbarrier.arrive $0xFFFF  }
0x4a: {  	[sflag:s0] =	ssyncadd.tile.s32 @!p0 $0x1;
	_ =	shalt  }
.Lfunc_end2:
_tile_overlayer_lowered:
.L_overlay_start_2:
0x4b: {  	(tag) =	ssettag $0x2  }
0x4c: {  	s0 =	rddreg [dreg:$0x0];
	s2 =	stileid.u32  }
0x4d: {  	s1 =	rddreg [dreg:$0x1];
	p0 =	sne.s32 s2, $0x0  }
0x4e: {  	s3 =	rddreg [dreg:$0x2];
	[bflag:$0x3] =	sbarrier.arrive $0xFFFF;
	s2 =	simm.s32 @!p0 $0x1C02  }
0x4f: {  	[timem:s3], [sflag:s2] =	dma.local @!p0 [hbm:s0], s1  }
0x50: {  	s0 =	simm.s32 @!p0 $0x2  }
0x51: {  	_ =	swait.ge @!p0 [sflag:s0], s1  }
0x52: {  	s1 =	ssub.s32 @!p0 $0x0, s1;
	[sflag:s0] =	ssyncset.done @!p0 $0x0  }
0x53: {  	[sflag:s0] =	ssyncadd.s32 @!p0 s1  }
0x54: {  	[bflag:$0x3] =	sbarrier.arrive $0xFFFF  }
0x55: {  	_ =	shalt  }

// kernel: kernel.18.cloned.1.call-start
scs
__scs_entry_jumppad:
0x0: {  	(pc) =	sbr.rel $0x88, $3  }
0x1: {  	(tag) =	ssettag $0x0;
	lr =	simm.s32 $0x1  }
0x2: {  	[smem:$0x3F96] =	sst lr;
	_ =	strace $0xD0000000  }
0x3: {  	_ = 	snop  }
0x4: {  	_ = 	snop  }
0x5: {  	_ = 	snop  }
0x6: {  	_ = 	snop  }
0x7: {  	_ = 	snop  }
__scs_overlays_trampoline_lowered:
0x8: {  	[smem:$0x3FA5] =	sst s0  }
0x9: {  	[smem:$0x3FA6] =	sst s1  }
0xa: {  	[smem:$0x3FA7] =	sst s2  }
0xb: {  	[smem:$0x3FA8] =	sst s3  }
0xc: {  	[smem:$0x3FA9] =	sst s4  }
0xd: {  	[smem:$0x3FAA] =	sst s5  }
0xe: {  	[smem:$0x3FAB] =	sst s6  }
0xf: {  	[smem:$0x3FAC] =	sst s7  }
0x10: {  	[smem:$0x3FAD] =	sst s8  }
0x11: {  	[smem:$0x3FAE] =	sst s9;
	s0 =	simm.s32 @!p0 $0x0  }
0x12: {  	s1 =	sld [smem:$0x3F94];
	s0 =	simm.s32 @p0 $0x1  }
0x13: {  	[smem:$0x3FAF] =	sst s0;
	s0 =	simm.s32 @!p1 $0x0  }
0x14: {  	s2 =	sld [smem:$0x3F93];
	s0 =	simm.s32 @p1 $0x1  }
0x15: {  	[smem:$0x3FB0] =	sst s0;
	s0 =	simm.s32 @!p2 $0x0  }
0x16: {  	s3 =	sld [smem:$0x3FDB];
	s0 =	simm.s32 @p2 $0x1  }
0x17: {  	s4 =	simm.s32 $0x1BF5;
	[smem:$0x3FB2] =	sst s0  }
0x18: {  	s0 =	sld [smem:$0x3F95];
	_ =	swait.ge [sflag:s4], $0x0  }
0x19: {  	s7 =	sld [smem:$0x3F96]  }
0x1a: {  	s8 =	sadd.s32 $0xFFFFE003, lr  }
0x1b: {  	s9 =	sadd.s32 $0xFFFFFEF7, lr;
	s5 =	simm.s32 $0xFFFFFFFF;
	p2 =	slt.u32 s8, $0xFFFFF086  }
0x1c: {  	p1 =	slt.u32 s9, $0xF7A;
	s5 =	simm.s32 @!p2 $0x0  }
0x1d: {  	s5 =	simm.s32 @p1 $0x1;
	p0 =	seq.s32 s7, s2  }
0x1e: {  	s7 =	smul.u32 @!p0 $0xF7A, s2;
	p2 =	seq.s32 @!p0 s5, $0x0  }
0x1f: {  	s9 =	smul.u32 $0xF7A, s1;
	s8 =	simm.s32 @!p0 $0x1BF5;
	p2 =	por !p2, p0  }
0x20: {  	[sflag:s8] =	ssyncset.s32 @!p0 $0xFFFFF086;
	s6 =	sadd.s32 @!p0 s3, s7;
	s7 =	simm.s32 @!p0 $0x108  }
0x21: {  	s3 =	sadd.s32 s3, s9;
	s6 =	sadd.s32 @!p0 $0x88, s6;
	s7 =	simm.s32 @p2 $0x1082  }
0x22: {  	[simem:s7], [sflag:s8] =	dma.local @!p0 [hbm:s6], $0xF7A  }
0x23: {  	s9 =	sor.u32 $0xD0000000, s2;
	s6 =	simm.s32 $0x108;
	_ =	swait.ge @!p0 [sflag:s8], $0x0  }
0x24: {  	s3 =	sadd.s32 $0x88, s3;
	s6 =	simm.s32 @!p1 $0x1082;
	[sflag:s4] =	ssyncset.s32 $0xFFFFF086  }
0x25: {  	[simem:s6], [sflag:s4] =	dma.local [hbm:s3], $0xF7A  }
0x26: {  	[smem:$0x3F96] =	sst s1;
	(tag) =	ssettag s2;
	_ =	strace s9  }
0x27: {  	s1 =	sld [smem:$0x3FA6]  }
0x28: {  	s2 =	sld [smem:$0x3FA7]  }
0x29: {  	s4 =	sld [smem:$0x3FA9]  }
0x2a: {  	p0 =	seq.s32 s5, $0x0;
	s5 =	sld [smem:$0x3FAA]  }
0x2b: {  	s6 =	sld [smem:$0x3FAB]  }
0x2c: {  	s7 =	sld [smem:$0x3FAC]  }
0x2d: {  	s3 =	simm.s32 $0x108;
	s8 =	sld [smem:$0x3FAD]  }
0x2e: {  	s3 =	simm.s32 @!p0 $0x1082;
	s9 =	sld [smem:$0x3FAE]  }
0x2f: {  	lr =	sadd.s32 s0, s3;
	s0 =	sld [smem:$0x3FA5]  }
0x30: {  	s3 =	sld [smem:$0x3FA8]  }
0x31: {  	[smem:$0x3FB1] =	sst s10  }
0x32: {  	s10 =	sld [smem:$0x3FAF];
	_ =	sdelay $0x3  }
0x33: {  	p0 =	seq.s32 s10, $0x1;
	s10 =	sld [smem:$0x3FB1];
	_ =	sdelay $0x3  }
0x34: {  	[smem:$0x3FB1] =	sst s10  }
0x35: {  	s10 =	sld [smem:$0x3FB0];
	_ =	sdelay $0x3  }
0x36: {  	p1 =	seq.s32 s10, $0x1;
	s10 =	sld [smem:$0x3FB1];
	_ =	sdelay $0x3  }
0x37: {  	[smem:$0x3FB1] =	sst s10  }
0x38: {  	s10 =	sld [smem:$0x3FB2]  }
0x39: {  	_ = 	snop;
	(pc) =	sbr.ind lr, $3  }
0x3a: {  	_ = 	snop  }
0x3b: {  	_ = 	snop  }
0x3c: {  	p2 =	seq.s32 s10, $0x1;
	s10 =	sld [smem:$0x3FB1]  }
0x3d: {  	_ =	shalt  }
0x3e: {  	_ =	shalt  }
0x3f: {  	_ =	shalt  }
0x40: {  	_ =	shalt  }
0x41: {  	_ =	shalt  }
0x42: {  	_ =	shalt  }
0x43: {  	_ =	shalt  }
0x44: {  	_ =	shalt  }
0x45: {  	_ =	shalt  }
0x46: {  	_ =	shalt  }
0x47: {  	_ =	shalt  }
0x48: {  	_ =	shalt  }
0x49: {  	_ =	shalt  }
0x4a: {  	_ =	shalt  }
0x4b: {  	_ =	shalt  }
0x4c: {  	_ =	shalt  }
0x4d: {  	_ =	shalt  }
0x4e: {  	_ =	shalt  }
0x4f: {  	_ =	shalt  }
0x50: {  	_ =	shalt  }
0x51: {  	_ =	shalt  }
0x52: {  	_ =	shalt  }
0x53: {  	_ =	shalt  }
0x54: {  	_ =	shalt  }
0x55: {  	_ =	shalt  }
0x56: {  	_ =	shalt  }
0x57: {  	_ =	shalt  }
0x58: {  	_ =	shalt  }
0x59: {  	_ =	shalt  }
0x5a: {  	_ =	shalt  }
0x5b: {  	_ =	shalt  }
0x5c: {  	_ =	shalt  }
0x5d: {  	_ =	shalt  }
0x5e: {  	_ =	shalt  }
0x5f: {  	_ =	shalt  }
0x60: {  	_ =	shalt  }
0x61: {  	_ =	shalt  }
0x62: {  	_ =	shalt  }
0x63: {  	_ =	shalt  }
0x64: {  	_ =	shalt  }
0x65: {  	_ =	shalt  }
0x66: {  	_ =	shalt  }
0x67: {  	_ =	shalt  }
0x68: {  	_ =	shalt  }
0x69: {  	_ =	shalt  }
0x6a: {  	_ =	shalt  }
0x6b: {  	_ =	shalt  }
0x6c: {  	_ =	shalt  }
0x6d: {  	_ =	shalt  }
0x6e: {  	_ =	shalt  }
0x6f: {  	_ =	shalt  }
0x70: {  	_ =	shalt  }
0x71: {  	_ =	shalt  }
0x72: {  	_ =	shalt  }
0x73: {  	_ =	shalt  }
0x74: {  	_ =	shalt  }
0x75: {  	_ =	shalt  }
0x76: {  	_ =	shalt  }
0x77: {  	_ =	shalt  }
0x78: {  	_ =	shalt  }
0x79: {  	_ =	shalt  }
0x7a: {  	_ =	shalt  }
0x7b: {  	_ =	shalt  }
0x7c: {  	_ =	shalt  }
0x7d: {  	_ =	shalt  }
0x7e: {  	_ =	shalt  }
0x7f: {  	_ =	shalt  }
0x80: {  	_ =	shalt  }
0x81: {  	_ =	shalt  }
0x82: {  	_ =	shalt  }
0x83: {  	_ =	shalt  }
0x84: {  	_ =	shalt  }
0x85: {  	_ =	shalt  }
0x86: {  	_ =	shalt  }
0x87: {  	_ =	shalt  }
.Lfunc_end0:
.L_simem_size_0:
called_computation.2_lowered:
.L_overlay_start_0:
0x88: {  	s2 =	sld [smem:$0x3FD9]  }
0x89: {  	s3 =	sld [smem:$0x3FFE];
	_ =	sdelay $0x1  }
0x8a: {  	s1 =	srdreg.scid  }
0x8b: {  	s0 =	sand.u32 $0x1, s1  }
0x8c: {  	s17 =	sshll.u32 s0, $0xA;
	s2 =	sadd.s32 s3, s2  }
0x8d: {  	s2 =	sadd.s32 s2, s17  }
0x8e: {  	[smem:$0x3FBD] =	sst s2  }
0x8f: {  	_ = 	snop  }
0x90: {  	s2 =	sld [smem:$0x3FD0];
	(tm) =	ssettm $0x1  }
0x91: {  	s18 =	sld [smem:$0x3FFB];
	_ =	sdelay $0x3  }
0x92: {  	_ =	strace s18  }
0x93: {  	s3 =	sld [smem:$0x3FFC];
	_ =	sdelay $0x3  }
0x94: {  	_ =	strace s3  }
0x95: {  	s3 =	sld [smem:$0x3FFD];
	_ =	sdelay $0x3  }
0x96: {  	_ =	strace s3  }
0x97: {  	_ =	strace $0x8FFFFFFF  }
0x98: {  	s19 =	sld [smem:$0x3FDB];
	_ =	sdelay $0x1  }
0x99: {  	s4 =	simm.s32 $_scs_section_size  }
0x9a: {  	s5 =	simm.s32 $_size__tile_overlayer_lowered;
	s6 =	simm.s32 $_tile_overlayer_lowered  }
0x9b: {  	s22 =	simm.s32 $0x1BFF;
	s21 =	sshll.u32 s6, $0x1;
	s3 =	sadd.s32 s4, s19  }
0x9c: {  	s7 =	simm.s32 $0x0;
	s20 =	sshll.u32 s5, $0x1;
	s5 =	sadd.s32 s21, s3  }
0x9d: {  	[timem:s7], [sflag:s22] =	dma.local [hbm:s5], s20  }
0x9e: {  	_ =	swait.ge [sflag:s22], s20  }
0x9f: {  	s4 =	ssub.s32 $0x0, s20;
	[sflag:s22] =	ssyncset.done $0x0  }
0xa0: {  	[sflag:s22] =	ssyncadd.s32 s4;
	_ =	sdelay $0x1  }
0xa1: {  	s23 =	simm.s32 $0x1B8B  }
0xa2: {  	_ =	swait.ge [sflag:s23], $0x1  }
0xa3: {  	[sflag:s23] =	ssyncset.done $0x0  }
0xa4: {  	s25 =	simm.s32 $0x1B8E;
	s24 =	sld [smem:$0x3FFE];
	[sflag:s23] =	ssyncadd.s32 $0xFFFFFFFF  }
0xa5: {  	s26 =	simm.s32 $execute0_lowered;
	[smem:$0x3FD2] =	sst s25  }
0xa6: {  	s5 =	sshll.u32 s26, $0x1;
	_ =	strace $0x8000004C;
	[dreg:$0x1] =	wrdreg $0xFFFFFFFF  }
0xa7: {  	s28 =	simm.s32 $_size_execute0_lowered;
	s3 =	sadd.s32 s3, s5;
	[dreg:$0x0] =	wrdreg $0x0  }
0xa8: {  	s5 =	sshll.u32 s28, $0x1;
	[dreg:$0x2] =	wrdreg s3  }
0xa9: {  	[dreg:$0x3] =	wrdreg s5  }
0xaa: {  	[dreg:$0x4] =	wrdreg $0xC0  }
0xab: {  	_ =	task [dreg:s7], $0x5FFFF  }
0xac: {  	[dreg:$0x1] =	wrdreg $0xFFFFFFFF  }
0xad: {  	[dreg:$0x0] =	wrdreg $0x60  }
0xae: {  	[dreg:$0x2] =	wrdreg s2  }
0xaf: {  	[dreg:$0x3] =	wrdreg s24  }
0xb0: {  	[dreg:$0x4] =	wrdreg $0xA8000  }
0xb1: {  	[dreg:$0x5] =	wrdreg $0x9  }
0xb2: {  	_ =	task.clear_ibuf [dreg:s7], $0x6FFFF;
	_ =	strace $0x9000004C  }
0xb3: {  	s29 =	simm.s32 $0x9;
	_ =	strace $0x8000004E  }
0xb4: {  	_ =	swait.ge [sflag:s29], $0x1  }
0xb5: {  	[sflag:s29] =	ssyncadd.s32 $0xFFFFFFFF  }
0xb6: {  	_ =	strace $0x9000004E  }
0xb7: {  	_ =	sfence  }
0xb8: {  	s30 =	sld [smem:$0x0];
	_ =	sdelay $0x2  }
0xb9: {  	s31 =	sshll.u32 s1, $0xD;
	s1 =	sshrl.u32 s1, $0x2  }
0xba: {  	s3 =	sand.u32 $0x4000, s31;
	s1 =	sadd.s32 s1, s30  }
0xbb: {  	s0 =	sor.u32 s3, s0;
	s1 =	sshll.u32 s1, $0x11  }
0xbc: {  	s0 =	sor.u32 s1, s0  }
0xbd: {  	s0 =	sadd.s32 $0x8F2B, s0  }
0xbe: {  	[sflag:s0] =	ssyncadd.remote.s32 $0x1  }
0xbf: {  	_ =	sfence.sel $0xFFFF  }
0xc0: {  	[dreg:$0x0] =	wrdreg $0xFFFFFFFF;
	(pc) =	sbr.abs _section_cstart, $3  }
0xc1: {  	[dreg:$0x1] =	wrdreg $0xFFFFFFFF  }
0xc2: {  	_ =	task.clear_ibuf [dreg:s7], $0x2FFFF;
	_ =	strace $0x9FFFFFFF  }
0xc3: {  	(tm) =	ssettm $0x7FFFFFFF  }
tec
execute0_lowered:
.L_overlay_start_1:
0x0: {  	(tag) =	ssettag $0x1  }
0x1: {  	s1 =	rddreg [dreg:$0x0]  }
0x2: {  	s7 =	rddreg [dreg:$0x1]  }
0x3: {  	s2 =	rddreg [dreg:$0x2];
	s3 =	srdreg.scid  }
0x4: {  	s0 =	rddreg [dreg:$0x3];
	s11 =	stileid.u32  }
0x5: {  	s16 =	simm.s32 $0x50;
	s17 =	simm.s32 $0x8000;
	s18 =	simm.s32 $0x1  }
0x6: {  	s19 =	simm.s32 $0x0;
	s4 =	sand.u32 $0x1, s3;
	s8 =	smul.u32 $0x13800, s11  }
0x7: {  	s3 =	simm.s32 $0x0;
	s6 =	sshll.u32 s11, $0xB;
	s10 =	smul.u32 $0x4E000, s11  }
0x8: {  	s12 =	sadd.s32 $0x4AE00, s7;
	s15 =	sadd.s32 $0x138000, s2;
	p0 =	sne.s32 s11, $0x0  }
0x9: {  	s31 =	sshll.u32 s11, $0x6;
	s11 =	simm.s32 $0x2;
	s5 =	sshll.u32 s4, $0xF  }
0xa: {  	[smem:$0x7FF] =	sst s3;
	s9 =	ssub.s32 $0x2, s4;
	s29 =	smul.u32 $0x138800, s4  }
0xb: {  	s15 =	sshrl.u32 @!p0 s15, $0x3;
	s5 =	sor.u32 s6, s5;
	_ =	strace $0x8000004D  }
0xc: {  	s26 =	sshrl.u32 s8, $0x3;
	s13 =	sshrl.u32 s9, $0x1;
	s28 =	sshrl.u32 s10, $0x2  }
0xd: {  	s5 =	sadd.s32 s5, s7;
	s6 =	sadd.s32 s26, s7;
	s13 =	ssub.s32 s9, s13  }
0xe: {  	s14 =	sadd.s32 s28, s2;
	s8 =	sadd.s32 s8, s29;
	s30 =	sshrl.u32 s29, $0x3  }
0xf: {  	s7 =	sadd.s32 $0x4AC00, s7;
	s4 =	sadd.s32 $0x13C00, s5;
	s5 =	sadd.s32 $0x3C00, s5  }
0x10: {  	s6 =	sadd.s32 $0x23C00, s6;
	s8 =	sshrl.u32 s8, $0x3;
	s9 =	sadd.s32 s12, s30  }
0x11: {  	s10 =	smax.u32 s13, $0x1;
	s13 =	sor.u32 $0x1C02, s31;
	s14 =	sshrl.u32 s14, $0x3  }
0x12: {  	s8 =	sadd.s32 s12, s8;
	s9 =	sadd.s32 $0x27000, s9;
	s12 =	simm.s32 $0x4000  }
.LBB2_1:
0x13: {  	[tilespmem:s3], [sflag:$0x2] =	stream.linear.gather [hbm4b:s4+s3], $0x3E80, $0x38;
	[tilespmem:$0x1E080] =	vst v63  }
0x14: {  	_ =	swait.ge [sflag:s11], $0x3E80  }
0x15: {  	[sflag:s11] =	ssyncset.done $0x0  }
0x16: {  	[sflag:s11] =	ssyncadd.s32 $0xFFFFC180  }
0x17: {  	[tilespmem:s12], [sflag:$0x2] =	stream.linear.gather [hbm4b:s5+s3], $0x3E80, $0x38;
	[tilespmem:$0x1E080] =	vst v63  }
0x18: {  	_ =	swait.ge [sflag:s11], $0x3E80  }
0x19: {  	[sflag:s11] =	ssyncset.done $0x0  }
0x1a: {  	[sflag:s11] =	ssyncadd.s32 $0xFFFFC180  }
0x1b: {  	[spmem:s14], [sflag:s13] =	dma.local [hbm:s6], $0x2700  }
0x1c: {  	_ =	swait.ge [sflag:s11], $0x2700  }
0x1d: {  	[sflag:s11] =	ssyncset.done $0x0  }
0x1e: {  	s20 =	simm.s32 @!p0 $0x2;
	[sflag:s11] =	ssyncadd.s32 $0xFFFFD900  }
0x1f: {  	[spmem:s15], [sflag:s13] =	dma.local @!p0 [hbm:s7], $0x100  }
0x20: {  	_ =	swait.ge @!p0 [sflag:s20], $0x100  }
0x21: {  	[sflag:s20] =	ssyncset.done @!p0 $0x0  }
0x22: {  	[sflag:s20] =	ssyncadd.s32 @!p0 $0xFFFFFF00  }
0x23: {  	s30 =	simm.s32 $0x0;
	[bflag:$0x0] =	sbarrier.arrive $0xFFFF  }
0x24: {  	[tilespmem:s17], [sflag:$0x1] =	stream.indirect.gather [hbm4b:s1+s16], $0x80, s30, s16, $0xb8;
	[tilespmem:$0x1E080] =	vst v63  }
0x25: {  	_ =	swait.ge [sflag:s18], $0x2800  }
0x26: {  	[sflag:s18] =	ssyncset.done $0x0  }
0x27: {  	s31 =	simm.s32 $0x4000;
	[sflag:s18] =	ssyncadd.s32 $0xFFFFD800  }
0x28: {  	[spmem:s2] =	stream.indirect.scatter.add.f32 [tilespmem:s17], [sflag:$0x2], $0x80, s31, s16, $0xb8;
	[tilespmem:$0x1E080] =	vst v63  }
0x29: {  	_ =	swait.ge [sflag:s11], $0x2800  }
0x2a: {  	s21 =	simm.s32 $0x400;
	s20 =	simm.s32 $0x200;
	[sflag:s11] =	ssyncset.done $0x0  }
.LBB2_2:
0x2b: {  	s22 =	sshra.s32 s20, $0x2  }
0x2c: {  	[sflag:s11] =	ssyncadd.s32 $0xFFFFD800;
	s20 =	smov.u32 s21;
	s23 =	sadd.s32 $0x200, s21  }
0x2d: {  	[tilespmem:s17], [sflag:$0x1] =	stream.indirect.gather [hbm4b:s1+s16], $0x80, s22, s16, $0xb8;
	[tilespmem:$0x1E080] =	vst v63  }
0x2e: {  	p1 =	sne.s32 s21, $0xF800;
	_ =	swait.ge [sflag:s18], $0x2800  }
.Ltmp0:
0x2f: {  	[sflag:s18] =	ssyncset.done $0x0;
	(pc) =	sbr.rel @p1 .LBB2_2-.Ltmp0, $4  }
0x30: {  	s21 =	sadd.s32 $0x4000, s22;
	[sflag:s18] =	ssyncadd.s32 $0xFFFFD800  }
0x31: {  	[spmem:s2] =	stream.indirect.scatter.add.f32 [tilespmem:s17], [sflag:$0x2], $0x80, s21, s16, $0xb8;
	[tilespmem:$0x1E080] =	vst v63  }
0x32: {  	_ =	swait.ge [sflag:s11], $0x2800  }
0x33: {  	s21 =	smov.u32 s23;
	[sflag:s11] =	ssyncset.done $0x0  }
0x34: {  	s20 =	sshra.s32 s20, $0x2;
	[sflag:s11] =	ssyncadd.s32 $0xFFFFD800  }
0x35: {  	[tilespmem:s17], [sflag:$0x1] =	stream.indirect.gather [hbm4b:s1+s16], $0x80, s20, s16, $0xb8;
	[tilespmem:$0x1E080] =	vst v63  }
0x36: {  	_ =	swait.ge [sflag:s18], $0x2800  }
0x37: {  	[sflag:s18] =	ssyncset.done $0x0  }
0x38: {  	s20 =	sadd.s32 $0x4000, s20;
	[sflag:s18] =	ssyncadd.s32 $0xFFFFD800  }
0x39: {  	[spmem:s2] =	stream.indirect.scatter.add.f32 [tilespmem:s17], [sflag:$0x2], $0x80, s20, s16, $0xb8;
	[tilespmem:$0x1E080] =	vst v63  }
0x3a: {  	_ =	swait.ge [sflag:s11], $0x2800  }
0x3b: {  	[sflag:s11] =	ssyncset.done $0x0  }
0x3c: {  	[sflag:s11] =	ssyncadd.s32 $0xFFFFD800  }
0x3d: {  	[bflag:$0x0] =	sbarrier.arrive $0xFFFF  }
0x3e: {  	[hbm:s8], [sflag:s13] =	dma.local [spmem:s14], $0x2700  }
0x3f: {  	s19 =	sadd.s32 $0x1, s19;
	_ =	swait.ge [sflag:s11], $0x2700  }
0x40: {  	p1 =	sne.s32 s19, s10;
	[sflag:s11] =	ssyncset.done $0x0  }
.Ltmp1:
0x41: {  	s20 =	simm.s32 @!p0 $0x2;
	[sflag:s11] =	ssyncadd.s32 $0xFFFFD900;
	(pc) =	sbr.rel @p1 .LBB2_1-.Ltmp1, $4  }
0x42: {  	[hbm:s9], [sflag:s13] =	dma.local @!p0 [spmem:s15], $0x100  }
0x43: {  	_ =	swait.ge @!p0 [sflag:s20], $0x100  }
0x44: {  	[sflag:s20] =	ssyncset.done @!p0 $0x0  }
0x45: {  	[sflag:s20] =	ssyncadd.s32 @!p0 $0xFFFFFF00  }
0x46: {  	_ =	sfence.sel $0x180000  }
0x47: {  	[bflag:$0x0] =	sbarrier.arrive $0xFFFF  }
0x48: {  	_ =	strace $0x9000004D  }
0x49: {  	s0 =	sadd.s32 @!p0 $0x100000, s0;
	[bflag:$0x2] =	sbarrier.arrive $0xFFFF  }
0x4a: {  	[sflag:s0] =	ssyncadd.tile.s32 @!p0 $0x1;
	_ =	shalt  }
.Lfunc_end2:
_tile_overlayer_lowered:
.L_overlay_start_2:
0x4b: {  	(tag) =	ssettag $0x2  }
0x4c: {  	s0 =	rddreg [dreg:$0x0];
	s2 =	stileid.u32  }
0x4d: {  	s1 =	rddreg [dreg:$0x1];
	p0 =	sne.s32 s2, $0x0  }
0x4e: {  	s3 =	rddreg [dreg:$0x2];
	[bflag:$0x3] =	sbarrier.arrive $0xFFFF;
	s2 =	simm.s32 @!p0 $0x1C02  }
0x4f: {  	[timem:s3], [sflag:s2] =	dma.local @!p0 [hbm:s0], s1  }
0x50: {  	s0 =	simm.s32 @!p0 $0x2  }
0x51: {  	_ =	swait.ge @!p0 [sflag:s0], s1  }
0x52: {  	s1 =	ssub.s32 @!p0 $0x0, s1;
	[sflag:s0] =	ssyncset.done @!p0 $0x0  }
0x53: {  	[sflag:s0] =	ssyncadd.s32 @!p0 s1  }
0x54: {  	[bflag:$0x3] =	sbarrier.arrive $0xFFFF  }
0x55: {  	_ =	shalt  }

// kernel: kernel.21.cloned.1.call-start
scs
__scs_entry_jumppad:
0x0: {  	(pc) =	sbr.rel $0x88, $3  }
0x1: {  	(tag) =	ssettag $0x0;
	lr =	simm.s32 $0x1  }
0x2: {  	[smem:$0x3F96] =	sst lr;
	_ =	strace $0xD0000000  }
0x3: {  	_ = 	snop  }
0x4: {  	_ = 	snop  }
0x5: {  	_ = 	snop  }
0x6: {  	_ = 	snop  }
0x7: {  	_ = 	snop  }
__scs_overlays_trampoline_lowered:
0x8: {  	[smem:$0x3FA5] =	sst s0  }
0x9: {  	[smem:$0x3FA6] =	sst s1  }
0xa: {  	[smem:$0x3FA7] =	sst s2  }
0xb: {  	[smem:$0x3FA8] =	sst s3  }
0xc: {  	[smem:$0x3FA9] =	sst s4  }
0xd: {  	[smem:$0x3FAA] =	sst s5  }
0xe: {  	[smem:$0x3FAB] =	sst s6  }
0xf: {  	[smem:$0x3FAC] =	sst s7  }
0x10: {  	[smem:$0x3FAD] =	sst s8  }
0x11: {  	[smem:$0x3FAE] =	sst s9;
	s0 =	simm.s32 @!p0 $0x0  }
0x12: {  	s1 =	sld [smem:$0x3F94];
	s0 =	simm.s32 @p0 $0x1  }
0x13: {  	[smem:$0x3FAF] =	sst s0;
	s0 =	simm.s32 @!p1 $0x0  }
0x14: {  	s2 =	sld [smem:$0x3F93];
	s0 =	simm.s32 @p1 $0x1  }
0x15: {  	[smem:$0x3FB0] =	sst s0;
	s0 =	simm.s32 @!p2 $0x0  }
0x16: {  	s3 =	sld [smem:$0x3FDB];
	s0 =	simm.s32 @p2 $0x1  }
0x17: {  	s4 =	simm.s32 $0x1BF5;
	[smem:$0x3FB2] =	sst s0  }
0x18: {  	s0 =	sld [smem:$0x3F95];
	_ =	swait.ge [sflag:s4], $0x0  }
0x19: {  	s7 =	sld [smem:$0x3F96]  }
0x1a: {  	s8 =	sadd.s32 $0xFFFFE003, lr  }
0x1b: {  	s9 =	sadd.s32 $0xFFFFFEF7, lr;
	s5 =	simm.s32 $0xFFFFFFFF;
	p2 =	slt.u32 s8, $0xFFFFF086  }
0x1c: {  	p1 =	slt.u32 s9, $0xF7A;
	s5 =	simm.s32 @!p2 $0x0  }
0x1d: {  	s5 =	simm.s32 @p1 $0x1;
	p0 =	seq.s32 s7, s2  }
0x1e: {  	s7 =	smul.u32 @!p0 $0xF7A, s2;
	p2 =	seq.s32 @!p0 s5, $0x0  }
0x1f: {  	s9 =	smul.u32 $0xF7A, s1;
	s8 =	simm.s32 @!p0 $0x1BF5;
	p2 =	por !p2, p0  }
0x20: {  	[sflag:s8] =	ssyncset.s32 @!p0 $0xFFFFF086;
	s6 =	sadd.s32 @!p0 s3, s7;
	s7 =	simm.s32 @!p0 $0x108  }
0x21: {  	s3 =	sadd.s32 s3, s9;
	s6 =	sadd.s32 @!p0 $0x88, s6;
	s7 =	simm.s32 @p2 $0x1082  }
0x22: {  	[simem:s7], [sflag:s8] =	dma.local @!p0 [hbm:s6], $0xF7A  }
0x23: {  	s9 =	sor.u32 $0xD0000000, s2;
	s6 =	simm.s32 $0x108;
	_ =	swait.ge @!p0 [sflag:s8], $0x0  }
0x24: {  	s3 =	sadd.s32 $0x88, s3;
	s6 =	simm.s32 @!p1 $0x1082;
	[sflag:s4] =	ssyncset.s32 $0xFFFFF086  }
0x25: {  	[simem:s6], [sflag:s4] =	dma.local [hbm:s3], $0xF7A  }
0x26: {  	[smem:$0x3F96] =	sst s1;
	(tag) =	ssettag s2;
	_ =	strace s9  }
0x27: {  	s1 =	sld [smem:$0x3FA6]  }
0x28: {  	s2 =	sld [smem:$0x3FA7]  }
0x29: {  	s4 =	sld [smem:$0x3FA9]  }
0x2a: {  	p0 =	seq.s32 s5, $0x0;
	s5 =	sld [smem:$0x3FAA]  }
0x2b: {  	s6 =	sld [smem:$0x3FAB]  }
0x2c: {  	s7 =	sld [smem:$0x3FAC]  }
0x2d: {  	s3 =	simm.s32 $0x108;
	s8 =	sld [smem:$0x3FAD]  }
0x2e: {  	s3 =	simm.s32 @!p0 $0x1082;
	s9 =	sld [smem:$0x3FAE]  }
0x2f: {  	lr =	sadd.s32 s0, s3;
	s0 =	sld [smem:$0x3FA5]  }
0x30: {  	s3 =	sld [smem:$0x3FA8]  }
0x31: {  	[smem:$0x3FB1] =	sst s10  }
0x32: {  	s10 =	sld [smem:$0x3FAF];
	_ =	sdelay $0x3  }
0x33: {  	p0 =	seq.s32 s10, $0x1;
	s10 =	sld [smem:$0x3FB1];
	_ =	sdelay $0x3  }
0x34: {  	[smem:$0x3FB1] =	sst s10  }
0x35: {  	s10 =	sld [smem:$0x3FB0];
	_ =	sdelay $0x3  }
0x36: {  	p1 =	seq.s32 s10, $0x1;
	s10 =	sld [smem:$0x3FB1];
	_ =	sdelay $0x3  }
0x37: {  	[smem:$0x3FB1] =	sst s10  }
0x38: {  	s10 =	sld [smem:$0x3FB2]  }
0x39: {  	_ = 	snop;
	(pc) =	sbr.ind lr, $3  }
0x3a: {  	_ = 	snop  }
0x3b: {  	_ = 	snop  }
0x3c: {  	p2 =	seq.s32 s10, $0x1;
	s10 =	sld [smem:$0x3FB1]  }
0x3d: {  	_ =	shalt  }
0x3e: {  	_ =	shalt  }
0x3f: {  	_ =	shalt  }
0x40: {  	_ =	shalt  }
0x41: {  	_ =	shalt  }
0x42: {  	_ =	shalt  }
0x43: {  	_ =	shalt  }
0x44: {  	_ =	shalt  }
0x45: {  	_ =	shalt  }
0x46: {  	_ =	shalt  }
0x47: {  	_ =	shalt  }
0x48: {  	_ =	shalt  }
0x49: {  	_ =	shalt  }
0x4a: {  	_ =	shalt  }
0x4b: {  	_ =	shalt  }
0x4c: {  	_ =	shalt  }
0x4d: {  	_ =	shalt  }
0x4e: {  	_ =	shalt  }
0x4f: {  	_ =	shalt  }
0x50: {  	_ =	shalt  }
0x51: {  	_ =	shalt  }
0x52: {  	_ =	shalt  }
0x53: {  	_ =	shalt  }
0x54: {  	_ =	shalt  }
0x55: {  	_ =	shalt  }
0x56: {  	_ =	shalt  }
0x57: {  	_ =	shalt  }
0x58: {  	_ =	shalt  }
0x59: {  	_ =	shalt  }
0x5a: {  	_ =	shalt  }
0x5b: {  	_ =	shalt  }
0x5c: {  	_ =	shalt  }
0x5d: {  	_ =	shalt  }
0x5e: {  	_ =	shalt  }
0x5f: {  	_ =	shalt  }
0x60: {  	_ =	shalt  }
0x61: {  	_ =	shalt  }
0x62: {  	_ =	shalt  }
0x63: {  	_ =	shalt  }
0x64: {  	_ =	shalt  }
0x65: {  	_ =	shalt  }
0x66: {  	_ =	shalt  }
0x67: {  	_ =	shalt  }
0x68: {  	_ =	shalt  }
0x69: {  	_ =	shalt  }
0x6a: {  	_ =	shalt  }
0x6b: {  	_ =	shalt  }
0x6c: {  	_ =	shalt  }
0x6d: {  	_ =	shalt  }
0x6e: {  	_ =	shalt  }
0x6f: {  	_ =	shalt  }
0x70: {  	_ =	shalt  }
0x71: {  	_ =	shalt  }
0x72: {  	_ =	shalt  }
0x73: {  	_ =	shalt  }
0x74: {  	_ =	shalt  }
0x75: {  	_ =	shalt  }
0x76: {  	_ =	shalt  }
0x77: {  	_ =	shalt  }
0x78: {  	_ =	shalt  }
0x79: {  	_ =	shalt  }
0x7a: {  	_ =	shalt  }
0x7b: {  	_ =	shalt  }
0x7c: {  	_ =	shalt  }
0x7d: {  	_ =	shalt  }
0x7e: {  	_ =	shalt  }
0x7f: {  	_ =	shalt  }
0x80: {  	_ =	shalt  }
0x81: {  	_ =	shalt  }
0x82: {  	_ =	shalt  }
0x83: {  	_ =	shalt  }
0x84: {  	_ =	shalt  }
0x85: {  	_ =	shalt  }
0x86: {  	_ =	shalt  }
0x87: {  	_ =	shalt  }
.Lfunc_end0:
.L_simem_size_0:
called_computation.3_lowered:
.L_overlay_start_0:
0x88: {  	s2 =	sld [smem:$0x3FD9]  }
0x89: {  	s3 =	sld [smem:$0x3FFE];
	_ =	sdelay $0x1  }
0x8a: {  	s1 =	srdreg.scid  }
0x8b: {  	s0 =	sand.u32 $0x1, s1  }
0x8c: {  	s17 =	sshll.u32 s0, $0xA;
	s2 =	sadd.s32 s3, s2  }
0x8d: {  	s2 =	sadd.s32 s2, s17  }
0x8e: {  	[smem:$0x3FBD] =	sst s2  }
0x8f: {  	_ = 	snop  }
0x90: {  	s2 =	sld [smem:$0x3FD0];
	(tm) =	ssettm $0x1  }
0x91: {  	s18 =	sld [smem:$0x3FFB];
	_ =	sdelay $0x3  }
0x92: {  	_ =	strace s18  }
0x93: {  	s3 =	sld [smem:$0x3FFC];
	_ =	sdelay $0x3  }
0x94: {  	_ =	strace s3  }
0x95: {  	s3 =	sld [smem:$0x3FFD];
	_ =	sdelay $0x3  }
0x96: {  	_ =	strace s3  }
0x97: {  	_ =	strace $0x8FFFFFFF  }
0x98: {  	s19 =	sld [smem:$0x3FDB];
	_ =	sdelay $0x1  }
0x99: {  	s4 =	simm.s32 $_scs_section_size  }
0x9a: {  	s5 =	simm.s32 $_size__tile_overlayer_lowered;
	s6 =	simm.s32 $_tile_overlayer_lowered  }
0x9b: {  	s22 =	simm.s32 $0x1BFF;
	s21 =	sshll.u32 s6, $0x1;
	s3 =	sadd.s32 s4, s19  }
0x9c: {  	s7 =	simm.s32 $0x0;
	s20 =	sshll.u32 s5, $0x1;
	s5 =	sadd.s32 s21, s3  }
0x9d: {  	[timem:s7], [sflag:s22] =	dma.local [hbm:s5], s20  }
0x9e: {  	_ =	swait.ge [sflag:s22], s20  }
0x9f: {  	s4 =	ssub.s32 $0x0, s20;
	[sflag:s22] =	ssyncset.done $0x0  }
0xa0: {  	[sflag:s22] =	ssyncadd.s32 s4;
	_ =	sdelay $0x1  }
0xa1: {  	s23 =	simm.s32 $0x1B8B  }
0xa2: {  	_ =	swait.ge [sflag:s23], $0x1  }
0xa3: {  	[sflag:s23] =	ssyncset.done $0x0  }
0xa4: {  	s25 =	simm.s32 $0x1B8E;
	s24 =	sld [smem:$0x3FFE];
	[sflag:s23] =	ssyncadd.s32 $0xFFFFFFFF  }
0xa5: {  	s26 =	simm.s32 $execute0_lowered;
	[smem:$0x3FD2] =	sst s25  }
0xa6: {  	s5 =	sshll.u32 s26, $0x1;
	_ =	strace $0x8000004F;
	[dreg:$0x1] =	wrdreg $0xFFFFFFFF  }
0xa7: {  	s28 =	simm.s32 $_size_execute0_lowered;
	s3 =	sadd.s32 s3, s5;
	[dreg:$0x0] =	wrdreg $0x0  }
0xa8: {  	s5 =	sshll.u32 s28, $0x1;
	[dreg:$0x2] =	wrdreg s3  }
0xa9: {  	[dreg:$0x3] =	wrdreg s5  }
0xaa: {  	[dreg:$0x4] =	wrdreg $0xC0  }
0xab: {  	_ =	task [dreg:s7], $0x5FFFF  }
0xac: {  	[dreg:$0x1] =	wrdreg $0xFFFFFFFF  }
0xad: {  	[dreg:$0x0] =	wrdreg $0x60  }
0xae: {  	[dreg:$0x2] =	wrdreg s2  }
0xaf: {  	[dreg:$0x3] =	wrdreg s24  }
0xb0: {  	[dreg:$0x4] =	wrdreg $0xA8000  }
0xb1: {  	[dreg:$0x5] =	wrdreg $0x9  }
0xb2: {  	_ =	task.clear_ibuf [dreg:s7], $0x6FFFF;
	_ =	strace $0x9000004F  }
0xb3: {  	s29 =	simm.s32 $0x9;
	_ =	strace $0x80000051  }
0xb4: {  	_ =	swait.ge [sflag:s29], $0x1  }
0xb5: {  	[sflag:s29] =	ssyncadd.s32 $0xFFFFFFFF  }
0xb6: {  	_ =	strace $0x90000051  }
0xb7: {  	_ =	sfence  }
0xb8: {  	s30 =	sld [smem:$0x0];
	_ =	sdelay $0x2  }
0xb9: {  	s31 =	sshll.u32 s1, $0xD;
	s1 =	sshrl.u32 s1, $0x2  }
0xba: {  	s3 =	sand.u32 $0x4000, s31;
	s1 =	sadd.s32 s1, s30  }
0xbb: {  	s0 =	sor.u32 s3, s0;
	s1 =	sshll.u32 s1, $0x11  }
0xbc: {  	s0 =	sor.u32 s1, s0  }
0xbd: {  	s0 =	sadd.s32 $0x8F2B, s0  }
0xbe: {  	[sflag:s0] =	ssyncadd.remote.s32 $0x1  }
0xbf: {  	_ =	sfence.sel $0xFFFF  }
0xc0: {  	[dreg:$0x0] =	wrdreg $0xFFFFFFFF;
	(pc) =	sbr.abs _section_cstart, $3  }
0xc1: {  	[dreg:$0x1] =	wrdreg $0xFFFFFFFF  }
0xc2: {  	_ =	task.clear_ibuf [dreg:s7], $0x2FFFF;
	_ =	strace $0x9FFFFFFF  }
0xc3: {  	(tm) =	ssettm $0x7FFFFFFF  }
tec
execute0_lowered:
.L_overlay_start_1:
0x0: {  	(tag) =	ssettag $0x1  }
0x1: {  	s1 =	rddreg [dreg:$0x0]  }
0x2: {  	s7 =	rddreg [dreg:$0x1]  }
0x3: {  	s2 =	rddreg [dreg:$0x2];
	s3 =	srdreg.scid  }
0x4: {  	s0 =	rddreg [dreg:$0x3];
	s11 =	stileid.u32  }
0x5: {  	s16 =	simm.s32 $0x50;
	s17 =	simm.s32 $0x8000;
	s18 =	simm.s32 $0x1  }
0x6: {  	s19 =	simm.s32 $0x0;
	s4 =	sand.u32 $0x1, s3;
	s8 =	smul.u32 $0x13800, s11  }
0x7: {  	s3 =	simm.s32 $0x0;
	s6 =	sshll.u32 s11, $0xB;
	s10 =	smul.u32 $0x4E000, s11  }
0x8: {  	s12 =	sadd.s32 $0x4AE00, s7;
	s15 =	sadd.s32 $0x138000, s2;
	p0 =	sne.s32 s11, $0x0  }
0x9: {  	s31 =	sshll.u32 s11, $0x6;
	s11 =	simm.s32 $0x2;
	s5 =	sshll.u32 s4, $0xF  }
0xa: {  	[smem:$0x7FF] =	sst s3;
	s9 =	ssub.s32 $0x2, s4;
	s29 =	smul.u32 $0x138800, s4  }
0xb: {  	s15 =	sshrl.u32 @!p0 s15, $0x3;
	s5 =	sor.u32 s6, s5;
	_ =	strace $0x80000050  }
0xc: {  	s26 =	sshrl.u32 s8, $0x3;
	s13 =	sshrl.u32 s9, $0x1;
	s28 =	sshrl.u32 s10, $0x2  }
0xd: {  	s5 =	sadd.s32 s5, s7;
	s6 =	sadd.s32 s26, s7;
	s13 =	ssub.s32 s9, s13  }
0xe: {  	s14 =	sadd.s32 s28, s2;
	s8 =	sadd.s32 s8, s29;
	s30 =	sshrl.u32 s29, $0x3  }
0xf: {  	s7 =	sadd.s32 $0x4AC00, s7;
	s4 =	sadd.s32 $0x13C00, s5;
	s5 =	sadd.s32 $0x3C00, s5  }
0x10: {  	s6 =	sadd.s32 $0x23C00, s6;
	s8 =	sshrl.u32 s8, $0x3;
	s9 =	sadd.s32 s12, s30  }
0x11: {  	s10 =	smax.u32 s13, $0x1;
	s13 =	sor.u32 $0x1C02, s31;
	s14 =	sshrl.u32 s14, $0x3  }
0x12: {  	s8 =	sadd.s32 s12, s8;
	s9 =	sadd.s32 $0x27000, s9;
	s12 =	simm.s32 $0x4000  }
.LBB2_1:
0x13: {  	[tilespmem:s3], [sflag:$0x2] =	stream.linear.gather [hbm4b:s4+s3], $0x3E80, $0x38;
	[tilespmem:$0x1E080] =	vst v63  }
0x14: {  	_ =	swait.ge [sflag:s11], $0x3E80  }
0x15: {  	[sflag:s11] =	ssyncset.done $0x0  }
0x16: {  	[sflag:s11] =	ssyncadd.s32 $0xFFFFC180  }
0x17: {  	[tilespmem:s12], [sflag:$0x2] =	stream.linear.gather [hbm4b:s5+s3], $0x3E80, $0x38;
	[tilespmem:$0x1E080] =	vst v63  }
0x18: {  	_ =	swait.ge [sflag:s11], $0x3E80  }
0x19: {  	[sflag:s11] =	ssyncset.done $0x0  }
0x1a: {  	[sflag:s11] =	ssyncadd.s32 $0xFFFFC180  }
0x1b: {  	[spmem:s14], [sflag:s13] =	dma.local [hbm:s6], $0x2700  }
0x1c: {  	_ =	swait.ge [sflag:s11], $0x2700  }
0x1d: {  	[sflag:s11] =	ssyncset.done $0x0  }
0x1e: {  	s20 =	simm.s32 @!p0 $0x2;
	[sflag:s11] =	ssyncadd.s32 $0xFFFFD900  }
0x1f: {  	[spmem:s15], [sflag:s13] =	dma.local @!p0 [hbm:s7], $0x100  }
0x20: {  	_ =	swait.ge @!p0 [sflag:s20], $0x100  }
0x21: {  	[sflag:s20] =	ssyncset.done @!p0 $0x0  }
0x22: {  	[sflag:s20] =	ssyncadd.s32 @!p0 $0xFFFFFF00  }
0x23: {  	s30 =	simm.s32 $0x0;
	[bflag:$0x0] =	sbarrier.arrive $0xFFFF  }
0x24: {  	[tilespmem:s17], [sflag:$0x1] =	stream.indirect.gather [hbm4b:s1+s16], $0x80, s30, s16, $0xb8;
	[tilespmem:$0x1E080] =	vst v63  }
0x25: {  	_ =	swait.ge [sflag:s18], $0x2800  }
0x26: {  	[sflag:s18] =	ssyncset.done $0x0  }
0x27: {  	s31 =	simm.s32 $0x4000;
	[sflag:s18] =	ssyncadd.s32 $0xFFFFD800  }
0x28: {  	[spmem:s2] =	stream.indirect.scatter.add.f32 [tilespmem:s17], [sflag:$0x2], $0x80, s31, s16, $0xb8;
	[tilespmem:$0x1E080] =	vst v63  }
0x29: {  	_ =	swait.ge [sflag:s11], $0x2800  }
0x2a: {  	s21 =	simm.s32 $0x400;
	s20 =	simm.s32 $0x200;
	[sflag:s11] =	ssyncset.done $0x0  }
.LBB2_2:
0x2b: {  	s22 =	sshra.s32 s20, $0x2  }
0x2c: {  	[sflag:s11] =	ssyncadd.s32 $0xFFFFD800;
	s20 =	smov.u32 s21;
	s23 =	sadd.s32 $0x200, s21  }
0x2d: {  	[tilespmem:s17], [sflag:$0x1] =	stream.indirect.gather [hbm4b:s1+s16], $0x80, s22, s16, $0xb8;
	[tilespmem:$0x1E080] =	vst v63  }
0x2e: {  	p1 =	sne.s32 s21, $0xF800;
	_ =	swait.ge [sflag:s18], $0x2800  }
.Ltmp0:
0x2f: {  	[sflag:s18] =	ssyncset.done $0x0;
	(pc) =	sbr.rel @p1 .LBB2_2-.Ltmp0, $4  }
0x30: {  	s21 =	sadd.s32 $0x4000, s22;
	[sflag:s18] =	ssyncadd.s32 $0xFFFFD800  }
0x31: {  	[spmem:s2] =	stream.indirect.scatter.add.f32 [tilespmem:s17], [sflag:$0x2], $0x80, s21, s16, $0xb8;
	[tilespmem:$0x1E080] =	vst v63  }
0x32: {  	_ =	swait.ge [sflag:s11], $0x2800  }
0x33: {  	s21 =	smov.u32 s23;
	[sflag:s11] =	ssyncset.done $0x0  }
0x34: {  	s20 =	sshra.s32 s20, $0x2;
	[sflag:s11] =	ssyncadd.s32 $0xFFFFD800  }
0x35: {  	[tilespmem:s17], [sflag:$0x1] =	stream.indirect.gather [hbm4b:s1+s16], $0x80, s20, s16, $0xb8;
	[tilespmem:$0x1E080] =	vst v63  }
0x36: {  	_ =	swait.ge [sflag:s18], $0x2800  }
0x37: {  	[sflag:s18] =	ssyncset.done $0x0  }
0x38: {  	s20 =	sadd.s32 $0x4000, s20;
	[sflag:s18] =	ssyncadd.s32 $0xFFFFD800  }
0x39: {  	[spmem:s2] =	stream.indirect.scatter.add.f32 [tilespmem:s17], [sflag:$0x2], $0x80, s20, s16, $0xb8;
	[tilespmem:$0x1E080] =	vst v63  }
0x3a: {  	_ =	swait.ge [sflag:s11], $0x2800  }
0x3b: {  	[sflag:s11] =	ssyncset.done $0x0  }
0x3c: {  	[sflag:s11] =	ssyncadd.s32 $0xFFFFD800  }
0x3d: {  	[bflag:$0x0] =	sbarrier.arrive $0xFFFF  }
0x3e: {  	[hbm:s8], [sflag:s13] =	dma.local [spmem:s14], $0x2700  }
0x3f: {  	s19 =	sadd.s32 $0x1, s19;
	_ =	swait.ge [sflag:s11], $0x2700  }
0x40: {  	p1 =	sne.s32 s19, s10;
	[sflag:s11] =	ssyncset.done $0x0  }
.Ltmp1:
0x41: {  	s20 =	simm.s32 @!p0 $0x2;
	[sflag:s11] =	ssyncadd.s32 $0xFFFFD900;
	(pc) =	sbr.rel @p1 .LBB2_1-.Ltmp1, $4  }
0x42: {  	[hbm:s9], [sflag:s13] =	dma.local @!p0 [spmem:s15], $0x100  }
0x43: {  	_ =	swait.ge @!p0 [sflag:s20], $0x100  }
0x44: {  	[sflag:s20] =	ssyncset.done @!p0 $0x0  }
0x45: {  	[sflag:s20] =	ssyncadd.s32 @!p0 $0xFFFFFF00  }
0x46: {  	_ =	sfence.sel $0x180000  }
0x47: {  	[bflag:$0x0] =	sbarrier.arrive $0xFFFF  }
0x48: {  	_ =	strace $0x90000050  }
0x49: {  	s0 =	sadd.s32 @!p0 $0x100000, s0;
	[bflag:$0x2] =	sbarrier.arrive $0xFFFF  }
0x4a: {  	[sflag:s0] =	ssyncadd.tile.s32 @!p0 $0x1;
	_ =	shalt  }
.Lfunc_end2:
_tile_overlayer_lowered:
.L_overlay_start_2:
0x4b: {  	(tag) =	ssettag $0x2  }
0x4c: {  	s0 =	rddreg [dreg:$0x0];
	s2 =	stileid.u32  }
0x4d: {  	s1 =	rddreg [dreg:$0x1];
	p0 =	sne.s32 s2, $0x0  }
0x4e: {  	s3 =	rddreg [dreg:$0x2];
	[bflag:$0x3] =	sbarrier.arrive $0xFFFF;
	s2 =	simm.s32 @!p0 $0x1C02  }
0x4f: {  	[timem:s3], [sflag:s2] =	dma.local @!p0 [hbm:s0], s1  }
0x50: {  	s0 =	simm.s32 @!p0 $0x2  }
0x51: {  	_ =	swait.ge @!p0 [sflag:s0], s1  }
0x52: {  	s1 =	ssub.s32 @!p0 $0x0, s1;
	[sflag:s0] =	ssyncset.done @!p0 $0x0  }
0x53: {  	[sflag:s0] =	ssyncadd.s32 @!p0 s1  }
0x54: {  	[bflag:$0x3] =	sbarrier.arrive $0xFFFF  }
0x55: {  	_ =	shalt  }

// kernel: kernel.24.cloned.1.call-start
scs
__scs_entry_jumppad:
0x0: {  	(pc) =	sbr.rel $0x88, $3  }
0x1: {  	(tag) =	ssettag $0x0;
	lr =	simm.s32 $0x1  }
0x2: {  	[smem:$0x3F96] =	sst lr;
	_ =	strace $0xD0000000  }
0x3: {  	_ = 	snop  }
0x4: {  	_ = 	snop  }
0x5: {  	_ = 	snop  }
0x6: {  	_ = 	snop  }
0x7: {  	_ = 	snop  }
__scs_overlays_trampoline_lowered:
0x8: {  	[smem:$0x3FA5] =	sst s0  }
0x9: {  	[smem:$0x3FA6] =	sst s1  }
0xa: {  	[smem:$0x3FA7] =	sst s2  }
0xb: {  	[smem:$0x3FA8] =	sst s3  }
0xc: {  	[smem:$0x3FA9] =	sst s4  }
0xd: {  	[smem:$0x3FAA] =	sst s5  }
0xe: {  	[smem:$0x3FAB] =	sst s6  }
0xf: {  	[smem:$0x3FAC] =	sst s7  }
0x10: {  	[smem:$0x3FAD] =	sst s8  }
0x11: {  	[smem:$0x3FAE] =	sst s9;
	s0 =	simm.s32 @!p0 $0x0  }
0x12: {  	s1 =	sld [smem:$0x3F94];
	s0 =	simm.s32 @p0 $0x1  }
0x13: {  	[smem:$0x3FAF] =	sst s0;
	s0 =	simm.s32 @!p1 $0x0  }
0x14: {  	s2 =	sld [smem:$0x3F93];
	s0 =	simm.s32 @p1 $0x1  }
0x15: {  	[smem:$0x3FB0] =	sst s0;
	s0 =	simm.s32 @!p2 $0x0  }
0x16: {  	s3 =	sld [smem:$0x3FDB];
	s0 =	simm.s32 @p2 $0x1  }
0x17: {  	s4 =	simm.s32 $0x1BF5;
	[smem:$0x3FB2] =	sst s0  }
0x18: {  	s0 =	sld [smem:$0x3F95];
	_ =	swait.ge [sflag:s4], $0x0  }
0x19: {  	s7 =	sld [smem:$0x3F96]  }
0x1a: {  	s8 =	sadd.s32 $0xFFFFE003, lr  }
0x1b: {  	s9 =	sadd.s32 $0xFFFFFEF7, lr;
	s5 =	simm.s32 $0xFFFFFFFF;
	p2 =	slt.u32 s8, $0xFFFFF086  }
0x1c: {  	p1 =	slt.u32 s9, $0xF7A;
	s5 =	simm.s32 @!p2 $0x0  }
0x1d: {  	s5 =	simm.s32 @p1 $0x1;
	p0 =	seq.s32 s7, s2  }
0x1e: {  	s7 =	smul.u32 @!p0 $0xF7A, s2;
	p2 =	seq.s32 @!p0 s5, $0x0  }
0x1f: {  	s9 =	smul.u32 $0xF7A, s1;
	s8 =	simm.s32 @!p0 $0x1BF5;
	p2 =	por !p2, p0  }
0x20: {  	[sflag:s8] =	ssyncset.s32 @!p0 $0xFFFFF086;
	s6 =	sadd.s32 @!p0 s3, s7;
	s7 =	simm.s32 @!p0 $0x108  }
0x21: {  	s3 =	sadd.s32 s3, s9;
	s6 =	sadd.s32 @!p0 $0x88, s6;
	s7 =	simm.s32 @p2 $0x1082  }
0x22: {  	[simem:s7], [sflag:s8] =	dma.local @!p0 [hbm:s6], $0xF7A  }
0x23: {  	s9 =	sor.u32 $0xD0000000, s2;
	s6 =	simm.s32 $0x108;
	_ =	swait.ge @!p0 [sflag:s8], $0x0  }
0x24: {  	s3 =	sadd.s32 $0x88, s3;
	s6 =	simm.s32 @!p1 $0x1082;
	[sflag:s4] =	ssyncset.s32 $0xFFFFF086  }
0x25: {  	[simem:s6], [sflag:s4] =	dma.local [hbm:s3], $0xF7A  }
0x26: {  	[smem:$0x3F96] =	sst s1;
	(tag) =	ssettag s2;
	_ =	strace s9  }
0x27: {  	s1 =	sld [smem:$0x3FA6]  }
0x28: {  	s2 =	sld [smem:$0x3FA7]  }
0x29: {  	s4 =	sld [smem:$0x3FA9]  }
0x2a: {  	p0 =	seq.s32 s5, $0x0;
	s5 =	sld [smem:$0x3FAA]  }
0x2b: {  	s6 =	sld [smem:$0x3FAB]  }
0x2c: {  	s7 =	sld [smem:$0x3FAC]  }
0x2d: {  	s3 =	simm.s32 $0x108;
	s8 =	sld [smem:$0x3FAD]  }
0x2e: {  	s3 =	simm.s32 @!p0 $0x1082;
	s9 =	sld [smem:$0x3FAE]  }
0x2f: {  	lr =	sadd.s32 s0, s3;
	s0 =	sld [smem:$0x3FA5]  }
0x30: {  	s3 =	sld [smem:$0x3FA8]  }
0x31: {  	[smem:$0x3FB1] =	sst s10  }
0x32: {  	s10 =	sld [smem:$0x3FAF];
	_ =	sdelay $0x3  }
0x33: {  	p0 =	seq.s32 s10, $0x1;
	s10 =	sld [smem:$0x3FB1];
	_ =	sdelay $0x3  }
0x34: {  	[smem:$0x3FB1] =	sst s10  }
0x35: {  	s10 =	sld [smem:$0x3FB0];
	_ =	sdelay $0x3  }
0x36: {  	p1 =	seq.s32 s10, $0x1;
	s10 =	sld [smem:$0x3FB1];
	_ =	sdelay $0x3  }
0x37: {  	[smem:$0x3FB1] =	sst s10  }
0x38: {  	s10 =	sld [smem:$0x3FB2]  }
0x39: {  	_ = 	snop;
	(pc) =	sbr.ind lr, $3  }
0x3a: {  	_ = 	snop  }
0x3b: {  	_ = 	snop  }
0x3c: {  	p2 =	seq.s32 s10, $0x1;
	s10 =	sld [smem:$0x3FB1]  }
0x3d: {  	_ =	shalt  }
0x3e: {  	_ =	shalt  }
0x3f: {  	_ =	shalt  }
0x40: {  	_ =	shalt  }
0x41: {  	_ =	shalt  }
0x42: {  	_ =	shalt  }
0x43: {  	_ =	shalt  }
0x44: {  	_ =	shalt  }
0x45: {  	_ =	shalt  }
0x46: {  	_ =	shalt  }
0x47: {  	_ =	shalt  }
0x48: {  	_ =	shalt  }
0x49: {  	_ =	shalt  }
0x4a: {  	_ =	shalt  }
0x4b: {  	_ =	shalt  }
0x4c: {  	_ =	shalt  }
0x4d: {  	_ =	shalt  }
0x4e: {  	_ =	shalt  }
0x4f: {  	_ =	shalt  }
0x50: {  	_ =	shalt  }
0x51: {  	_ =	shalt  }
0x52: {  	_ =	shalt  }
0x53: {  	_ =	shalt  }
0x54: {  	_ =	shalt  }
0x55: {  	_ =	shalt  }
0x56: {  	_ =	shalt  }
0x57: {  	_ =	shalt  }
0x58: {  	_ =	shalt  }
0x59: {  	_ =	shalt  }
0x5a: {  	_ =	shalt  }
0x5b: {  	_ =	shalt  }
0x5c: {  	_ =	shalt  }
0x5d: {  	_ =	shalt  }
0x5e: {  	_ =	shalt  }
0x5f: {  	_ =	shalt  }
0x60: {  	_ =	shalt  }
0x61: {  	_ =	shalt  }
0x62: {  	_ =	shalt  }
0x63: {  	_ =	shalt  }
0x64: {  	_ =	shalt  }
0x65: {  	_ =	shalt  }
0x66: {  	_ =	shalt  }
0x67: {  	_ =	shalt  }
0x68: {  	_ =	shalt  }
0x69: {  	_ =	shalt  }
0x6a: {  	_ =	shalt  }
0x6b: {  	_ =	shalt  }
0x6c: {  	_ =	shalt  }
0x6d: {  	_ =	shalt  }
0x6e: {  	_ =	shalt  }
0x6f: {  	_ =	shalt  }
0x70: {  	_ =	shalt  }
0x71: {  	_ =	shalt  }
0x72: {  	_ =	shalt  }
0x73: {  	_ =	shalt  }
0x74: {  	_ =	shalt  }
0x75: {  	_ =	shalt  }
0x76: {  	_ =	shalt  }
0x77: {  	_ =	shalt  }
0x78: {  	_ =	shalt  }
0x79: {  	_ =	shalt  }
0x7a: {  	_ =	shalt  }
0x7b: {  	_ =	shalt  }
0x7c: {  	_ =	shalt  }
0x7d: {  	_ =	shalt  }
0x7e: {  	_ =	shalt  }
0x7f: {  	_ =	shalt  }
0x80: {  	_ =	shalt  }
0x81: {  	_ =	shalt  }
0x82: {  	_ =	shalt  }
0x83: {  	_ =	shalt  }
0x84: {  	_ =	shalt  }
0x85: {  	_ =	shalt  }
0x86: {  	_ =	shalt  }
0x87: {  	_ =	shalt  }
.Lfunc_end0:
.L_simem_size_0:
called_computation.4_lowered:
.L_overlay_start_0:
0x88: {  	s2 =	sld [smem:$0x3FD9]  }
0x89: {  	s3 =	sld [smem:$0x3FFE];
	_ =	sdelay $0x1  }
0x8a: {  	s1 =	srdreg.scid  }
0x8b: {  	s0 =	sand.u32 $0x1, s1  }
0x8c: {  	s17 =	sshll.u32 s0, $0xA;
	s2 =	sadd.s32 s3, s2  }
0x8d: {  	s2 =	sadd.s32 s2, s17  }
0x8e: {  	[smem:$0x3FBD] =	sst s2  }
0x8f: {  	_ = 	snop  }
0x90: {  	s2 =	sld [smem:$0x3FD0];
	(tm) =	ssettm $0x1  }
0x91: {  	s18 =	sld [smem:$0x3FFB];
	_ =	sdelay $0x3  }
0x92: {  	_ =	strace s18  }
0x93: {  	s3 =	sld [smem:$0x3FFC];
	_ =	sdelay $0x3  }
0x94: {  	_ =	strace s3  }
0x95: {  	s3 =	sld [smem:$0x3FFD];
	_ =	sdelay $0x3  }
0x96: {  	_ =	strace s3  }
0x97: {  	_ =	strace $0x8FFFFFFF  }
0x98: {  	s19 =	sld [smem:$0x3FDB];
	_ =	sdelay $0x1  }
0x99: {  	s4 =	simm.s32 $_scs_section_size  }
0x9a: {  	s5 =	simm.s32 $_size__tile_overlayer_lowered;
	s6 =	simm.s32 $_tile_overlayer_lowered  }
0x9b: {  	s22 =	simm.s32 $0x1BFF;
	s21 =	sshll.u32 s6, $0x1;
	s3 =	sadd.s32 s4, s19  }
0x9c: {  	s7 =	simm.s32 $0x0;
	s20 =	sshll.u32 s5, $0x1;
	s5 =	sadd.s32 s21, s3  }
0x9d: {  	[timem:s7], [sflag:s22] =	dma.local [hbm:s5], s20  }
0x9e: {  	_ =	swait.ge [sflag:s22], s20  }
0x9f: {  	s4 =	ssub.s32 $0x0, s20;
	[sflag:s22] =	ssyncset.done $0x0  }
0xa0: {  	[sflag:s22] =	ssyncadd.s32 s4;
	_ =	sdelay $0x1  }
0xa1: {  	s23 =	simm.s32 $0x1B8B  }
0xa2: {  	_ =	swait.ge [sflag:s23], $0x1  }
0xa3: {  	[sflag:s23] =	ssyncset.done $0x0  }
0xa4: {  	s25 =	simm.s32 $0x1B8E;
	s24 =	sld [smem:$0x3FFE];
	[sflag:s23] =	ssyncadd.s32 $0xFFFFFFFF  }
0xa5: {  	s26 =	simm.s32 $execute0_lowered;
	[smem:$0x3FD2] =	sst s25  }
0xa6: {  	s5 =	sshll.u32 s26, $0x1;
	_ =	strace $0x80000052;
	[dreg:$0x1] =	wrdreg $0xFFFFFFFF  }
0xa7: {  	s28 =	simm.s32 $_size_execute0_lowered;
	s3 =	sadd.s32 s3, s5;
	[dreg:$0x0] =	wrdreg $0x0  }
0xa8: {  	s5 =	sshll.u32 s28, $0x1;
	[dreg:$0x2] =	wrdreg s3  }
0xa9: {  	[dreg:$0x3] =	wrdreg s5  }
0xaa: {  	[dreg:$0x4] =	wrdreg $0xC0  }
0xab: {  	_ =	task [dreg:s7], $0x5FFFF  }
0xac: {  	[dreg:$0x1] =	wrdreg $0xFFFFFFFF  }
0xad: {  	[dreg:$0x0] =	wrdreg $0x60  }
0xae: {  	[dreg:$0x2] =	wrdreg s2  }
0xaf: {  	[dreg:$0x3] =	wrdreg s24  }
0xb0: {  	[dreg:$0x4] =	wrdreg $0xA8000  }
0xb1: {  	[dreg:$0x5] =	wrdreg $0x9  }
0xb2: {  	_ =	task.clear_ibuf [dreg:s7], $0x6FFFF;
	_ =	strace $0x90000052  }
0xb3: {  	s29 =	simm.s32 $0x9;
	_ =	strace $0x80000054  }
0xb4: {  	_ =	swait.ge [sflag:s29], $0x1  }
0xb5: {  	[sflag:s29] =	ssyncadd.s32 $0xFFFFFFFF  }
0xb6: {  	_ =	strace $0x90000054  }
0xb7: {  	_ =	sfence  }
0xb8: {  	s30 =	sld [smem:$0x0];
	_ =	sdelay $0x2  }
0xb9: {  	s31 =	sshll.u32 s1, $0xD;
	s1 =	sshrl.u32 s1, $0x2  }
0xba: {  	s3 =	sand.u32 $0x4000, s31;
	s1 =	sadd.s32 s1, s30  }
0xbb: {  	s0 =	sor.u32 s3, s0;
	s1 =	sshll.u32 s1, $0x11  }
0xbc: {  	s0 =	sor.u32 s1, s0  }
0xbd: {  	s0 =	sadd.s32 $0x8F2B, s0  }
0xbe: {  	[sflag:s0] =	ssyncadd.remote.s32 $0x1  }
0xbf: {  	_ =	sfence.sel $0xFFFF  }
0xc0: {  	[dreg:$0x0] =	wrdreg $0xFFFFFFFF;
	(pc) =	sbr.abs _section_cstart, $3  }
0xc1: {  	[dreg:$0x1] =	wrdreg $0xFFFFFFFF  }
0xc2: {  	_ =	task.clear_ibuf [dreg:s7], $0x2FFFF;
	_ =	strace $0x9FFFFFFF  }
0xc3: {  	(tm) =	ssettm $0x7FFFFFFF  }
tec
execute0_lowered:
.L_overlay_start_1:
0x0: {  	(tag) =	ssettag $0x1  }
0x1: {  	s1 =	rddreg [dreg:$0x0]  }
0x2: {  	s7 =	rddreg [dreg:$0x1]  }
0x3: {  	s2 =	rddreg [dreg:$0x2];
	s3 =	srdreg.scid  }
0x4: {  	s0 =	rddreg [dreg:$0x3];
	s11 =	stileid.u32  }
0x5: {  	s16 =	simm.s32 $0x50;
	s17 =	simm.s32 $0x8000;
	s18 =	simm.s32 $0x1  }
0x6: {  	s19 =	simm.s32 $0x0;
	s4 =	sand.u32 $0x1, s3;
	s8 =	smul.u32 $0x13800, s11  }
0x7: {  	s3 =	simm.s32 $0x0;
	s6 =	sshll.u32 s11, $0xB;
	s10 =	smul.u32 $0x4E000, s11  }
0x8: {  	s12 =	sadd.s32 $0x4AE00, s7;
	s15 =	sadd.s32 $0x138000, s2;
	p0 =	sne.s32 s11, $0x0  }
0x9: {  	s31 =	sshll.u32 s11, $0x6;
	s11 =	simm.s32 $0x2;
	s5 =	sshll.u32 s4, $0xF  }
0xa: {  	[smem:$0x7FF] =	sst s3;
	s9 =	ssub.s32 $0x2, s4;
	s29 =	smul.u32 $0x138800, s4  }
0xb: {  	s15 =	sshrl.u32 @!p0 s15, $0x3;
	s5 =	sor.u32 s6, s5;
	_ =	strace $0x80000053  }
0xc: {  	s26 =	sshrl.u32 s8, $0x3;
	s13 =	sshrl.u32 s9, $0x1;
	s28 =	sshrl.u32 s10, $0x2  }
0xd: {  	s5 =	sadd.s32 s5, s7;
	s6 =	sadd.s32 s26, s7;
	s13 =	ssub.s32 s9, s13  }
0xe: {  	s14 =	sadd.s32 s28, s2;
	s8 =	sadd.s32 s8, s29;
	s30 =	sshrl.u32 s29, $0x3  }
0xf: {  	s7 =	sadd.s32 $0x4AC00, s7;
	s4 =	sadd.s32 $0x13C00, s5;
	s5 =	sadd.s32 $0x3C00, s5  }
0x10: {  	s6 =	sadd.s32 $0x23C00, s6;
	s8 =	sshrl.u32 s8, $0x3;
	s9 =	sadd.s32 s12, s30  }
0x11: {  	s10 =	smax.u32 s13, $0x1;
	s13 =	sor.u32 $0x1C02, s31;
	s14 =	sshrl.u32 s14, $0x3  }
0x12: {  	s8 =	sadd.s32 s12, s8;
	s9 =	sadd.s32 $0x27000, s9;
	s12 =	simm.s32 $0x4000  }
.LBB2_1:
0x13: {  	[tilespmem:s3], [sflag:$0x2] =	stream.linear.gather [hbm4b:s4+s3], $0x3E80, $0x38;
	[tilespmem:$0x1E080] =	vst v63  }
0x14: {  	_ =	swait.ge [sflag:s11], $0x3E80  }
0x15: {  	[sflag:s11] =	ssyncset.done $0x0  }
0x16: {  	[sflag:s11] =	ssyncadd.s32 $0xFFFFC180  }
0x17: {  	[tilespmem:s12], [sflag:$0x2] =	stream.linear.gather [hbm4b:s5+s3], $0x3E80, $0x38;
	[tilespmem:$0x1E080] =	vst v63  }
0x18: {  	_ =	swait.ge [sflag:s11], $0x3E80  }
0x19: {  	[sflag:s11] =	ssyncset.done $0x0  }
0x1a: {  	[sflag:s11] =	ssyncadd.s32 $0xFFFFC180  }
0x1b: {  	[spmem:s14], [sflag:s13] =	dma.local [hbm:s6], $0x2700  }
0x1c: {  	_ =	swait.ge [sflag:s11], $0x2700  }
0x1d: {  	[sflag:s11] =	ssyncset.done $0x0  }
0x1e: {  	s20 =	simm.s32 @!p0 $0x2;
	[sflag:s11] =	ssyncadd.s32 $0xFFFFD900  }
0x1f: {  	[spmem:s15], [sflag:s13] =	dma.local @!p0 [hbm:s7], $0x100  }
0x20: {  	_ =	swait.ge @!p0 [sflag:s20], $0x100  }
0x21: {  	[sflag:s20] =	ssyncset.done @!p0 $0x0  }
0x22: {  	[sflag:s20] =	ssyncadd.s32 @!p0 $0xFFFFFF00  }
0x23: {  	s30 =	simm.s32 $0x0;
	[bflag:$0x0] =	sbarrier.arrive $0xFFFF  }
0x24: {  	[tilespmem:s17], [sflag:$0x1] =	stream.indirect.gather [hbm4b:s1+s16], $0x80, s30, s16, $0xb8;
	[tilespmem:$0x1E080] =	vst v63  }
0x25: {  	_ =	swait.ge [sflag:s18], $0x2800  }
0x26: {  	[sflag:s18] =	ssyncset.done $0x0  }
0x27: {  	s31 =	simm.s32 $0x4000;
	[sflag:s18] =	ssyncadd.s32 $0xFFFFD800  }
0x28: {  	[spmem:s2] =	stream.indirect.scatter.add.f32 [tilespmem:s17], [sflag:$0x2], $0x80, s31, s16, $0xb8;
	[tilespmem:$0x1E080] =	vst v63  }
0x29: {  	_ =	swait.ge [sflag:s11], $0x2800  }
0x2a: {  	s21 =	simm.s32 $0x400;
	s20 =	simm.s32 $0x200;
	[sflag:s11] =	ssyncset.done $0x0  }
.LBB2_2:
0x2b: {  	s22 =	sshra.s32 s20, $0x2  }
0x2c: {  	[sflag:s11] =	ssyncadd.s32 $0xFFFFD800;
	s20 =	smov.u32 s21;
	s23 =	sadd.s32 $0x200, s21  }
0x2d: {  	[tilespmem:s17], [sflag:$0x1] =	stream.indirect.gather [hbm4b:s1+s16], $0x80, s22, s16, $0xb8;
	[tilespmem:$0x1E080] =	vst v63  }
0x2e: {  	p1 =	sne.s32 s21, $0xF800;
	_ =	swait.ge [sflag:s18], $0x2800  }
.Ltmp0:
0x2f: {  	[sflag:s18] =	ssyncset.done $0x0;
	(pc) =	sbr.rel @p1 .LBB2_2-.Ltmp0, $4  }
0x30: {  	s21 =	sadd.s32 $0x4000, s22;
	[sflag:s18] =	ssyncadd.s32 $0xFFFFD800  }
0x31: {  	[spmem:s2] =	stream.indirect.scatter.add.f32 [tilespmem:s17], [sflag:$0x2], $0x80, s21, s16, $0xb8;
	[tilespmem:$0x1E080] =	vst v63  }
0x32: {  	_ =	swait.ge [sflag:s11], $0x2800  }
0x33: {  	s21 =	smov.u32 s23;
	[sflag:s11] =	ssyncset.done $0x0  }
0x34: {  	s20 =	sshra.s32 s20, $0x2;
	[sflag:s11] =	ssyncadd.s32 $0xFFFFD800  }
0x35: {  	[tilespmem:s17], [sflag:$0x1] =	stream.indirect.gather [hbm4b:s1+s16], $0x80, s20, s16, $0xb8;
	[tilespmem:$0x1E080] =	vst v63  }
0x36: {  	_ =	swait.ge [sflag:s18], $0x2800  }
0x37: {  	[sflag:s18] =	ssyncset.done $0x0  }
0x38: {  	s20 =	sadd.s32 $0x4000, s20;
	[sflag:s18] =	ssyncadd.s32 $0xFFFFD800  }
0x39: {  	[spmem:s2] =	stream.indirect.scatter.add.f32 [tilespmem:s17], [sflag:$0x2], $0x80, s20, s16, $0xb8;
	[tilespmem:$0x1E080] =	vst v63  }
0x3a: {  	_ =	swait.ge [sflag:s11], $0x2800  }
0x3b: {  	[sflag:s11] =	ssyncset.done $0x0  }
0x3c: {  	[sflag:s11] =	ssyncadd.s32 $0xFFFFD800  }
0x3d: {  	[bflag:$0x0] =	sbarrier.arrive $0xFFFF  }
0x3e: {  	[hbm:s8], [sflag:s13] =	dma.local [spmem:s14], $0x2700  }
0x3f: {  	s19 =	sadd.s32 $0x1, s19;
	_ =	swait.ge [sflag:s11], $0x2700  }
0x40: {  	p1 =	sne.s32 s19, s10;
	[sflag:s11] =	ssyncset.done $0x0  }
.Ltmp1:
0x41: {  	s20 =	simm.s32 @!p0 $0x2;
	[sflag:s11] =	ssyncadd.s32 $0xFFFFD900;
	(pc) =	sbr.rel @p1 .LBB2_1-.Ltmp1, $4  }
0x42: {  	[hbm:s9], [sflag:s13] =	dma.local @!p0 [spmem:s15], $0x100  }
0x43: {  	_ =	swait.ge @!p0 [sflag:s20], $0x100  }
0x44: {  	[sflag:s20] =	ssyncset.done @!p0 $0x0  }
0x45: {  	[sflag:s20] =	ssyncadd.s32 @!p0 $0xFFFFFF00  }
0x46: {  	_ =	sfence.sel $0x180000  }
0x47: {  	[bflag:$0x0] =	sbarrier.arrive $0xFFFF  }
0x48: {  	_ =	strace $0x90000053  }
0x49: {  	s0 =	sadd.s32 @!p0 $0x100000, s0;
	[bflag:$0x2] =	sbarrier.arrive $0xFFFF  }
0x4a: {  	[sflag:s0] =	ssyncadd.tile.s32 @!p0 $0x1;
	_ =	shalt  }
.Lfunc_end2:
_tile_overlayer_lowered:
.L_overlay_start_2:
0x4b: {  	(tag) =	ssettag $0x2  }
0x4c: {  	s0 =	rddreg [dreg:$0x0];
	s2 =	stileid.u32  }
0x4d: {  	s1 =	rddreg [dreg:$0x1];
	p0 =	sne.s32 s2, $0x0  }
0x4e: {  	s3 =	rddreg [dreg:$0x2];
	[bflag:$0x3] =	sbarrier.arrive $0xFFFF;
	s2 =	simm.s32 @!p0 $0x1C02  }
0x4f: {  	[timem:s3], [sflag:s2] =	dma.local @!p0 [hbm:s0], s1  }
0x50: {  	s0 =	simm.s32 @!p0 $0x2  }
0x51: {  	_ =	swait.ge @!p0 [sflag:s0], s1  }
0x52: {  	s1 =	ssub.s32 @!p0 $0x0, s1;
	[sflag:s0] =	ssyncset.done @!p0 $0x0  }
0x53: {  	[sflag:s0] =	ssyncadd.s32 @!p0 s1  }
0x54: {  	[bflag:$0x3] =	sbarrier.arrive $0xFFFF  }
0x55: {  	_ =	shalt  }

</sc_bundles>
